<compile_context>
chip_gen: v7x
topology: tpu7x:2x2x1
jax: 0.10.2.dev20260603
libtpu: 0.0.44.dev20260713+nightly
codegen_flags: <defaults>
</compile_context>

<pallas_src>
import functools

import jax
import jax.numpy as jnp
from jax import lax
from jax.experimental import pallas as pl
from jax.experimental.pallas import tpu as pltpu
from jax.experimental.pallas import tpu_sc as plsc

N = 10000
F_IN = 128
HID = 64
NCLASS = 40
NCP = 48
E = 320000
NC, NS = 2, 16
NW = NC * NS
K = 128
NCH = 80
EPAD = NW * NCH * K
NPAD = 10240
RPT = NPAD // NS

f32 = jnp.float32


def _mesh():
    return plsc.VectorSubcoreMesh(
        core_axis_name="c", subcore_axis_name="s", num_cores=NC, num_subcores=NS
    )


def _deg_body(dst_ref, out_ref, idx_v, ones_v, zbuf, acc, ss0, ss1):
    c = lax.axis_index("c")
    s = lax.axis_index("s")
    wid = c * NS + s
    one16 = jnp.ones((16,), f32)
    zero16 = jnp.zeros((16,), f32)

    def fill_ones(i, _):
        ones_v[i, :] = one16
        return 0

    lax.fori_loop(0, K, fill_ones, 0)

    def fill_zero(i, _):
        zbuf[i, :] = zero16
        return 0

    lax.fori_loop(0, RPT, fill_zero, 0)
    pltpu.sync_copy(zbuf, acc.at[pl.ds(s * RPT, RPT)])
    pltpu.sync_copy(dst_ref.at[wid], idx_v)
    plsc.subcore_barrier()

    ssem = (ss0, ss1)

    def st(j, b):
        pltpu.async_copy(ones_v, acc.at[idx_v.at[j]], ssem[b], add=True)

    def ws(b):
        pltpu.make_async_copy(ones_v, acc.at[idx_v.at[0]], ssem[b]).wait()

    st(0, 0)

    def chunk(j2, _):
        j = 2 * j2 + 1
        st(j, 1)
        ws(0)
        st(j + 1, 0)
        ws(1)
        return 0

    lax.fori_loop(0, (NCH - 2) // 2, chunk, 0)
    st(NCH - 1, 1)
    ws(0)
    ws(1)
    plsc.subcore_barrier()
    pltpu.sync_copy(acc.at[pl.ds(s * RPT, RPT)], out_ref.at[c, pl.ds(s * RPT, RPT)])


def _deg_call(dst3):
    return pl.kernel(
        _deg_body,
        out_type=jax.ShapeDtypeStruct((NC, NPAD, 16), f32),
        mesh=_mesh(),
        compiler_params=pltpu.CompilerParams(use_tc_tiling_on_sc=False),
        scratch_types=[
            pltpu.VMEM((NCH, K), jnp.int32),
            pltpu.VMEM((K, 16), f32),
            pltpu.VMEM((RPT, 16), f32),
            pltpu.VMEM_SHARED((NPAD, 16), f32),
            pltpu.SemaphoreType.DMA,
            pltpu.SemaphoreType.DMA,
        ],
    )(dst3)


def _make_agg_body(D):
    def body(
        tbl_ref, src_ref, dst_ref, out_ref,
        src_v, dst_v, buf0, buf1, buf2, buf3, zbuf, acc,
        gs0, gs1, gs2, gs3, ss0, ss1, ss2, ss3,
    ):
        c = lax.axis_index("c")
        s = lax.axis_index("s")
        wid = c * NS + s
        bufs = (buf0, buf1, buf2, buf3)
        gsem = (gs0, gs1, gs2, gs3)
        ssem = (ss0, ss1, ss2, ss3)
        zero16 = jnp.zeros((16,), f32)

        def fill_zero(i, _):
            for l in range(D // 16):
                zbuf[i, pl.ds(l * 16, 16)] = zero16
            return 0

        lax.fori_loop(0, K, fill_zero, 0)
        for t in range(RPT // K):
            pltpu.sync_copy(zbuf, acc.at[pl.ds(s * RPT + t * K, K)])
        pltpu.sync_copy(src_ref.at[wid], src_v)
        pltpu.sync_copy(dst_ref.at[wid], dst_v)
        plsc.subcore_barrier()

        def sg(j, b):
            pltpu.async_copy(tbl_ref.at[src_v.at[j]], bufs[b], gsem[b])

        def wg(b):
            pltpu.make_async_copy(tbl_ref.at[src_v.at[0]], bufs[b], gsem[b]).wait()

        def st(j, b):
            pltpu.async_copy(bufs[b], acc.at[dst_v.at[j]], ssem[b], add=True)

        def ws(b):
            pltpu.make_async_copy(bufs[b], acc.at[dst_v.at[0]], ssem[b]).wait()

        sg(0, 0)
        sg(1, 1)
        wg(0)
        st(0, 0)
        sg(2, 2)
        wg(1)
        st(1, 1)
        sg(3, 3)

        def step(j, b):
            wg(b)
            st(j, b)
            bn = (b + 2) % 4
            ws(bn)
            sg(j + 2, bn)

        def main4(j4, _):
            base = 2 + 4 * j4
            step(base + 0, 2)
            step(base + 1, 3)
            step(base + 2, 0)
            step(base + 3, 1)
            return 0

        lax.fori_loop(0, (NCH - 4) // 4, main4, 0)
        wg(2)
        st(NCH - 2, 2)
        wg(3)
        st(NCH - 1, 3)
        ws(0)
        ws(1)
        ws(2)
        ws(3)
        plsc.subcore_barrier()
        pltpu.sync_copy(
            acc.at[pl.ds(s * RPT, RPT)], out_ref.at[c, pl.ds(s * RPT, RPT)]
        )

    return body


def _agg_call(table, src3, dst3, D):
    return pl.kernel(
        _make_agg_body(D),
        out_type=jax.ShapeDtypeStruct((NC, NPAD, D), f32),
        mesh=_mesh(),
        compiler_params=pltpu.CompilerParams(use_tc_tiling_on_sc=False),
        scratch_types=[
            pltpu.VMEM((NCH, K), jnp.int32),
            pltpu.VMEM((NCH, K), jnp.int32),
            pltpu.VMEM((K, D), f32),
            pltpu.VMEM((K, D), f32),
            pltpu.VMEM((K, D), f32),
            pltpu.VMEM((K, D), f32),
            pltpu.VMEM((K, D), f32),
            pltpu.VMEM_SHARED((NPAD, D), f32),
            pltpu.SemaphoreType.DMA,
            pltpu.SemaphoreType.DMA,
            pltpu.SemaphoreType.DMA,
            pltpu.SemaphoreType.DMA,
            pltpu.SemaphoreType.DMA,
            pltpu.SemaphoreType.DMA,
            pltpu.SemaphoreType.DMA,
            pltpu.SemaphoreType.DMA,
        ],
    )(table, src3, dst3)


def _tc1(x, W1, degparts):
    def body(x_ref, w_ref, dp_ref, h_ref, dinv_ref):
        dp = dp_ref[...]
        deg = dp[0, :N, 0:1] + dp[1, :N, 0:1] + 1.0
        dinv = lax.rsqrt(deg)
        h = jnp.dot(x_ref[...], w_ref[...], preferred_element_type=f32)
        h_ref[...] = h * dinv
        dinv_ref[...] = dinv

    return pl.pallas_call(
        body,
        out_shape=(
            jax.ShapeDtypeStruct((N, HID), f32),
            jax.ShapeDtypeStruct((N, 1), f32),
        ),
    )(x, W1, degparts)


def _tc2(h1s, agg, dinv, b1, W2p):
    def body(h_ref, a_ref, d_ref, b_ref, w_ref, o_ref):
        a = a_ref[...]
        dinv = d_ref[...]
        out1 = jnp.maximum(dinv * (a[0, :N] + a[1, :N] + h_ref[...]) + b_ref[...], 0.0)
        h2 = jnp.dot(out1, w_ref[...], preferred_element_type=f32)
        o_ref[...] = h2 * dinv

    return pl.pallas_call(body, out_shape=jax.ShapeDtypeStruct((N, NCP), f32))(
        h1s, agg, dinv, b1, W2p
    )


def _tc3(h2s, agg, dinv, b2):
    def body(h_ref, a_ref, d_ref, b_ref, o_ref):
        a = a_ref[...]
        logits = d_ref[...] * (a[0, :N] + a[1, :N] + h_ref[...])
        l = logits[:, :NCLASS] + b_ref[...]
        m = jnp.max(l, axis=-1, keepdims=True)
        e = jnp.exp(l - m)
        o_ref[...] = e / jnp.sum(e, axis=-1, keepdims=True)

    return pl.pallas_call(body, out_shape=jax.ShapeDtypeStruct((N, NCLASS), f32))(
        h2s, agg, dinv, b2
    )


@jax.jit
def kernel(x, edge_index, W1, b1, W2, b2):
    ppw = NCH * K - E // NW
    src_w = edge_index[0].reshape(NW, E // NW)
    dst_w = edge_index[1].reshape(NW, E // NW)
    pad_dst = jnp.broadcast_to(
        N + jnp.arange(ppw, dtype=jnp.int32) % (NPAD - N), (NW, ppw)
    )
    pad_src = jnp.broadcast_to(
        jnp.arange(ppw, dtype=jnp.int32) * 37 % N, (NW, ppw)
    )
    src3 = jnp.concatenate([src_w, pad_src], axis=1).reshape(NW, NCH, K)
    dst3 = jnp.concatenate([dst_w, pad_dst], axis=1).reshape(NW, NCH, K)
    degparts = _deg_call(dst3)
    h1s, dinv = _tc1(x, W1, degparts)
    agg1 = _agg_call(h1s, src3, dst3, HID)
    W2p = jnp.pad(W2, ((0, 0), (0, NCP - NCLASS)))
    h2s = _tc2(h1s, agg1, dinv, b1.reshape(1, HID), W2p)
    agg2 = _agg_call(h2s, src3, dst3, NCP)
    return _tc3(h2s, agg2, dinv, b2.reshape(1, NCLASS))

# --- scband reference (transcript-rebuilt; emitter-appended) ---
"""Pipeline reference for scband-gcn-33337536151790 (READ-ONLY COPY).

The authoritative reference and input builder live on the scoring server;
editing this copy changes nothing except your own understanding.
"""

import jax, jax.numpy as jnp
import numpy as np

N = 10000
E = 320000
F_IN = 128
HID = 64
NCLASS = 40


def setup_inputs(seed: int = 0) -> dict:
    key = jax.random.key(seed)
    k1, k2, k3, k4, k5, k6 = jax.random.split(key, 6)
    x = jax.random.normal(k1, (N, F_IN), dtype=jnp.float32)
    edge_index = jax.random.randint(k2, (2, E), 0, N, dtype=jnp.int32)
    # GCNConv parameters (glorot-ish init for weights, zeros for bias)
    W1 = jax.random.normal(k3, (F_IN, HID), dtype=jnp.float32) * (1.0 / np.sqrt(F_IN))
    b1 = jnp.zeros((HID,), dtype=jnp.float32)
    W2 = jax.random.normal(k4, (HID, NCLASS), dtype=jnp.float32) * (1.0 / np.sqrt(HID))
    b2 = jnp.zeros((NCLASS,), dtype=jnp.float32)
    return {"x": x, "edge_index": edge_index, "W1": W1, "b1": b1, "W2": W2, "b2": b2}


def _gcn_conv(x, src, dst, norm, W, b, num_nodes):
    # GCNConv: x' = D^{-1/2} (A + I) D^{-1/2} X W + b
    h = x @ W
    msg = h[src] * norm[:, None]
    out = jnp.zeros((num_nodes, h.shape[1]), dtype=h.dtype).at[dst].add(msg)
    return out + b


def reference(x, edge_index, W1, b1, W2, b2):
    src = edge_index[0]
    dst = edge_index[1]
    # add self-loops (PyG GCNConv default)
    loop = jnp.arange(N, dtype=src.dtype)
    src_sl = jnp.concatenate([src, loop])
    dst_sl = jnp.concatenate([dst, loop])
    # symmetric normalization: deg from dst (col) including self-loops
    deg = jnp.zeros((N,), dtype=x.dtype).at[dst_sl].add(1.0)
    deg_inv_sqrt = jax.lax.rsqrt(deg)
    norm = deg_inv_sqrt[src_sl] * deg_inv_sqrt[dst_sl]
    h = _gcn_conv(x, src_sl, dst_sl, norm, W1, b1, N)
    h = jax.nn.relu(h)
    h = _gcn_conv(h, src_sl, dst_sl, norm, W2, b2, N)
    return jax.nn.softmax(h, axis=-1)

if __name__ == "__main__":
    import jax
    _d = setup_inputs()
    print(jax.jit(kernel)(*tuple(_d.values())))

</pallas_src>

<mosaic_0001>
#map = affine_map<(d0, d1) -> (0, 0)>
#map1 = affine_map<(d0, d1) -> (0, 0, 0)>
module attributes {stable_mosaic.version = 14 : i64} {
  func.func @body(%arg0: i32, %arg1: i32, %arg2: memref<10000x64xf32, #tpu.memory_space<hbm>>, %arg3: memref<32x80x128xi32, #tpu.memory_space<hbm>>, %arg4: memref<32x80x128xi32, #tpu.memory_space<hbm>>, %arg5: memref<2x10240x64xf32, #tpu.memory_space<hbm>>, %arg6: memref<80x128xi32, #tpu.memory_space<vmem>>, %arg7: memref<80x128xi32, #tpu.memory_space<vmem>>, %arg8: memref<128x64xf32, #tpu.memory_space<vmem>>, %arg9: memref<128x64xf32, #tpu.memory_space<vmem>>, %arg10: memref<128x64xf32, #tpu.memory_space<vmem>>, %arg11: memref<128x64xf32, #tpu.memory_space<vmem>>, %arg12: memref<128x64xf32, #tpu.memory_space<vmem>>, %arg13: memref<10240x64xf32, #tpu.memory_space<vmem_shared>>, %arg14: memref<!tpu.dma_semaphore, #tpu.memory_space<semaphore_mem>>, %arg15: memref<!tpu.dma_semaphore, #tpu.memory_space<semaphore_mem>>, %arg16: memref<!tpu.dma_semaphore, #tpu.memory_space<semaphore_mem>>, %arg17: memref<!tpu.dma_semaphore, #tpu.memory_space<semaphore_mem>>, %arg18: memref<!tpu.dma_semaphore, #tpu.memory_space<semaphore_mem>>, %arg19: memref<!tpu.dma_semaphore, #tpu.memory_space<semaphore_mem>>, %arg20: memref<!tpu.dma_semaphore, #tpu.memory_space<semaphore_mem>>, %arg21: memref<!tpu.dma_semaphore, #tpu.memory_space<semaphore_mem>>) attributes {dimension_semantics = [#tpu.dimension_semantics<core_parallel>, #tpu.dimension_semantics<subcore_parallel>], iteration_bounds = array<i64: 2, 16>, scalar_prefetch = 0 : i64, scratch_operands = 16 : i64, tpu.core_type = #tpu.core_type<sc_vector_subcore>, window_params = [{transform_indices = #map}, {transform_indices = #map1}, {transform_indices = #map1}, {transform_indices = #map1}]} {
    %mul3A = arith.constant 16 : i32
    %mul3A_0 = arith.muli %arg0, %mul3A : i32
    %add3A = arith.addi %mul3A_0, %arg1 : i32
    %broadcast_in_dim3A = arith.constant 0.000000e+00 : f32
    %broadcast_in_dim3A_1 = vector.broadcast %broadcast_in_dim3A : f32 to vector<16xf32>
    %scan3A = arith.constant 0 : i32
    %scan3A_2 = arith.constant 0 : i32
    %scan3A_3 = arith.constant 128 : i32
    %scan3A_4 = arith.addi %scan3A_2, %scan3A_3 : i32
    %scan3A_5 = arith.constant 1 : i32
    %scan3A_6 = scf.for %scan3A_150 = %scan3A_2 to %scan3A_4 step %scan3A_5 iter_args(%scan3A_151 = %scan3A) -> (i32)  : i32 {
      %swap3A = arith.index_cast %scan3A_150 : i32 to index
      %swap3A_152 = arith.constant 0 : index
      %swap3A_153 = tpu.vector_load %arg12[%swap3A, %swap3A_152] {strides = array<i32>} : memref<128x64xf32, #tpu.memory_space<vmem>>, vector<1x16xf32>,
      %swap3A_154 = vector.shape_cast %swap3A_153 : vector<1x16xf32> to vector<16xf32>
      %swap3A_155 = vector.shape_cast %broadcast_in_dim3A_1 : vector<16xf32> to vector<1x16xf32>
      tpu.vector_store %arg12[%swap3A, %swap3A_152], %swap3A_155 {strides = array<i32>} : memref<128x64xf32, #tpu.memory_space<vmem>>, vector<1x16xf32>,
      %swap3A_156 = arith.index_cast %scan3A_150 : i32 to index
      %swap3A_157 = arith.constant 16 : index
      %swap3A_158 = tpu.vector_load %arg12[%swap3A_156, %swap3A_157] {strides = array<i32>} : memref<128x64xf32, #tpu.memory_space<vmem>>, vector<1x16xf32>,
      %swap3A_159 = vector.shape_cast %swap3A_158 : vector<1x16xf32> to vector<16xf32>
      %swap3A_160 = vector.shape_cast %broadcast_in_dim3A_1 : vector<16xf32> to vector<1x16xf32>
      tpu.vector_store %arg12[%swap3A_156, %swap3A_157], %swap3A_160 {strides = array<i32>} : memref<128x64xf32, #tpu.memory_space<vmem>>, vector<1x16xf32>,
      %swap3A_161 = arith.index_cast %scan3A_150 : i32 to index
      %swap3A_162 = arith.constant 32 : index
      %swap3A_163 = tpu.vector_load %arg12[%swap3A_161, %swap3A_162] {strides = array<i32>} : memref<128x64xf32, #tpu.memory_space<vmem>>, vector<1x16xf32>,
      %swap3A_164 = vector.shape_cast %swap3A_163 : vector<1x16xf32> to vector<16xf32>
      %swap3A_165 = vector.shape_cast %broadcast_in_dim3A_1 : vector<16xf32> to vector<1x16xf32>
      tpu.vector_store %arg12[%swap3A_161, %swap3A_162], %swap3A_165 {strides = array<i32>} : memref<128x64xf32, #tpu.memory_space<vmem>>, vector<1x16xf32>,
      %swap3A_166 = arith.index_cast %scan3A_150 : i32 to index
      %swap3A_167 = arith.constant 48 : index
      %swap3A_168 = tpu.vector_load %arg12[%swap3A_166, %swap3A_167] {strides = array<i32>} : memref<128x64xf32, #tpu.memory_space<vmem>>, vector<1x16xf32>,
      %swap3A_169 = vector.shape_cast %swap3A_168 : vector<1x16xf32> to vector<16xf32>
      %swap3A_170 = vector.shape_cast %broadcast_in_dim3A_1 : vector<16xf32> to vector<1x16xf32>
      tpu.vector_store %arg12[%swap3A_166, %swap3A_167], %swap3A_170 {strides = array<i32>} : memref<128x64xf32, #tpu.memory_space<vmem>>, vector<1x16xf32>,
      %scan3A_171 = arith.constant 0 : i32
      scf.yield %scan3A_171 : i32
    }
    %scan3A_7 = arith.constant 128 : i32
    %mul3A_8 = arith.constant 640 : i32
    %mul3A_9 = arith.muli %arg1, %mul3A_8 : i32
    %add3A_10 = arith.constant 0 : i32
    %add3A_11 = arith.addi %mul3A_9, %add3A_10 : i32
    "tpu.region"() ({
      %run_scoped3A = tpu.sem_alloc : memref<!tpu.dma_semaphore, #tpu.memory_space<semaphore_mem>>
      %dma_start3A_150 = arith.constant 0 : i32
      %dma_start3A_151 = tpu.memref_slice %arg13[%add3A_11, %dma_start3A_150] : memref<10240x64xf32, #tpu.memory_space<vmem_shared>> -> memref<128x64xf32, #tpu.memory_space<vmem_shared>>
      %dma_start3A_152 = arith.constant 0 : i32
      %dma_start3A_153 = tpu.memref_slice %arg13[%add3A_11, %dma_start3A_152] : memref<10240x64xf32, #tpu.memory_space<vmem_shared>> -> memref<128x64xf32, #tpu.memory_space<vmem_shared>>
      tpu.enqueue_dma source(%arg12 : memref<128x64xf32, #tpu.memory_space<vmem>>) target(%dma_start3A_153 : memref<128x64xf32, #tpu.memory_space<vmem_shared>>) target_semaphore(%run_scoped3A : memref<!tpu.dma_semaphore, #tpu.memory_space<semaphore_mem>>)
      %dma_wait3A_154 = arith.constant 0 : i32
      %dma_wait3A_155 = tpu.memref_slice %arg13[%add3A_11, %dma_wait3A_154] : memref<10240x64xf32, #tpu.memory_space<vmem_shared>> -> memref<128x64xf32, #tpu.memory_space<vmem_shared>>
      %dma_wait3A_156 = arith.constant 0 : i32
      %dma_wait3A_157 = tpu.memref_slice %arg13[%add3A_11, %dma_wait3A_156] : memref<10240x64xf32, #tpu.memory_space<vmem_shared>> -> memref<128x64xf32, #tpu.memory_space<vmem_shared>>
      tpu.wait_dma2 semaphore(%run_scoped3A : memref<!tpu.dma_semaphore, #tpu.memory_space<semaphore_mem>>) src(%arg12 : memref<128x64xf32, #tpu.memory_space<vmem>>) dst(%dma_wait3A_157 : memref<128x64xf32, #tpu.memory_space<vmem_shared>>)
      tpu.yield
    }) : () -> ()
    %mul3A_12 = arith.constant 640 : i32
    %mul3A_13 = arith.muli %arg1, %mul3A_12 : i32
    %add3A_14 = arith.constant 128 : i32
    %add3A_15 = arith.addi %mul3A_13, %add3A_14 : i32
    "tpu.region"() ({
      %run_scoped3A = tpu.sem_alloc : memref<!tpu.dma_semaphore, #tpu.memory_space<semaphore_mem>>
      %dma_start3A_150 = arith.constant 0 : i32
      %dma_start3A_151 = tpu.memref_slice %arg13[%add3A_15, %dma_start3A_150] : memref<10240x64xf32, #tpu.memory_space<vmem_shared>> -> memref<128x64xf32, #tpu.memory_space<vmem_shared>>
      %dma_start3A_152 = arith.constant 0 : i32
      %dma_start3A_153 = tpu.memref_slice %arg13[%add3A_15, %dma_start3A_152] : memref<10240x64xf32, #tpu.memory_space<vmem_shared>> -> memref<128x64xf32, #tpu.memory_space<vmem_shared>>
      tpu.enqueue_dma source(%arg12 : memref<128x64xf32, #tpu.memory_space<vmem>>) target(%dma_start3A_153 : memref<128x64xf32, #tpu.memory_space<vmem_shared>>) target_semaphore(%run_scoped3A : memref<!tpu.dma_semaphore, #tpu.memory_space<semaphore_mem>>)
      %dma_wait3A_154 = arith.constant 0 : i32
      %dma_wait3A_155 = tpu.memref_slice %arg13[%add3A_15, %dma_wait3A_154] : memref<10240x64xf32, #tpu.memory_space<vmem_shared>> -> memref<128x64xf32, #tpu.memory_space<vmem_shared>>
      %dma_wait3A_156 = arith.constant 0 : i32
      %dma_wait3A_157 = tpu.memref_slice %arg13[%add3A_15, %dma_wait3A_156] : memref<10240x64xf32, #tpu.memory_space<vmem_shared>> -> memref<128x64xf32, #tpu.memory_space<vmem_shared>>
      tpu.wait_dma2 semaphore(%run_scoped3A : memref<!tpu.dma_semaphore, #tpu.memory_space<semaphore_mem>>) src(%arg12 : memref<128x64xf32, #tpu.memory_space<vmem>>) dst(%dma_wait3A_157 : memref<128x64xf32, #tpu.memory_space<vmem_shared>>)
      tpu.yield
    }) : () -> ()
    %mul3A_16 = arith.constant 640 : i32
    %mul3A_17 = arith.muli %arg1, %mul3A_16 : i32
    %add3A_18 = arith.constant 256 : i32
    %add3A_19 = arith.addi %mul3A_17, %add3A_18 : i32
    "tpu.region"() ({
      %run_scoped3A = tpu.sem_alloc : memref<!tpu.dma_semaphore, #tpu.memory_space<semaphore_mem>>
      %dma_start3A_150 = arith.constant 0 : i32
      %dma_start3A_151 = tpu.memref_slice %arg13[%add3A_19, %dma_start3A_150] : memref<10240x64xf32, #tpu.memory_space<vmem_shared>> -> memref<128x64xf32, #tpu.memory_space<vmem_shared>>
      %dma_start3A_152 = arith.constant 0 : i32
      %dma_start3A_153 = tpu.memref_slice %arg13[%add3A_19, %dma_start3A_152] : memref<10240x64xf32, #tpu.memory_space<vmem_shared>> -> memref<128x64xf32, #tpu.memory_space<vmem_shared>>
      tpu.enqueue_dma source(%arg12 : memref<128x64xf32, #tpu.memory_space<vmem>>) target(%dma_start3A_153 : memref<128x64xf32, #tpu.memory_space<vmem_shared>>) target_semaphore(%run_scoped3A : memref<!tpu.dma_semaphore, #tpu.memory_space<semaphore_mem>>)
      %dma_wait3A_154 = arith.constant 0 : i32
      %dma_wait3A_155 = tpu.memref_slice %arg13[%add3A_19, %dma_wait3A_154] : memref<10240x64xf32, #tpu.memory_space<vmem_shared>> -> memref<128x64xf32, #tpu.memory_space<vmem_shared>>
      %dma_wait3A_156 = arith.constant 0 : i32
      %dma_wait3A_157 = tpu.memref_slice %arg13[%add3A_19, %dma_wait3A_156] : memref<10240x64xf32, #tpu.memory_space<vmem_shared>> -> memref<128x64xf32, #tpu.memory_space<vmem_shared>>
      tpu.wait_dma2 semaphore(%run_scoped3A : memref<!tpu.dma_semaphore, #tpu.memory_space<semaphore_mem>>) src(%arg12 : memref<128x64xf32, #tpu.memory_space<vmem>>) dst(%dma_wait3A_157 : memref<128x64xf32, #tpu.memory_space<vmem_shared>>)
      tpu.yield
    }) : () -> ()
    %mul3A_20 = arith.constant 640 : i32
    %mul3A_21 = arith.muli %arg1, %mul3A_20 : i32
    %add3A_22 = arith.constant 384 : i32
    %add3A_23 = arith.addi %mul3A_21, %add3A_22 : i32
    "tpu.region"() ({
      %run_scoped3A = tpu.sem_alloc : memref<!tpu.dma_semaphore, #tpu.memory_space<semaphore_mem>>
      %dma_start3A_150 = arith.constant 0 : i32
      %dma_start3A_151 = tpu.memref_slice %arg13[%add3A_23, %dma_start3A_150] : memref<10240x64xf32, #tpu.memory_space<vmem_shared>> -> memref<128x64xf32, #tpu.memory_space<vmem_shared>>
      %dma_start3A_152 = arith.constant 0 : i32
      %dma_start3A_153 = tpu.memref_slice %arg13[%add3A_23, %dma_start3A_152] : memref<10240x64xf32, #tpu.memory_space<vmem_shared>> -> memref<128x64xf32, #tpu.memory_space<vmem_shared>>
      tpu.enqueue_dma source(%arg12 : memref<128x64xf32, #tpu.memory_space<vmem>>) target(%dma_start3A_153 : memref<128x64xf32, #tpu.memory_space<vmem_shared>>) target_semaphore(%run_scoped3A : memref<!tpu.dma_semaphore, #tpu.memory_space<semaphore_mem>>)
      %dma_wait3A_154 = arith.constant 0 : i32
      %dma_wait3A_155 = tpu.memref_slice %arg13[%add3A_23, %dma_wait3A_154] : memref<10240x64xf32, #tpu.memory_space<vmem_shared>> -> memref<128x64xf32, #tpu.memory_space<vmem_shared>>
      %dma_wait3A_156 = arith.constant 0 : i32
      %dma_wait3A_157 = tpu.memref_slice %arg13[%add3A_23, %dma_wait3A_156] : memref<10240x64xf32, #tpu.memory_space<vmem_shared>> -> memref<128x64xf32, #tpu.memory_space<vmem_shared>>
      tpu.wait_dma2 semaphore(%run_scoped3A : memref<!tpu.dma_semaphore, #tpu.memory_space<semaphore_mem>>) src(%arg12 : memref<128x64xf32, #tpu.memory_space<vmem>>) dst(%dma_wait3A_157 : memref<128x64xf32, #tpu.memory_space<vmem_shared>>)
      tpu.yield
    }) : () -> ()
    %mul3A_24 = arith.constant 640 : i32
    %mul3A_25 = arith.muli %arg1, %mul3A_24 : i32
    %add3A_26 = arith.constant 512 : i32
    %add3A_27 = arith.addi %mul3A_25, %add3A_26 : i32
    "tpu.region"() ({
      %run_scoped3A = tpu.sem_alloc : memref<!tpu.dma_semaphore, #tpu.memory_space<semaphore_mem>>
      %dma_start3A_150 = arith.constant 0 : i32
      %dma_start3A_151 = tpu.memref_slice %arg13[%add3A_27, %dma_start3A_150] : memref<10240x64xf32, #tpu.memory_space<vmem_shared>> -> memref<128x64xf32, #tpu.memory_space<vmem_shared>>
      %dma_start3A_152 = arith.constant 0 : i32
      %dma_start3A_153 = tpu.memref_slice %arg13[%add3A_27, %dma_start3A_152] : memref<10240x64xf32, #tpu.memory_space<vmem_shared>> -> memref<128x64xf32, #tpu.memory_space<vmem_shared>>
      tpu.enqueue_dma source(%arg12 : memref<128x64xf32, #tpu.memory_space<vmem>>) target(%dma_start3A_153 : memref<128x64xf32, #tpu.memory_space<vmem_shared>>) target_semaphore(%run_scoped3A : memref<!tpu.dma_semaphore, #tpu.memory_space<semaphore_mem>>)
      %dma_wait3A_154 = arith.constant 0 : i32
      %dma_wait3A_155 = tpu.memref_slice %arg13[%add3A_27, %dma_wait3A_154] : memref<10240x64xf32, #tpu.memory_space<vmem_shared>> -> memref<128x64xf32, #tpu.memory_space<vmem_shared>>
      %dma_wait3A_156 = arith.constant 0 : i32
      %dma_wait3A_157 = tpu.memref_slice %arg13[%add3A_27, %dma_wait3A_156] : memref<10240x64xf32, #tpu.memory_space<vmem_shared>> -> memref<128x64xf32, #tpu.memory_space<vmem_shared>>
      tpu.wait_dma2 semaphore(%run_scoped3A : memref<!tpu.dma_semaphore, #tpu.memory_space<semaphore_mem>>) src(%arg12 : memref<128x64xf32, #tpu.memory_space<vmem>>) dst(%dma_wait3A_157 : memref<128x64xf32, #tpu.memory_space<vmem_shared>>)
      tpu.yield
    }) : () -> ()
    "tpu.region"() ({
      %run_scoped3A = tpu.sem_alloc : memref<!tpu.dma_semaphore, #tpu.memory_space<semaphore_mem>>
      %dma_start3A_150 = arith.constant 0 : i32
      %dma_start3A_151 = arith.constant 0 : i32
      %dma_start3A_152 = tpu.memref_slice %arg3[%add3A, %dma_start3A_150, %dma_start3A_151] : memref<32x80x128xi32, #tpu.memory_space<hbm>> -> memref<1x80x128xi32, #tpu.memory_space<hbm>>
      %dma_start3A_153 = tpu.memref_squeeze %dma_start3A_152 : memref<1x80x128xi32, #tpu.memory_space<hbm>> -> memref<80x128xi32, #tpu.memory_space<hbm>>
      %dma_start3A_154 = arith.constant 0 : i32
      %dma_start3A_155 = arith.constant 0 : i32
      %dma_start3A_156 = tpu.memref_slice %arg3[%add3A, %dma_start3A_154, %dma_start3A_155] : memref<32x80x128xi32, #tpu.memory_space<hbm>> -> memref<1x80x128xi32, #tpu.memory_space<hbm>>
      %dma_start3A_157 = tpu.memref_squeeze %dma_start3A_156 : memref<1x80x128xi32, #tpu.memory_space<hbm>> -> memref<80x128xi32, #tpu.memory_space<hbm>>
      tpu.enqueue_dma source(%dma_start3A_157 : memref<80x128xi32, #tpu.memory_space<hbm>>) target(%arg6 : memref<80x128xi32, #tpu.memory_space<vmem>>) target_semaphore(%run_scoped3A : memref<!tpu.dma_semaphore, #tpu.memory_space<semaphore_mem>>)
      %dma_wait3A_158 = arith.constant 0 : i32
      %dma_wait3A_159 = arith.constant 0 : i32
      %dma_wait3A_160 = tpu.memref_slice %arg3[%add3A, %dma_wait3A_158, %dma_wait3A_159] : memref<32x80x128xi32, #tpu.memory_space<hbm>> -> memref<1x80x128xi32, #tpu.memory_space<hbm>>
      %dma_wait3A_161 = tpu.memref_squeeze %dma_wait3A_160 : memref<1x80x128xi32, #tpu.memory_space<hbm>> -> memref<80x128xi32, #tpu.memory_space<hbm>>
      %dma_wait3A_162 = arith.constant 0 : i32
      %dma_wait3A_163 = arith.constant 0 : i32
      %dma_wait3A_164 = tpu.memref_slice %arg3[%add3A, %dma_wait3A_162, %dma_wait3A_163] : memref<32x80x128xi32, #tpu.memory_space<hbm>> -> memref<1x80x128xi32, #tpu.memory_space<hbm>>
      %dma_wait3A_165 = tpu.memref_squeeze %dma_wait3A_164 : memref<1x80x128xi32, #tpu.memory_space<hbm>> -> memref<80x128xi32, #tpu.memory_space<hbm>>
      tpu.wait_dma2 semaphore(%run_scoped3A : memref<!tpu.dma_semaphore, #tpu.memory_space<semaphore_mem>>) src(%dma_wait3A_165 : memref<80x128xi32, #tpu.memory_space<hbm>>) dst(%arg6 : memref<80x128xi32, #tpu.memory_space<vmem>>)
      tpu.yield
    }) : () -> ()
    "tpu.region"() ({
      %run_scoped3A = tpu.sem_alloc : memref<!tpu.dma_semaphore, #tpu.memory_space<semaphore_mem>>
      %dma_start3A_150 = arith.constant 0 : i32
      %dma_start3A_151 = arith.constant 0 : i32
      %dma_start3A_152 = tpu.memref_slice %arg4[%add3A, %dma_start3A_150, %dma_start3A_151] : memref<32x80x128xi32, #tpu.memory_space<hbm>> -> memref<1x80x128xi32, #tpu.memory_space<hbm>>
      %dma_start3A_153 = tpu.memref_squeeze %dma_start3A_152 : memref<1x80x128xi32, #tpu.memory_space<hbm>> -> memref<80x128xi32, #tpu.memory_space<hbm>>
      %dma_start3A_154 = arith.constant 0 : i32
      %dma_start3A_155 = arith.constant 0 : i32
      %dma_start3A_156 = tpu.memref_slice %arg4[%add3A, %dma_start3A_154, %dma_start3A_155] : memref<32x80x128xi32, #tpu.memory_space<hbm>> -> memref<1x80x128xi32, #tpu.memory_space<hbm>>
      %dma_start3A_157 = tpu.memref_squeeze %dma_start3A_156 : memref<1x80x128xi32, #tpu.memory_space<hbm>> -> memref<80x128xi32, #tpu.memory_space<hbm>>
      tpu.enqueue_dma source(%dma_start3A_157 : memref<80x128xi32, #tpu.memory_space<hbm>>) target(%arg7 : memref<80x128xi32, #tpu.memory_space<vmem>>) target_semaphore(%run_scoped3A : memref<!tpu.dma_semaphore, #tpu.memory_space<semaphore_mem>>)
      %dma_wait3A_158 = arith.constant 0 : i32
      %dma_wait3A_159 = arith.constant 0 : i32
      %dma_wait3A_160 = tpu.memref_slice %arg4[%add3A, %dma_wait3A_158, %dma_wait3A_159] : memref<32x80x128xi32, #tpu.memory_space<hbm>> -> memref<1x80x128xi32, #tpu.memory_space<hbm>>
      %dma_wait3A_161 = tpu.memref_squeeze %dma_wait3A_160 : memref<1x80x128xi32, #tpu.memory_space<hbm>> -> memref<80x128xi32, #tpu.memory_space<hbm>>
      %dma_wait3A_162 = arith.constant 0 : i32
      %dma_wait3A_163 = arith.constant 0 : i32
      %dma_wait3A_164 = tpu.memref_slice %arg4[%add3A, %dma_wait3A_162, %dma_wait3A_163] : memref<32x80x128xi32, #tpu.memory_space<hbm>> -> memref<1x80x128xi32, #tpu.memory_space<hbm>>
      %dma_wait3A_165 = tpu.memref_squeeze %dma_wait3A_164 : memref<1x80x128xi32, #tpu.memory_space<hbm>> -> memref<80x128xi32, #tpu.memory_space<hbm>>
      tpu.wait_dma2 semaphore(%run_scoped3A : memref<!tpu.dma_semaphore, #tpu.memory_space<semaphore_mem>>) src(%dma_wait3A_165 : memref<80x128xi32, #tpu.memory_space<hbm>>) dst(%arg7 : memref<80x128xi32, #tpu.memory_space<vmem>>)
      tpu.yield
    }) : () -> ()
    %barrier3A = arith.constant 0 : index
    tpu.barrier barrier_id(%barrier3A)
    %dma_start3A = arith.constant 0 : i32
    %dma_start3A_28 = arith.constant 0 : i32
    %dma_start3A_29 = tpu.memref_slice %arg6[%dma_start3A, %dma_start3A_28] : memref<80x128xi32, #tpu.memory_space<vmem>> -> memref<1x128xi32, #tpu.memory_space<vmem>>
    %dma_start3A_30 = tpu.memref_squeeze %dma_start3A_29 : memref<1x128xi32, #tpu.memory_space<vmem>> -> memref<128xi32, #tpu.memory_space<vmem>>
    %dma_start3A_31 = arith.constant 0 : i32
    %dma_start3A_32 = arith.constant 0 : i32
    %dma_start3A_33 = tpu.memref_slice %arg2[%dma_start3A_31, %dma_start3A_32] : memref<10000x64xf32, #tpu.memory_space<hbm>> -> memref<10000x64xf32, #tpu.memory_space<hbm>>
    tpu.enqueue_indirect_dma source(%dma_start3A_33 : memref<10000x64xf32, #tpu.memory_space<hbm>>) target(%arg8 : memref<128x64xf32, #tpu.memory_space<vmem>>) offsets(%dma_start3A_30 : memref<128xi32, #tpu.memory_space<vmem>>) semaphore(%arg14 : memref<!tpu.dma_semaphore, #tpu.memory_space<semaphore_mem>>)
    %dma_start3A_34 = arith.constant 1 : i32
    %dma_start3A_35 = arith.constant 0 : i32
    %dma_start3A_36 = tpu.memref_slice %arg6[%dma_start3A_34, %dma_start3A_35] : memref<80x128xi32, #tpu.memory_space<vmem>> -> memref<1x128xi32, #tpu.memory_space<vmem>>
    %dma_start3A_37 = tpu.memref_squeeze %dma_start3A_36 : memref<1x128xi32, #tpu.memory_space<vmem>> -> memref<128xi32, #tpu.memory_space<vmem>>
    %dma_start3A_38 = arith.constant 0 : i32
    %dma_start3A_39 = arith.constant 0 : i32
    %dma_start3A_40 = tpu.memref_slice %arg2[%dma_start3A_38, %dma_start3A_39] : memref<10000x64xf32, #tpu.memory_space<hbm>> -> memref<10000x64xf32, #tpu.memory_space<hbm>>
    tpu.enqueue_indirect_dma source(%dma_start3A_40 : memref<10000x64xf32, #tpu.memory_space<hbm>>) target(%arg9 : memref<128x64xf32, #tpu.memory_space<vmem>>) offsets(%dma_start3A_37 : memref<128xi32, #tpu.memory_space<vmem>>) semaphore(%arg15 : memref<!tpu.dma_semaphore, #tpu.memory_space<semaphore_mem>>)
    %dma_wait3A = arith.constant 0 : i32
    %dma_wait3A_41 = arith.constant 0 : i32
    %dma_wait3A_42 = tpu.memref_slice %arg6[%dma_wait3A, %dma_wait3A_41] : memref<80x128xi32, #tpu.memory_space<vmem>> -> memref<1x128xi32, #tpu.memory_space<vmem>>
    %dma_wait3A_43 = tpu.memref_squeeze %dma_wait3A_42 : memref<1x128xi32, #tpu.memory_space<vmem>> -> memref<128xi32, #tpu.memory_space<vmem>>
    %dma_wait3A_44 = arith.constant 0 : i32
    %dma_wait3A_45 = arith.constant 0 : i32
    %dma_wait3A_46 = tpu.memref_slice %arg2[%dma_wait3A_44, %dma_wait3A_45] : memref<10000x64xf32, #tpu.memory_space<hbm>> -> memref<10000x64xf32, #tpu.memory_space<hbm>>
    tpu.wait_indirect_dma semaphore(%arg14 : memref<!tpu.dma_semaphore, #tpu.memory_space<semaphore_mem>>) src(%dma_wait3A_46 : memref<10000x64xf32, #tpu.memory_space<hbm>>) dst(%arg8 : memref<128x64xf32, #tpu.memory_space<vmem>>)
    %dma_start3A_47 = arith.constant 0 : i32
    %dma_start3A_48 = arith.constant 0 : i32
    %dma_start3A_49 = tpu.memref_slice %arg7[%dma_start3A_47, %dma_start3A_48] : memref<80x128xi32, #tpu.memory_space<vmem>> -> memref<1x128xi32, #tpu.memory_space<vmem>>
    %dma_start3A_50 = tpu.memref_squeeze %dma_start3A_49 : memref<1x128xi32, #tpu.memory_space<vmem>> -> memref<128xi32, #tpu.memory_space<vmem>>
    %dma_start3A_51 = arith.constant 0 : i32
    %dma_start3A_52 = arith.constant 0 : i32
    %dma_start3A_53 = tpu.memref_slice %arg13[%dma_start3A_51, %dma_start3A_52] : memref<10240x64xf32, #tpu.memory_space<vmem_shared>> -> memref<10240x64xf32, #tpu.memory_space<vmem_shared>>
    tpu.enqueue_indirect_dma source(%arg8 : memref<128x64xf32, #tpu.memory_space<vmem>>) target(%dma_start3A_53 : memref<10240x64xf32, #tpu.memory_space<vmem_shared>>) offsets(%dma_start3A_50 : memref<128xi32, #tpu.memory_space<vmem>>) semaphore(%arg18 : memref<!tpu.dma_semaphore, #tpu.memory_space<semaphore_mem>>) {add = true}
    %dma_start3A_54 = arith.constant 2 : i32
    %dma_start3A_55 = arith.constant 0 : i32
    %dma_start3A_56 = tpu.memref_slice %arg6[%dma_start3A_54, %dma_start3A_55] : memref<80x128xi32, #tpu.memory_space<vmem>> -> memref<1x128xi32, #tpu.memory_space<vmem>>
    %dma_start3A_57 = tpu.memref_squeeze %dma_start3A_56 : memref<1x128xi32, #tpu.memory_space<vmem>> -> memref<128xi32, #tpu.memory_space<vmem>>
    %dma_start3A_58 = arith.constant 0 : i32
    %dma_start3A_59 = arith.constant 0 : i32
    %dma_start3A_60 = tpu.memref_slice %arg2[%dma_start3A_58, %dma_start3A_59] : memref<10000x64xf32, #tpu.memory_space<hbm>> -> memref<10000x64xf32, #tpu.memory_space<hbm>>
    tpu.enqueue_indirect_dma source(%dma_start3A_60 : memref<10000x64xf32, #tpu.memory_space<hbm>>) target(%arg10 : memref<128x64xf32, #tpu.memory_space<vmem>>) offsets(%dma_start3A_57 : memref<128xi32, #tpu.memory_space<vmem>>) semaphore(%arg16 : memref<!tpu.dma_semaphore, #tpu.memory_space<semaphore_mem>>)
    %dma_wait3A_61 = arith.constant 0 : i32
    %dma_wait3A_62 = arith.constant 0 : i32
    %dma_wait3A_63 = tpu.memref_slice %arg6[%dma_wait3A_61, %dma_wait3A_62] : memref<80x128xi32, #tpu.memory_space<vmem>> -> memref<1x128xi32, #tpu.memory_space<vmem>>
    %dma_wait3A_64 = tpu.memref_squeeze %dma_wait3A_63 : memref<1x128xi32, #tpu.memory_space<vmem>> -> memref<128xi32, #tpu.memory_space<vmem>>
    %dma_wait3A_65 = arith.constant 0 : i32
    %dma_wait3A_66 = arith.constant 0 : i32
    %dma_wait3A_67 = tpu.memref_slice %arg2[%dma_wait3A_65, %dma_wait3A_66] : memref<10000x64xf32, #tpu.memory_space<hbm>> -> memref<10000x64xf32, #tpu.memory_space<hbm>>
    tpu.wait_indirect_dma semaphore(%arg15 : memref<!tpu.dma_semaphore, #tpu.memory_space<semaphore_mem>>) src(%dma_wait3A_67 : memref<10000x64xf32, #tpu.memory_space<hbm>>) dst(%arg9 : memref<128x64xf32, #tpu.memory_space<vmem>>)
    %dma_start3A_68 = arith.constant 1 : i32
    %dma_start3A_69 = arith.constant 0 : i32
    %dma_start3A_70 = tpu.memref_slice %arg7[%dma_start3A_68, %dma_start3A_69] : memref<80x128xi32, #tpu.memory_space<vmem>> -> memref<1x128xi32, #tpu.memory_space<vmem>>
    %dma_start3A_71 = tpu.memref_squeeze %dma_start3A_70 : memref<1x128xi32, #tpu.memory_space<vmem>> -> memref<128xi32, #tpu.memory_space<vmem>>
    %dma_start3A_72 = arith.constant 0 : i32
    %dma_start3A_73 = arith.constant 0 : i32
    %dma_start3A_74 = tpu.memref_slice %arg13[%dma_start3A_72, %dma_start3A_73] : memref<10240x64xf32, #tpu.memory_space<vmem_shared>> -> memref<10240x64xf32, #tpu.memory_space<vmem_shared>>
    tpu.enqueue_indirect_dma source(%arg9 : memref<128x64xf32, #tpu.memory_space<vmem>>) target(%dma_start3A_74 : memref<10240x64xf32, #tpu.memory_space<vmem_shared>>) offsets(%dma_start3A_71 : memref<128xi32, #tpu.memory_space<vmem>>) semaphore(%arg19 : memref<!tpu.dma_semaphore, #tpu.memory_space<semaphore_mem>>) {add = true}
    %dma_start3A_75 = arith.constant 3 : i32
    %dma_start3A_76 = arith.constant 0 : i32
    %dma_start3A_77 = tpu.memref_slice %arg6[%dma_start3A_75, %dma_start3A_76] : memref<80x128xi32, #tpu.memory_space<vmem>> -> memref<1x128xi32, #tpu.memory_space<vmem>>
    %dma_start3A_78 = tpu.memref_squeeze %dma_start3A_77 : memref<1x128xi32, #tpu.memory_space<vmem>> -> memref<128xi32, #tpu.memory_space<vmem>>
    %dma_start3A_79 = arith.constant 0 : i32
    %dma_start3A_80 = arith.constant 0 : i32
    %dma_start3A_81 = tpu.memref_slice %arg2[%dma_start3A_79, %dma_start3A_80] : memref<10000x64xf32, #tpu.memory_space<hbm>> -> memref<10000x64xf32, #tpu.memory_space<hbm>>
    tpu.enqueue_indirect_dma source(%dma_start3A_81 : memref<10000x64xf32, #tpu.memory_space<hbm>>) target(%arg11 : memref<128x64xf32, #tpu.memory_space<vmem>>) offsets(%dma_start3A_78 : memref<128xi32, #tpu.memory_space<vmem>>) semaphore(%arg17 : memref<!tpu.dma_semaphore, #tpu.memory_space<semaphore_mem>>)
    %scan3A_82 = arith.constant 0 : i32
    %scan3A_83 = arith.constant 0 : i32
    %scan3A_84 = arith.constant 19 : i32
    %scan3A_85 = arith.addi %scan3A_83, %scan3A_84 : i32
    %scan3A_86 = arith.constant 1 : i32
    %scan3A_87 = scf.for %scan3A_150 = %scan3A_83 to %scan3A_85 step %scan3A_86 iter_args(%scan3A_151 = %scan3A_82) -> (i32)  : i32 {
      %mul3A_152 = arith.constant 4 : i32
      %mul3A_153 = arith.muli %mul3A_152, %scan3A_150 : i32
      %add3A_154 = arith.constant 2 : i32
      %add3A_155 = arith.addi %add3A_154, %mul3A_153 : i32
      %add3A_156 = arith.constant 0 : i32
      %add3A_157 = arith.addi %add3A_155, %add3A_156 : i32
      %dma_wait3A_158 = arith.constant 0 : i32
      %dma_wait3A_159 = arith.constant 0 : i32
      %dma_wait3A_160 = tpu.memref_slice %arg6[%dma_wait3A_158, %dma_wait3A_159] : memref<80x128xi32, #tpu.memory_space<vmem>> -> memref<1x128xi32, #tpu.memory_space<vmem>>
      %dma_wait3A_161 = tpu.memref_squeeze %dma_wait3A_160 : memref<1x128xi32, #tpu.memory_space<vmem>> -> memref<128xi32, #tpu.memory_space<vmem>>
      %dma_wait3A_162 = arith.constant 0 : i32
      %dma_wait3A_163 = arith.constant 0 : i32
      %dma_wait3A_164 = tpu.memref_slice %arg2[%dma_wait3A_162, %dma_wait3A_163] : memref<10000x64xf32, #tpu.memory_space<hbm>> -> memref<10000x64xf32, #tpu.memory_space<hbm>>
      tpu.wait_indirect_dma semaphore(%arg16 : memref<!tpu.dma_semaphore, #tpu.memory_space<semaphore_mem>>) src(%dma_wait3A_164 : memref<10000x64xf32, #tpu.memory_space<hbm>>) dst(%arg10 : memref<128x64xf32, #tpu.memory_space<vmem>>)
      %dma_start3A_165 = arith.constant 0 : i32
      %dma_start3A_166 = tpu.memref_slice %arg7[%add3A_157, %dma_start3A_165] : memref<80x128xi32, #tpu.memory_space<vmem>> -> memref<1x128xi32, #tpu.memory_space<vmem>>
      %dma_start3A_167 = tpu.memref_squeeze %dma_start3A_166 : memref<1x128xi32, #tpu.memory_space<vmem>> -> memref<128xi32, #tpu.memory_space<vmem>>
      %dma_start3A_168 = arith.constant 0 : i32
      %dma_start3A_169 = arith.constant 0 : i32
      %dma_start3A_170 = tpu.memref_slice %arg13[%dma_start3A_168, %dma_start3A_169] : memref<10240x64xf32, #tpu.memory_space<vmem_shared>> -> memref<10240x64xf32, #tpu.memory_space<vmem_shared>>
      tpu.enqueue_indirect_dma source(%arg10 : memref<128x64xf32, #tpu.memory_space<vmem>>) target(%dma_start3A_170 : memref<10240x64xf32, #tpu.memory_space<vmem_shared>>) offsets(%dma_start3A_167 : memref<128xi32, #tpu.memory_space<vmem>>) semaphore(%arg20 : memref<!tpu.dma_semaphore, #tpu.memory_space<semaphore_mem>>) {add = true}
      %dma_wait3A_171 = arith.constant 0 : i32
      %dma_wait3A_172 = arith.constant 0 : i32
      %dma_wait3A_173 = tpu.memref_slice %arg7[%dma_wait3A_171, %dma_wait3A_172] : memref<80x128xi32, #tpu.memory_space<vmem>> -> memref<1x128xi32, #tpu.memory_space<vmem>>
      %dma_wait3A_174 = tpu.memref_squeeze %dma_wait3A_173 : memref<1x128xi32, #tpu.memory_space<vmem>> -> memref<128xi32, #tpu.memory_space<vmem>>
      %dma_wait3A_175 = arith.constant 0 : i32
      %dma_wait3A_176 = arith.constant 0 : i32
      %dma_wait3A_177 = tpu.memref_slice %arg13[%dma_wait3A_175, %dma_wait3A_176] : memref<10240x64xf32, #tpu.memory_space<vmem_shared>> -> memref<10240x64xf32, #tpu.memory_space<vmem_shared>>
      tpu.wait_indirect_dma semaphore(%arg18 : memref<!tpu.dma_semaphore, #tpu.memory_space<semaphore_mem>>) src(%arg8 : memref<128x64xf32, #tpu.memory_space<vmem>>) dst(%dma_wait3A_177 : memref<10240x64xf32, #tpu.memory_space<vmem_shared>>)
      %add3A_178 = arith.constant 2 : i32
      %add3A_179 = arith.addi %add3A_157, %add3A_178 : i32
      %dma_start3A_180 = arith.constant 0 : i32
      %dma_start3A_181 = tpu.memref_slice %arg6[%add3A_179, %dma_start3A_180] : memref<80x128xi32, #tpu.memory_space<vmem>> -> memref<1x128xi32, #tpu.memory_space<vmem>>
      %dma_start3A_182 = tpu.memref_squeeze %dma_start3A_181 : memref<1x128xi32, #tpu.memory_space<vmem>> -> memref<128xi32, #tpu.memory_space<vmem>>
      %dma_start3A_183 = arith.constant 0 : i32
      %dma_start3A_184 = arith.constant 0 : i32
      %dma_start3A_185 = tpu.memref_slice %arg2[%dma_start3A_183, %dma_start3A_184] : memref<10000x64xf32, #tpu.memory_space<hbm>> -> memref<10000x64xf32, #tpu.memory_space<hbm>>
      tpu.enqueue_indirect_dma source(%dma_start3A_185 : memref<10000x64xf32, #tpu.memory_space<hbm>>) target(%arg8 : memref<128x64xf32, #tpu.memory_space<vmem>>) offsets(%dma_start3A_182 : memref<128xi32, #tpu.memory_space<vmem>>) semaphore(%arg14 : memref<!tpu.dma_semaphore, #tpu.memory_space<semaphore_mem>>)
      %add3A_186 = arith.constant 1 : i32
      %add3A_187 = arith.addi %add3A_155, %add3A_186 : i32
      %dma_wait3A_188 = arith.constant 0 : i32
      %dma_wait3A_189 = arith.constant 0 : i32
      %dma_wait3A_190 = tpu.memref_slice %arg6[%dma_wait3A_188, %dma_wait3A_189] : memref<80x128xi32, #tpu.memory_space<vmem>> -> memref<1x128xi32, #tpu.memory_space<vmem>>
      %dma_wait3A_191 = tpu.memref_squeeze %dma_wait3A_190 : memref<1x128xi32, #tpu.memory_space<vmem>> -> memref<128xi32, #tpu.memory_space<vmem>>
      %dma_wait3A_192 = arith.constant 0 : i32
      %dma_wait3A_193 = arith.constant 0 : i32
      %dma_wait3A_194 = tpu.memref_slice %arg2[%dma_wait3A_192, %dma_wait3A_193] : memref<10000x64xf32, #tpu.memory_space<hbm>> -> memref<10000x64xf32, #tpu.memory_space<hbm>>
      tpu.wait_indirect_dma semaphore(%arg17 : memref<!tpu.dma_semaphore, #tpu.memory_space<semaphore_mem>>) src(%dma_wait3A_194 : memref<10000x64xf32, #tpu.memory_space<hbm>>) dst(%arg11 : memref<128x64xf32, #tpu.memory_space<vmem>>)
      %dma_start3A_195 = arith.constant 0 : i32
      %dma_start3A_196 = tpu.memref_slice %arg7[%add3A_187, %dma_start3A_195] : memref<80x128xi32, #tpu.memory_space<vmem>> -> memref<1x128xi32, #tpu.memory_space<vmem>>
      %dma_start3A_197 = tpu.memref_squeeze %dma_start3A_196 : memref<1x128xi32, #tpu.memory_space<vmem>> -> memref<128xi32, #tpu.memory_space<vmem>>
      %dma_start3A_198 = arith.constant 0 : i32
      %dma_start3A_199 = arith.constant 0 : i32
      %dma_start3A_200 = tpu.memref_slice %arg13[%dma_start3A_198, %dma_start3A_199] : memref<10240x64xf32, #tpu.memory_space<vmem_shared>> -> memref<10240x64xf32, #tpu.memory_space<vmem_shared>>
      tpu.enqueue_indirect_dma source(%arg11 : memref<128x64xf32, #tpu.memory_space<vmem>>) target(%dma_start3A_200 : memref<10240x64xf32, #tpu.memory_space<vmem_shared>>) offsets(%dma_start3A_197 : memref<128xi32, #tpu.memory_space<vmem>>) semaphore(%arg21 : memref<!tpu.dma_semaphore, #tpu.memory_space<semaphore_mem>>) {add = true}
      %dma_wait3A_201 = arith.constant 0 : i32
      %dma_wait3A_202 = arith.constant 0 : i32
      %dma_wait3A_203 = tpu.memref_slice %arg7[%dma_wait3A_201, %dma_wait3A_202] : memref<80x128xi32, #tpu.memory_space<vmem>> -> memref<1x128xi32, #tpu.memory_space<vmem>>
      %dma_wait3A_204 = tpu.memref_squeeze %dma_wait3A_203 : memref<1x128xi32, #tpu.memory_space<vmem>> -> memref<128xi32, #tpu.memory_space<vmem>>
      %dma_wait3A_205 = arith.constant 0 : i32
      %dma_wait3A_206 = arith.constant 0 : i32
      %dma_wait3A_207 = tpu.memref_slice %arg13[%dma_wait3A_205, %dma_wait3A_206] : memref<10240x64xf32, #tpu.memory_space<vmem_shared>> -> memref<10240x64xf32, #tpu.memory_space<vmem_shared>>
      tpu.wait_indirect_dma semaphore(%arg19 : memref<!tpu.dma_semaphore, #tpu.memory_space<semaphore_mem>>) src(%arg9 : memref<128x64xf32, #tpu.memory_space<vmem>>) dst(%dma_wait3A_207 : memref<10240x64xf32, #tpu.memory_space<vmem_shared>>)
      %add3A_208 = arith.constant 2 : i32
      %add3A_209 = arith.addi %add3A_187, %add3A_208 : i32
      %dma_start3A_210 = arith.constant 0 : i32
      %dma_start3A_211 = tpu.memref_slice %arg6[%add3A_209, %dma_start3A_210] : memref<80x128xi32, #tpu.memory_space<vmem>> -> memref<1x128xi32, #tpu.memory_space<vmem>>
      %dma_start3A_212 = tpu.memref_squeeze %dma_start3A_211 : memref<1x128xi32, #tpu.memory_space<vmem>> -> memref<128xi32, #tpu.memory_space<vmem>>
      %dma_start3A_213 = arith.constant 0 : i32
      %dma_start3A_214 = arith.constant 0 : i32
      %dma_start3A_215 = tpu.memref_slice %arg2[%dma_start3A_213, %dma_start3A_214] : memref<10000x64xf32, #tpu.memory_space<hbm>> -> memref<10000x64xf32, #tpu.memory_space<hbm>>
      tpu.enqueue_indirect_dma source(%dma_start3A_215 : memref<10000x64xf32, #tpu.memory_space<hbm>>) target(%arg9 : memref<128x64xf32, #tpu.memory_space<vmem>>) offsets(%dma_start3A_212 : memref<128xi32, #tpu.memory_space<vmem>>) semaphore(%arg15 : memref<!tpu.dma_semaphore, #tpu.memory_space<semaphore_mem>>)
      %add3A_216 = arith.constant 2 : i32
      %add3A_217 = arith.addi %add3A_155, %add3A_216 : i32
      %dma_wait3A_218 = arith.constant 0 : i32
      %dma_wait3A_219 = arith.constant 0 : i32
      %dma_wait3A_220 = tpu.memref_slice %arg6[%dma_wait3A_218, %dma_wait3A_219] : memref<80x128xi32, #tpu.memory_space<vmem>> -> memref<1x128xi32, #tpu.memory_space<vmem>>
      %dma_wait3A_221 = tpu.memref_squeeze %dma_wait3A_220 : memref<1x128xi32, #tpu.memory_space<vmem>> -> memref<128xi32, #tpu.memory_space<vmem>>
      %dma_wait3A_222 = arith.constant 0 : i32
      %dma_wait3A_223 = arith.constant 0 : i32
      %dma_wait3A_224 = tpu.memref_slice %arg2[%dma_wait3A_222, %dma_wait3A_223] : memref<10000x64xf32, #tpu.memory_space<hbm>> -> memref<10000x64xf32, #tpu.memory_space<hbm>>
      tpu.wait_indirect_dma semaphore(%arg14 : memref<!tpu.dma_semaphore, #tpu.memory_space<semaphore_mem>>) src(%dma_wait3A_224 : memref<10000x64xf32, #tpu.memory_space<hbm>>) dst(%arg8 : memref<128x64xf32, #tpu.memory_space<vmem>>)
      %dma_start3A_225 = arith.constant 0 : i32
      %dma_start3A_226 = tpu.memref_slice %arg7[%add3A_217, %dma_start3A_225] : memref<80x128xi32, #tpu.memory_space<vmem>> -> memref<1x128xi32, #tpu.memory_space<vmem>>
      %dma_start3A_227 = tpu.memref_squeeze %dma_start3A_226 : memref<1x128xi32, #tpu.memory_space<vmem>> -> memref<128xi32, #tpu.memory_space<vmem>>
      %dma_start3A_228 = arith.constant 0 : i32
      %dma_start3A_229 = arith.constant 0 : i32
      %dma_start3A_230 = tpu.memref_slice %arg13[%dma_start3A_228, %dma_start3A_229] : memref<10240x64xf32, #tpu.memory_space<vmem_shared>> -> memref<10240x64xf32, #tpu.memory_space<vmem_shared>>
      tpu.enqueue_indirect_dma source(%arg8 : memref<128x64xf32, #tpu.memory_space<vmem>>) target(%dma_start3A_230 : memref<10240x64xf32, #tpu.memory_space<vmem_shared>>) offsets(%dma_start3A_227 : memref<128xi32, #tpu.memory_space<vmem>>) semaphore(%arg18 : memref<!tpu.dma_semaphore, #tpu.memory_space<semaphore_mem>>) {add = true}
      %dma_wait3A_231 = arith.constant 0 : i32
      %dma_wait3A_232 = arith.constant 0 : i32
      %dma_wait3A_233 = tpu.memref_slice %arg7[%dma_wait3A_231, %dma_wait3A_232] : memref<80x128xi32, #tpu.memory_space<vmem>> -> memref<1x128xi32, #tpu.memory_space<vmem>>
      %dma_wait3A_234 = tpu.memref_squeeze %dma_wait3A_233 : memref<1x128xi32, #tpu.memory_space<vmem>> -> memref<128xi32, #tpu.memory_space<vmem>>
      %dma_wait3A_235 = arith.constant 0 : i32
      %dma_wait3A_236 = arith.constant 0 : i32
      %dma_wait3A_237 = tpu.memref_slice %arg13[%dma_wait3A_235, %dma_wait3A_236] : memref<10240x64xf32, #tpu.memory_space<vmem_shared>> -> memref<10240x64xf32, #tpu.memory_space<vmem_shared>>
      tpu.wait_indirect_dma semaphore(%arg20 : memref<!tpu.dma_semaphore, #tpu.memory_space<semaphore_mem>>) src(%arg10 : memref<128x64xf32, #tpu.memory_space<vmem>>) dst(%dma_wait3A_237 : memref<10240x64xf32, #tpu.memory_space<vmem_shared>>)
      %add3A_238 = arith.constant 2 : i32
      %add3A_239 = arith.addi %add3A_217, %add3A_238 : i32
      %dma_start3A_240 = arith.constant 0 : i32
      %dma_start3A_241 = tpu.memref_slice %arg6[%add3A_239, %dma_start3A_240] : memref<80x128xi32, #tpu.memory_space<vmem>> -> memref<1x128xi32, #tpu.memory_space<vmem>>
      %dma_start3A_242 = tpu.memref_squeeze %dma_start3A_241 : memref<1x128xi32, #tpu.memory_space<vmem>> -> memref<128xi32, #tpu.memory_space<vmem>>
      %dma_start3A_243 = arith.constant 0 : i32
      %dma_start3A_244 = arith.constant 0 : i32
      %dma_start3A_245 = tpu.memref_slice %arg2[%dma_start3A_243, %dma_start3A_244] : memref<10000x64xf32, #tpu.memory_space<hbm>> -> memref<10000x64xf32, #tpu.memory_space<hbm>>
      tpu.enqueue_indirect_dma source(%dma_start3A_245 : memref<10000x64xf32, #tpu.memory_space<hbm>>) target(%arg10 : memref<128x64xf32, #tpu.memory_space<vmem>>) offsets(%dma_start3A_242 : memref<128xi32, #tpu.memory_space<vmem>>) semaphore(%arg16 : memref<!tpu.dma_semaphore, #tpu.memory_space<semaphore_mem>>)
      %add3A_246 = arith.constant 3 : i32
      %add3A_247 = arith.addi %add3A_155, %add3A_246 : i32
      %dma_wait3A_248 = arith.constant 0 : i32
      %dma_wait3A_249 = arith.constant 0 : i32
      %dma_wait3A_250 = tpu.memref_slice %arg6[%dma_wait3A_248, %dma_wait3A_249] : memref<80x128xi32, #tpu.memory_space<vmem>> -> memref<1x128xi32, #tpu.memory_space<vmem>>
      %dma_wait3A_251 = tpu.memref_squeeze %dma_wait3A_250 : memref<1x128xi32, #tpu.memory_space<vmem>> -> memref<128xi32, #tpu.memory_space<vmem>>
      %dma_wait3A_252 = arith.constant 0 : i32
      %dma_wait3A_253 = arith.constant 0 : i32
      %dma_wait3A_254 = tpu.memref_slice %arg2[%dma_wait3A_252, %dma_wait3A_253] : memref<10000x64xf32, #tpu.memory_space<hbm>> -> memref<10000x64xf32, #tpu.memory_space<hbm>>
      tpu.wait_indirect_dma semaphore(%arg15 : memref<!tpu.dma_semaphore, #tpu.memory_space<semaphore_mem>>) src(%dma_wait3A_254 : memref<10000x64xf32, #tpu.memory_space<hbm>>) dst(%arg9 : memref<128x64xf32, #tpu.memory_space<vmem>>)
      %dma_start3A_255 = arith.constant 0 : i32
      %dma_start3A_256 = tpu.memref_slice %arg7[%add3A_247, %dma_start3A_255] : memref<80x128xi32, #tpu.memory_space<vmem>> -> memref<1x128xi32, #tpu.memory_space<vmem>>
      %dma_start3A_257 = tpu.memref_squeeze %dma_start3A_256 : memref<1x128xi32, #tpu.memory_space<vmem>> -> memref<128xi32, #tpu.memory_space<vmem>>
      %dma_start3A_258 = arith.constant 0 : i32
      %dma_start3A_259 = arith.constant 0 : i32
      %dma_start3A_260 = tpu.memref_slice %arg13[%dma_start3A_258, %dma_start3A_259] : memref<10240x64xf32, #tpu.memory_space<vmem_shared>> -> memref<10240x64xf32, #tpu.memory_space<vmem_shared>>
      tpu.enqueue_indirect_dma source(%arg9 : memref<128x64xf32, #tpu.memory_space<vmem>>) target(%dma_start3A_260 : memref<10240x64xf32, #tpu.memory_space<vmem_shared>>) offsets(%dma_start3A_257 : memref<128xi32, #tpu.memory_space<vmem>>) semaphore(%arg19 : memref<!tpu.dma_semaphore, #tpu.memory_space<semaphore_mem>>) {add = true}
      %dma_wait3A_261 = arith.constant 0 : i32
      %dma_wait3A_262 = arith.constant 0 : i32
      %dma_wait3A_263 = tpu.memref_slice %arg7[%dma_wait3A_261, %dma_wait3A_262] : memref<80x128xi32, #tpu.memory_space<vmem>> -> memref<1x128xi32, #tpu.memory_space<vmem>>
      %dma_wait3A_264 = tpu.memref_squeeze %dma_wait3A_263 : memref<1x128xi32, #tpu.memory_space<vmem>> -> memref<128xi32, #tpu.memory_space<vmem>>
      %dma_wait3A_265 = arith.constant 0 : i32
      %dma_wait3A_266 = arith.constant 0 : i32
      %dma_wait3A_267 = tpu.memref_slice %arg13[%dma_wait3A_265, %dma_wait3A_266] : memref<10240x64xf32, #tpu.memory_space<vmem_shared>> -> memref<10240x64xf32, #tpu.memory_space<vmem_shared>>
      tpu.wait_indirect_dma semaphore(%arg21 : memref<!tpu.dma_semaphore, #tpu.memory_space<semaphore_mem>>) src(%arg11 : memref<128x64xf32, #tpu.memory_space<vmem>>) dst(%dma_wait3A_267 : memref<10240x64xf32, #tpu.memory_space<vmem_shared>>)
      %add3A_268 = arith.constant 2 : i32
      %add3A_269 = arith.addi %add3A_247, %add3A_268 : i32
      %dma_start3A_270 = arith.constant 0 : i32
      %dma_start3A_271 = tpu.memref_slice %arg6[%add3A_269, %dma_start3A_270] : memref<80x128xi32, #tpu.memory_space<vmem>> -> memref<1x128xi32, #tpu.memory_space<vmem>>
      %dma_start3A_272 = tpu.memref_squeeze %dma_start3A_271 : memref<1x128xi32, #tpu.memory_space<vmem>> -> memref<128xi32, #tpu.memory_space<vmem>>
      %dma_start3A_273 = arith.constant 0 : i32
      %dma_start3A_274 = arith.constant 0 : i32
      %dma_start3A_275 = tpu.memref_slice %arg2[%dma_start3A_273, %dma_start3A_274] : memref<10000x64xf32, #tpu.memory_space<hbm>> -> memref<10000x64xf32, #tpu.memory_space<hbm>>
      tpu.enqueue_indirect_dma source(%dma_start3A_275 : memref<10000x64xf32, #tpu.memory_space<hbm>>) target(%arg11 : memref<128x64xf32, #tpu.memory_space<vmem>>) offsets(%dma_start3A_272 : memref<128xi32, #tpu.memory_space<vmem>>) semaphore(%arg17 : memref<!tpu.dma_semaphore, #tpu.memory_space<semaphore_mem>>)
      %scan3A_276 = arith.constant 0 : i32
      scf.yield %scan3A_276 : i32
    }
    %scan3A_88 = arith.constant 19 : i32
    %dma_wait3A_89 = arith.constant 0 : i32
    %dma_wait3A_90 = arith.constant 0 : i32
    %dma_wait3A_91 = tpu.memref_slice %arg6[%dma_wait3A_89, %dma_wait3A_90] : memref<80x128xi32, #tpu.memory_space<vmem>> -> memref<1x128xi32, #tpu.memory_space<vmem>>
    %dma_wait3A_92 = tpu.memref_squeeze %dma_wait3A_91 : memref<1x128xi32, #tpu.memory_space<vmem>> -> memref<128xi32, #tpu.memory_space<vmem>>
    %dma_wait3A_93 = arith.constant 0 : i32
    %dma_wait3A_94 = arith.constant 0 : i32
    %dma_wait3A_95 = tpu.memref_slice %arg2[%dma_wait3A_93, %dma_wait3A_94] : memref<10000x64xf32, #tpu.memory_space<hbm>> -> memref<10000x64xf32, #tpu.memory_space<hbm>>
    tpu.wait_indirect_dma semaphore(%arg16 : memref<!tpu.dma_semaphore, #tpu.memory_space<semaphore_mem>>) src(%dma_wait3A_95 : memref<10000x64xf32, #tpu.memory_space<hbm>>) dst(%arg10 : memref<128x64xf32, #tpu.memory_space<vmem>>)
    %dma_start3A_96 = arith.constant 78 : i32
    %dma_start3A_97 = arith.constant 0 : i32
    %dma_start3A_98 = tpu.memref_slice %arg7[%dma_start3A_96, %dma_start3A_97] : memref<80x128xi32, #tpu.memory_space<vmem>> -> memref<1x128xi32, #tpu.memory_space<vmem>>
    %dma_start3A_99 = tpu.memref_squeeze %dma_start3A_98 : memref<1x128xi32, #tpu.memory_space<vmem>> -> memref<128xi32, #tpu.memory_space<vmem>>
    %dma_start3A_100 = arith.constant 0 : i32
    %dma_start3A_101 = arith.constant 0 : i32
    %dma_start3A_102 = tpu.memref_slice %arg13[%dma_start3A_100, %dma_start3A_101] : memref<10240x64xf32, #tpu.memory_space<vmem_shared>> -> memref<10240x64xf32, #tpu.memory_space<vmem_shared>>
    tpu.enqueue_indirect_dma source(%arg10 : memref<128x64xf32, #tpu.memory_space<vmem>>) target(%dma_start3A_102 : memref<10240x64xf32, #tpu.memory_space<vmem_shared>>) offsets(%dma_start3A_99 : memref<128xi32, #tpu.memory_space<vmem>>) semaphore(%arg20 : memref<!tpu.dma_semaphore, #tpu.memory_space<semaphore_mem>>) {add = true}
    %dma_wait3A_103 = arith.constant 0 : i32
    %dma_wait3A_104 = arith.constant 0 : i32
    %dma_wait3A_105 = tpu.memref_slice %arg6[%dma_wait3A_103, %dma_wait3A_104] : memref<80x128xi32, #tpu.memory_space<vmem>> -> memref<1x128xi32, #tpu.memory_space<vmem>>
    %dma_wait3A_106 = tpu.memref_squeeze %dma_wait3A_105 : memref<1x128xi32, #tpu.memory_space<vmem>> -> memref<128xi32, #tpu.memory_space<vmem>>
    %dma_wait3A_107 = arith.constant 0 : i32
    %dma_wait3A_108 = arith.constant 0 : i32
    %dma_wait3A_109 = tpu.memref_slice %arg2[%dma_wait3A_107, %dma_wait3A_108] : memref<10000x64xf32, #tpu.memory_space<hbm>> -> memref<10000x64xf32, #tpu.memory_space<hbm>>
    tpu.wait_indirect_dma semaphore(%arg17 : memref<!tpu.dma_semaphore, #tpu.memory_space<semaphore_mem>>) src(%dma_wait3A_109 : memref<10000x64xf32, #tpu.memory_space<hbm>>) dst(%arg11 : memref<128x64xf32, #tpu.memory_space<vmem>>)
    %dma_start3A_110 = arith.constant 79 : i32
    %dma_start3A_111 = arith.constant 0 : i32
    %dma_start3A_112 = tpu.memref_slice %arg7[%dma_start3A_110, %dma_start3A_111] : memref<80x128xi32, #tpu.memory_space<vmem>> -> memref<1x128xi32, #tpu.memory_space<vmem>>
    %dma_start3A_113 = tpu.memref_squeeze %dma_start3A_112 : memref<1x128xi32, #tpu.memory_space<vmem>> -> memref<128xi32, #tpu.memory_space<vmem>>
    %dma_start3A_114 = arith.constant 0 : i32
    %dma_start3A_115 = arith.constant 0 : i32
    %dma_start3A_116 = tpu.memref_slice %arg13[%dma_start3A_114, %dma_start3A_115] : memref<10240x64xf32, #tpu.memory_space<vmem_shared>> -> memref<10240x64xf32, #tpu.memory_space<vmem_shared>>
    tpu.enqueue_indirect_dma source(%arg11 : memref<128x64xf32, #tpu.memory_space<vmem>>) target(%dma_start3A_116 : memref<10240x64xf32, #tpu.memory_space<vmem_shared>>) offsets(%dma_start3A_113 : memref<128xi32, #tpu.memory_space<vmem>>) semaphore(%arg21 : memref<!tpu.dma_semaphore, #tpu.memory_space<semaphore_mem>>) {add = true}
    %dma_wait3A_117 = arith.constant 0 : i32
    %dma_wait3A_118 = arith.constant 0 : i32
    %dma_wait3A_119 = tpu.memref_slice %arg7[%dma_wait3A_117, %dma_wait3A_118] : memref<80x128xi32, #tpu.memory_space<vmem>> -> memref<1x128xi32, #tpu.memory_space<vmem>>
    %dma_wait3A_120 = tpu.memref_squeeze %dma_wait3A_119 : memref<1x128xi32, #tpu.memory_space<vmem>> -> memref<128xi32, #tpu.memory_space<vmem>>
    %dma_wait3A_121 = arith.constant 0 : i32
    %dma_wait3A_122 = arith.constant 0 : i32
    %dma_wait3A_123 = tpu.memref_slice %arg13[%dma_wait3A_121, %dma_wait3A_122] : memref<10240x64xf32, #tpu.memory_space<vmem_shared>> -> memref<10240x64xf32, #tpu.memory_space<vmem_shared>>
    tpu.wait_indirect_dma semaphore(%arg18 : memref<!tpu.dma_semaphore, #tpu.memory_space<semaphore_mem>>) src(%arg8 : memref<128x64xf32, #tpu.memory_space<vmem>>) dst(%dma_wait3A_123 : memref<10240x64xf32, #tpu.memory_space<vmem_shared>>)
    %dma_wait3A_124 = arith.constant 0 : i32
    %dma_wait3A_125 = arith.constant 0 : i32
    %dma_wait3A_126 = tpu.memref_slice %arg7[%dma_wait3A_124, %dma_wait3A_125] : memref<80x128xi32, #tpu.memory_space<vmem>> -> memref<1x128xi32, #tpu.memory_space<vmem>>
    %dma_wait3A_127 = tpu.memref_squeeze %dma_wait3A_126 : memref<1x128xi32, #tpu.memory_space<vmem>> -> memref<128xi32, #tpu.memory_space<vmem>>
    %dma_wait3A_128 = arith.constant 0 : i32
    %dma_wait3A_129 = arith.constant 0 : i32
    %dma_wait3A_130 = tpu.memref_slice %arg13[%dma_wait3A_128, %dma_wait3A_129] : memref<10240x64xf32, #tpu.memory_space<vmem_shared>> -> memref<10240x64xf32, #tpu.memory_space<vmem_shared>>
    tpu.wait_indirect_dma semaphore(%arg19 : memref<!tpu.dma_semaphore, #tpu.memory_space<semaphore_mem>>) src(%arg9 : memref<128x64xf32, #tpu.memory_space<vmem>>) dst(%dma_wait3A_130 : memref<10240x64xf32, #tpu.memory_space<vmem_shared>>)
    %dma_wait3A_131 = arith.constant 0 : i32
    %dma_wait3A_132 = arith.constant 0 : i32
    %dma_wait3A_133 = tpu.memref_slice %arg7[%dma_wait3A_131, %dma_wait3A_132] : memref<80x128xi32, #tpu.memory_space<vmem>> -> memref<1x128xi32, #tpu.memory_space<vmem>>
    %dma_wait3A_134 = tpu.memref_squeeze %dma_wait3A_133 : memref<1x128xi32, #tpu.memory_space<vmem>> -> memref<128xi32, #tpu.memory_space<vmem>>
    %dma_wait3A_135 = arith.constant 0 : i32
    %dma_wait3A_136 = arith.constant 0 : i32
    %dma_wait3A_137 = tpu.memref_slice %arg13[%dma_wait3A_135, %dma_wait3A_136] : memref<10240x64xf32, #tpu.memory_space<vmem_shared>> -> memref<10240x64xf32, #tpu.memory_space<vmem_shared>>
    tpu.wait_indirect_dma semaphore(%arg20 : memref<!tpu.dma_semaphore, #tpu.memory_space<semaphore_mem>>) src(%arg10 : memref<128x64xf32, #tpu.memory_space<vmem>>) dst(%dma_wait3A_137 : memref<10240x64xf32, #tpu.memory_space<vmem_shared>>)
    %dma_wait3A_138 = arith.constant 0 : i32
    %dma_wait3A_139 = arith.constant 0 : i32
    %dma_wait3A_140 = tpu.memref_slice %arg7[%dma_wait3A_138, %dma_wait3A_139] : memref<80x128xi32, #tpu.memory_space<vmem>> -> memref<1x128xi32, #tpu.memory_space<vmem>>
    %dma_wait3A_141 = tpu.memref_squeeze %dma_wait3A_140 : memref<1x128xi32, #tpu.memory_space<vmem>> -> memref<128xi32, #tpu.memory_space<vmem>>
    %dma_wait3A_142 = arith.constant 0 : i32
    %dma_wait3A_143 = arith.constant 0 : i32
    %dma_wait3A_144 = tpu.memref_slice %arg13[%dma_wait3A_142, %dma_wait3A_143] : memref<10240x64xf32, #tpu.memory_space<vmem_shared>> -> memref<10240x64xf32, #tpu.memory_space<vmem_shared>>
    tpu.wait_indirect_dma semaphore(%arg21 : memref<!tpu.dma_semaphore, #tpu.memory_space<semaphore_mem>>) src(%arg11 : memref<128x64xf32, #tpu.memory_space<vmem>>) dst(%dma_wait3A_144 : memref<10240x64xf32, #tpu.memory_space<vmem_shared>>)
    %barrier3A_145 = arith.constant 0 : index
    tpu.barrier barrier_id(%barrier3A_145)
    %mul3A_146 = arith.constant 640 : i32
    %mul3A_147 = arith.muli %arg1, %mul3A_146 : i32
    %mul3A_148 = arith.constant 640 : i32
    %mul3A_149 = arith.muli %arg1, %mul3A_148 : i32
    "tpu.region"() ({
      %run_scoped3A = tpu.sem_alloc : memref<!tpu.dma_semaphore, #tpu.memory_space<semaphore_mem>>
      %dma_start3A_150 = arith.constant 0 : i32
      %dma_start3A_151 = tpu.memref_slice %arg5[%arg0, %mul3A_149, %dma_start3A_150] : memref<2x10240x64xf32, #tpu.memory_space<hbm>> -> memref<1x640x64xf32, #tpu.memory_space<hbm>>
      %dma_start3A_152 = tpu.memref_squeeze %dma_start3A_151 : memref<1x640x64xf32, #tpu.memory_space<hbm>> -> memref<640x64xf32, #tpu.memory_space<hbm>>
      %dma_start3A_153 = arith.constant 0 : i32
      %dma_start3A_154 = tpu.memref_slice %arg13[%mul3A_147, %dma_start3A_153] : memref<10240x64xf32, #tpu.memory_space<vmem_shared>> -> memref<640x64xf32, #tpu.memory_space<vmem_shared>>
      tpu.enqueue_dma source(%dma_start3A_154 : memref<640x64xf32, #tpu.memory_space<vmem_shared>>) target(%dma_start3A_152 : memref<640x64xf32, #tpu.memory_space<hbm>>) target_semaphore(%run_scoped3A : memref<!tpu.dma_semaphore, #tpu.memory_space<semaphore_mem>>)
      %dma_wait3A_155 = arith.constant 0 : i32
      %dma_wait3A_156 = tpu.memref_slice %arg5[%arg0, %mul3A_149, %dma_wait3A_155] : memref<2x10240x64xf32, #tpu.memory_space<hbm>> -> memref<1x640x64xf32, #tpu.memory_space<hbm>>
      %dma_wait3A_157 = tpu.memref_squeeze %dma_wait3A_156 : memref<1x640x64xf32, #tpu.memory_space<hbm>> -> memref<640x64xf32, #tpu.memory_space<hbm>>
      %dma_wait3A_158 = arith.constant 0 : i32
      %dma_wait3A_159 = tpu.memref_slice %arg13[%mul3A_147, %dma_wait3A_158] : memref<10240x64xf32, #tpu.memory_space<vmem_shared>> -> memref<640x64xf32, #tpu.memory_space<vmem_shared>>
      tpu.wait_dma2 semaphore(%run_scoped3A : memref<!tpu.dma_semaphore, #tpu.memory_space<semaphore_mem>>) src(%dma_wait3A_159 : memref<640x64xf32, #tpu.memory_space<vmem_shared>>) dst(%dma_wait3A_157 : memref<640x64xf32, #tpu.memory_space<hbm>>)
      tpu.yield
    }) : () -> ()
    return
  }
}

#map = affine_map<(d0, d1) -> (0, 0, 0)>
module attributes {stable_mosaic.version = 14 : i64} {
  func.func @_deg_body(%arg0: i32, %arg1: i32, %arg2: memref<32x80x128xi32, #tpu.memory_space<hbm>>, %arg3: memref<2x10240x16xf32, #tpu.memory_space<hbm>>, %arg4: memref<80x128xi32, #tpu.memory_space<vmem>>, %arg5: memref<128x16xf32, #tpu.memory_space<vmem>>, %arg6: memref<640x16xf32, #tpu.memory_space<vmem>>, %arg7: memref<10240x16xf32, #tpu.memory_space<vmem_shared>>, %arg8: memref<!tpu.dma_semaphore, #tpu.memory_space<semaphore_mem>>, %arg9: memref<!tpu.dma_semaphore, #tpu.memory_space<semaphore_mem>>) attributes {dimension_semantics = [#tpu.dimension_semantics<core_parallel>, #tpu.dimension_semantics<subcore_parallel>], iteration_bounds = array<i64: 2, 16>, scalar_prefetch = 0 : i64, scratch_operands = 6 : i64, tpu.core_type = #tpu.core_type<sc_vector_subcore>, window_params = [{transform_indices = #map}, {transform_indices = #map}]} {
    %mul3A = arith.constant 16 : i32
    %mul3A_0 = arith.muli %arg0, %mul3A : i32
    %add3A = arith.addi %mul3A_0, %arg1 : i32
    %broadcast_in_dim3A = arith.constant 1.000000e+00 : f32
    %broadcast_in_dim3A_1 = vector.broadcast %broadcast_in_dim3A : f32 to vector<16xf32>
    %broadcast_in_dim3A_2 = arith.constant 0.000000e+00 : f32
    %broadcast_in_dim3A_3 = vector.broadcast %broadcast_in_dim3A_2 : f32 to vector<16xf32>
    %scan3A = arith.constant 0 : i32
    %scan3A_4 = arith.constant 0 : i32
    %scan3A_5 = arith.constant 128 : i32
    %scan3A_6 = arith.addi %scan3A_4, %scan3A_5 : i32
    %scan3A_7 = arith.constant 1 : i32
    %scan3A_8 = scf.for %scan3A_57 = %scan3A_4 to %scan3A_6 step %scan3A_7 iter_args(%scan3A_58 = %scan3A) -> (i32)  : i32 {
      %swap3A = arith.index_cast %scan3A_57 : i32 to index
      %swap3A_59 = arith.constant 0 : index
      %swap3A_60 = tpu.vector_load %arg5[%swap3A, %swap3A_59] {strides = array<i32>} : memref<128x16xf32, #tpu.memory_space<vmem>>, vector<1x16xf32>,
      %swap3A_61 = vector.shape_cast %swap3A_60 : vector<1x16xf32> to vector<16xf32>
      %swap3A_62 = vector.shape_cast %broadcast_in_dim3A_1 : vector<16xf32> to vector<1x16xf32>
      tpu.vector_store %arg5[%swap3A, %swap3A_59], %swap3A_62 {strides = array<i32>} : memref<128x16xf32, #tpu.memory_space<vmem>>, vector<1x16xf32>,
      %scan3A_63 = arith.constant 0 : i32
      scf.yield %scan3A_63 : i32
    }
    %scan3A_9 = arith.constant 128 : i32
    %scan3A_10 = arith.constant 0 : i32
    %scan3A_11 = arith.constant 0 : i32
    %scan3A_12 = arith.constant 640 : i32
    %scan3A_13 = arith.addi %scan3A_11, %scan3A_12 : i32
    %scan3A_14 = arith.constant 1 : i32
    %scan3A_15 = scf.for %scan3A_57 = %scan3A_11 to %scan3A_13 step %scan3A_14 iter_args(%scan3A_58 = %scan3A_10) -> (i32)  : i32 {
      %swap3A = arith.index_cast %scan3A_57 : i32 to index
      %swap3A_59 = arith.constant 0 : index
      %swap3A_60 = tpu.vector_load %arg6[%swap3A, %swap3A_59] {strides = array<i32>} : memref<640x16xf32, #tpu.memory_space<vmem>>, vector<1x16xf32>,
      %swap3A_61 = vector.shape_cast %swap3A_60 : vector<1x16xf32> to vector<16xf32>
      %swap3A_62 = vector.shape_cast %broadcast_in_dim3A_3 : vector<16xf32> to vector<1x16xf32>
      tpu.vector_store %arg6[%swap3A, %swap3A_59], %swap3A_62 {strides = array<i32>} : memref<640x16xf32, #tpu.memory_space<vmem>>, vector<1x16xf32>,
      %scan3A_63 = arith.constant 0 : i32
      scf.yield %scan3A_63 : i32
    }
    %scan3A_16 = arith.constant 640 : i32
    %mul3A_17 = arith.constant 640 : i32
    %mul3A_18 = arith.muli %arg1, %mul3A_17 : i32
    "tpu.region"() ({
      %run_scoped3A = tpu.sem_alloc : memref<!tpu.dma_semaphore, #tpu.memory_space<semaphore_mem>>
      %dma_start3A_57 = arith.constant 0 : i32
      %dma_start3A_58 = tpu.memref_slice %arg7[%mul3A_18, %dma_start3A_57] : memref<10240x16xf32, #tpu.memory_space<vmem_shared>> -> memref<640x16xf32, #tpu.memory_space<vmem_shared>>
      %dma_start3A_59 = arith.constant 0 : i32
      %dma_start3A_60 = tpu.memref_slice %arg7[%mul3A_18, %dma_start3A_59] : memref<10240x16xf32, #tpu.memory_space<vmem_shared>> -> memref<640x16xf32, #tpu.memory_space<vmem_shared>>
      tpu.enqueue_dma source(%arg6 : memref<640x16xf32, #tpu.memory_space<vmem>>) target(%dma_start3A_60 : memref<640x16xf32, #tpu.memory_space<vmem_shared>>) target_semaphore(%run_scoped3A : memref<!tpu.dma_semaphore, #tpu.memory_space<semaphore_mem>>)
      %dma_wait3A_61 = arith.constant 0 : i32
      %dma_wait3A_62 = tpu.memref_slice %arg7[%mul3A_18, %dma_wait3A_61] : memref<10240x16xf32, #tpu.memory_space<vmem_shared>> -> memref<640x16xf32, #tpu.memory_space<vmem_shared>>
      %dma_wait3A_63 = arith.constant 0 : i32
      %dma_wait3A_64 = tpu.memref_slice %arg7[%mul3A_18, %dma_wait3A_63] : memref<10240x16xf32, #tpu.memory_space<vmem_shared>> -> memref<640x16xf32, #tpu.memory_space<vmem_shared>>
      tpu.wait_dma2 semaphore(%run_scoped3A : memref<!tpu.dma_semaphore, #tpu.memory_space<semaphore_mem>>) src(%arg6 : memref<640x16xf32, #tpu.memory_space<vmem>>) dst(%dma_wait3A_64 : memref<640x16xf32, #tpu.memory_space<vmem_shared>>)
      tpu.yield
    }) : () -> ()
    "tpu.region"() ({
      %run_scoped3A = tpu.sem_alloc : memref<!tpu.dma_semaphore, #tpu.memory_space<semaphore_mem>>
      %dma_start3A_57 = arith.constant 0 : i32
      %dma_start3A_58 = arith.constant 0 : i32
      %dma_start3A_59 = tpu.memref_slice %arg2[%add3A, %dma_start3A_57, %dma_start3A_58] : memref<32x80x128xi32, #tpu.memory_space<hbm>> -> memref<1x80x128xi32, #tpu.memory_space<hbm>>
      %dma_start3A_60 = tpu.memref_squeeze %dma_start3A_59 : memref<1x80x128xi32, #tpu.memory_space<hbm>> -> memref<80x128xi32, #tpu.memory_space<hbm>>
      %dma_start3A_61 = arith.constant 0 : i32
      %dma_start3A_62 = arith.constant 0 : i32
      %dma_start3A_63 = tpu.memref_slice %arg2[%add3A, %dma_start3A_61, %dma_start3A_62] : memref<32x80x128xi32, #tpu.memory_space<hbm>> -> memref<1x80x128xi32, #tpu.memory_space<hbm>>
      %dma_start3A_64 = tpu.memref_squeeze %dma_start3A_63 : memref<1x80x128xi32, #tpu.memory_space<hbm>> -> memref<80x128xi32, #tpu.memory_space<hbm>>
      tpu.enqueue_dma source(%dma_start3A_64 : memref<80x128xi32, #tpu.memory_space<hbm>>) target(%arg4 : memref<80x128xi32, #tpu.memory_space<vmem>>) target_semaphore(%run_scoped3A : memref<!tpu.dma_semaphore, #tpu.memory_space<semaphore_mem>>)
      %dma_wait3A_65 = arith.constant 0 : i32
      %dma_wait3A_66 = arith.constant 0 : i32
      %dma_wait3A_67 = tpu.memref_slice %arg2[%add3A, %dma_wait3A_65, %dma_wait3A_66] : memref<32x80x128xi32, #tpu.memory_space<hbm>> -> memref<1x80x128xi32, #tpu.memory_space<hbm>>
      %dma_wait3A_68 = tpu.memref_squeeze %dma_wait3A_67 : memref<1x80x128xi32, #tpu.memory_space<hbm>> -> memref<80x128xi32, #tpu.memory_space<hbm>>
      %dma_wait3A_69 = arith.constant 0 : i32
      %dma_wait3A_70 = arith.constant 0 : i32
      %dma_wait3A_71 = tpu.memref_slice %arg2[%add3A, %dma_wait3A_69, %dma_wait3A_70] : memref<32x80x128xi32, #tpu.memory_space<hbm>> -> memref<1x80x128xi32, #tpu.memory_space<hbm>>
      %dma_wait3A_72 = tpu.memref_squeeze %dma_wait3A_71 : memref<1x80x128xi32, #tpu.memory_space<hbm>> -> memref<80x128xi32, #tpu.memory_space<hbm>>
      tpu.wait_dma2 semaphore(%run_scoped3A : memref<!tpu.dma_semaphore, #tpu.memory_space<semaphore_mem>>) src(%dma_wait3A_72 : memref<80x128xi32, #tpu.memory_space<hbm>>) dst(%arg4 : memref<80x128xi32, #tpu.memory_space<vmem>>)
      tpu.yield
    }) : () -> ()
    %barrier3A = arith.constant 0 : index
    tpu.barrier barrier_id(%barrier3A)
    %dma_start3A = arith.constant 0 : i32
    %dma_start3A_19 = arith.constant 0 : i32
    %dma_start3A_20 = tpu.memref_slice %arg4[%dma_start3A, %dma_start3A_19] : memref<80x128xi32, #tpu.memory_space<vmem>> -> memref<1x128xi32, #tpu.memory_space<vmem>>
    %dma_start3A_21 = tpu.memref_squeeze %dma_start3A_20 : memref<1x128xi32, #tpu.memory_space<vmem>> -> memref<128xi32, #tpu.memory_space<vmem>>
    %dma_start3A_22 = arith.constant 0 : i32
    %dma_start3A_23 = arith.constant 0 : i32
    %dma_start3A_24 = tpu.memref_slice %arg7[%dma_start3A_22, %dma_start3A_23] : memref<10240x16xf32, #tpu.memory_space<vmem_shared>> -> memref<10240x16xf32, #tpu.memory_space<vmem_shared>>
    tpu.enqueue_indirect_dma source(%arg5 : memref<128x16xf32, #tpu.memory_space<vmem>>) target(%dma_start3A_24 : memref<10240x16xf32, #tpu.memory_space<vmem_shared>>) offsets(%dma_start3A_21 : memref<128xi32, #tpu.memory_space<vmem>>) semaphore(%arg8 : memref<!tpu.dma_semaphore, #tpu.memory_space<semaphore_mem>>) {add = true}
    %scan3A_25 = arith.constant 0 : i32
    %scan3A_26 = arith.constant 0 : i32
    %scan3A_27 = arith.constant 39 : i32
    %scan3A_28 = arith.addi %scan3A_26, %scan3A_27 : i32
    %scan3A_29 = arith.constant 1 : i32
    %scan3A_30 = scf.for %scan3A_57 = %scan3A_26 to %scan3A_28 step %scan3A_29 iter_args(%scan3A_58 = %scan3A_25) -> (i32)  : i32 {
      %mul3A_59 = arith.constant 2 : i32
      %mul3A_60 = arith.muli %mul3A_59, %scan3A_57 : i32
      %add3A_61 = arith.constant 1 : i32
      %add3A_62 = arith.addi %mul3A_60, %add3A_61 : i32
      %dma_start3A_63 = arith.constant 0 : i32
      %dma_start3A_64 = tpu.memref_slice %arg4[%add3A_62, %dma_start3A_63] : memref<80x128xi32, #tpu.memory_space<vmem>> -> memref<1x128xi32, #tpu.memory_space<vmem>>
      %dma_start3A_65 = tpu.memref_squeeze %dma_start3A_64 : memref<1x128xi32, #tpu.memory_space<vmem>> -> memref<128xi32, #tpu.memory_space<vmem>>
      %dma_start3A_66 = arith.constant 0 : i32
      %dma_start3A_67 = arith.constant 0 : i32
      %dma_start3A_68 = tpu.memref_slice %arg7[%dma_start3A_66, %dma_start3A_67] : memref<10240x16xf32, #tpu.memory_space<vmem_shared>> -> memref<10240x16xf32, #tpu.memory_space<vmem_shared>>
      tpu.enqueue_indirect_dma source(%arg5 : memref<128x16xf32, #tpu.memory_space<vmem>>) target(%dma_start3A_68 : memref<10240x16xf32, #tpu.memory_space<vmem_shared>>) offsets(%dma_start3A_65 : memref<128xi32, #tpu.memory_space<vmem>>) semaphore(%arg9 : memref<!tpu.dma_semaphore, #tpu.memory_space<semaphore_mem>>) {add = true}
      %dma_wait3A_69 = arith.constant 0 : i32
      %dma_wait3A_70 = arith.constant 0 : i32
      %dma_wait3A_71 = tpu.memref_slice %arg4[%dma_wait3A_69, %dma_wait3A_70] : memref<80x128xi32, #tpu.memory_space<vmem>> -> memref<1x128xi32, #tpu.memory_space<vmem>>
      %dma_wait3A_72 = tpu.memref_squeeze %dma_wait3A_71 : memref<1x128xi32, #tpu.memory_space<vmem>> -> memref<128xi32, #tpu.memory_space<vmem>>
      %dma_wait3A_73 = arith.constant 0 : i32
      %dma_wait3A_74 = arith.constant 0 : i32
      %dma_wait3A_75 = tpu.memref_slice %arg7[%dma_wait3A_73, %dma_wait3A_74] : memref<10240x16xf32, #tpu.memory_space<vmem_shared>> -> memref<10240x16xf32, #tpu.memory_space<vmem_shared>>
      tpu.wait_indirect_dma semaphore(%arg8 : memref<!tpu.dma_semaphore, #tpu.memory_space<semaphore_mem>>) src(%arg5 : memref<128x16xf32, #tpu.memory_space<vmem>>) dst(%dma_wait3A_75 : memref<10240x16xf32, #tpu.memory_space<vmem_shared>>)
      %add3A_76 = arith.constant 1 : i32
      %add3A_77 = arith.addi %add3A_62, %add3A_76 : i32
      %dma_start3A_78 = arith.constant 0 : i32
      %dma_start3A_79 = tpu.memref_slice %arg4[%add3A_77, %dma_start3A_78] : memref<80x128xi32, #tpu.memory_space<vmem>> -> memref<1x128xi32, #tpu.memory_space<vmem>>
      %dma_start3A_80 = tpu.memref_squeeze %dma_start3A_79 : memref<1x128xi32, #tpu.memory_space<vmem>> -> memref<128xi32, #tpu.memory_space<vmem>>
      %dma_start3A_81 = arith.constant 0 : i32
      %dma_start3A_82 = arith.constant 0 : i32
      %dma_start3A_83 = tpu.memref_slice %arg7[%dma_start3A_81, %dma_start3A_82] : memref<10240x16xf32, #tpu.memory_space<vmem_shared>> -> memref<10240x16xf32, #tpu.memory_space<vmem_shared>>
      tpu.enqueue_indirect_dma source(%arg5 : memref<128x16xf32, #tpu.memory_space<vmem>>) target(%dma_start3A_83 : memref<10240x16xf32, #tpu.memory_space<vmem_shared>>) offsets(%dma_start3A_80 : memref<128xi32, #tpu.memory_space<vmem>>) semaphore(%arg8 : memref<!tpu.dma_semaphore, #tpu.memory_space<semaphore_mem>>) {add = true}
      %dma_wait3A_84 = arith.constant 0 : i32
      %dma_wait3A_85 = arith.constant 0 : i32
      %dma_wait3A_86 = tpu.memref_slice %arg4[%dma_wait3A_84, %dma_wait3A_85] : memref<80x128xi32, #tpu.memory_space<vmem>> -> memref<1x128xi32, #tpu.memory_space<vmem>>
      %dma_wait3A_87 = tpu.memref_squeeze %dma_wait3A_86 : memref<1x128xi32, #tpu.memory_space<vmem>> -> memref<128xi32, #tpu.memory_space<vmem>>
      %dma_wait3A_88 = arith.constant 0 : i32
      %dma_wait3A_89 = arith.constant 0 : i32
      %dma_wait3A_90 = tpu.memref_slice %arg7[%dma_wait3A_88, %dma_wait3A_89] : memref<10240x16xf32, #tpu.memory_space<vmem_shared>> -> memref<10240x16xf32, #tpu.memory_space<vmem_shared>>
      tpu.wait_indirect_dma semaphore(%arg9 : memref<!tpu.dma_semaphore, #tpu.memory_space<semaphore_mem>>) src(%arg5 : memref<128x16xf32, #tpu.memory_space<vmem>>) dst(%dma_wait3A_90 : memref<10240x16xf32, #tpu.memory_space<vmem_shared>>)
      %scan3A_91 = arith.constant 0 : i32
      scf.yield %scan3A_91 : i32
    }
    %scan3A_31 = arith.constant 39 : i32
    %dma_start3A_32 = arith.constant 79 : i32
    %dma_start3A_33 = arith.constant 0 : i32
    %dma_start3A_34 = tpu.memref_slice %arg4[%dma_start3A_32, %dma_start3A_33] : memref<80x128xi32, #tpu.memory_space<vmem>> -> memref<1x128xi32, #tpu.memory_space<vmem>>
    %dma_start3A_35 = tpu.memref_squeeze %dma_start3A_34 : memref<1x128xi32, #tpu.memory_space<vmem>> -> memref<128xi32, #tpu.memory_space<vmem>>
    %dma_start3A_36 = arith.constant 0 : i32
    %dma_start3A_37 = arith.constant 0 : i32
    %dma_start3A_38 = tpu.memref_slice %arg7[%dma_start3A_36, %dma_start3A_37] : memref<10240x16xf32, #tpu.memory_space<vmem_shared>> -> memref<10240x16xf32, #tpu.memory_space<vmem_shared>>
    tpu.enqueue_indirect_dma source(%arg5 : memref<128x16xf32, #tpu.memory_space<vmem>>) target(%dma_start3A_38 : memref<10240x16xf32, #tpu.memory_space<vmem_shared>>) offsets(%dma_start3A_35 : memref<128xi32, #tpu.memory_space<vmem>>) semaphore(%arg9 : memref<!tpu.dma_semaphore, #tpu.memory_space<semaphore_mem>>) {add = true}
    %dma_wait3A = arith.constant 0 : i32
    %dma_wait3A_39 = arith.constant 0 : i32
    %dma_wait3A_40 = tpu.memref_slice %arg4[%dma_wait3A, %dma_wait3A_39] : memref<80x128xi32, #tpu.memory_space<vmem>> -> memref<1x128xi32, #tpu.memory_space<vmem>>
    %dma_wait3A_41 = tpu.memref_squeeze %dma_wait3A_40 : memref<1x128xi32, #tpu.memory_space<vmem>> -> memref<128xi32, #tpu.memory_space<vmem>>
    %dma_wait3A_42 = arith.constant 0 : i32
    %dma_wait3A_43 = arith.constant 0 : i32
    %dma_wait3A_44 = tpu.memref_slice %arg7[%dma_wait3A_42, %dma_wait3A_43] : memref<10240x16xf32, #tpu.memory_space<vmem_shared>> -> memref<10240x16xf32, #tpu.memory_space<vmem_shared>>
    tpu.wait_indirect_dma semaphore(%arg8 : memref<!tpu.dma_semaphore, #tpu.memory_space<semaphore_mem>>) src(%arg5 : memref<128x16xf32, #tpu.memory_space<vmem>>) dst(%dma_wait3A_44 : memref<10240x16xf32, #tpu.memory_space<vmem_shared>>)
    %dma_wait3A_45 = arith.constant 0 : i32
    %dma_wait3A_46 = arith.constant 0 : i32
    %dma_wait3A_47 = tpu.memref_slice %arg4[%dma_wait3A_45, %dma_wait3A_46] : memref<80x128xi32, #tpu.memory_space<vmem>> -> memref<1x128xi32, #tpu.memory_space<vmem>>
    %dma_wait3A_48 = tpu.memref_squeeze %dma_wait3A_47 : memref<1x128xi32, #tpu.memory_space<vmem>> -> memref<128xi32, #tpu.memory_space<vmem>>
    %dma_wait3A_49 = arith.constant 0 : i32
    %dma_wait3A_50 = arith.constant 0 : i32
    %dma_wait3A_51 = tpu.memref_slice %arg7[%dma_wait3A_49, %dma_wait3A_50] : memref<10240x16xf32, #tpu.memory_space<vmem_shared>> -> memref<10240x16xf32, #tpu.memory_space<vmem_shared>>
    tpu.wait_indirect_dma semaphore(%arg9 : memref<!tpu.dma_semaphore, #tpu.memory_space<semaphore_mem>>) src(%arg5 : memref<128x16xf32, #tpu.memory_space<vmem>>) dst(%dma_wait3A_51 : memref<10240x16xf32, #tpu.memory_space<vmem_shared>>)
    %barrier3A_52 = arith.constant 0 : index
    tpu.barrier barrier_id(%barrier3A_52)
    %mul3A_53 = arith.constant 640 : i32
    %mul3A_54 = arith.muli %arg1, %mul3A_53 : i32
    %mul3A_55 = arith.constant 640 : i32
    %mul3A_56 = arith.muli %arg1, %mul3A_55 : i32
    "tpu.region"() ({
      %run_scoped3A = tpu.sem_alloc : memref<!tpu.dma_semaphore, #tpu.memory_space<semaphore_mem>>
      %dma_start3A_57 = arith.constant 0 : i32
      %dma_start3A_58 = tpu.memref_slice %arg3[%arg0, %mul3A_56, %dma_start3A_57] : memref<2x10240x16xf32, #tpu.memory_space<hbm>> -> memref<1x640x16xf32, #tpu.memory_space<hbm>>
      %dma_start3A_59 = tpu.memref_squeeze %dma_start3A_58 : memref<1x640x16xf32, #tpu.memory_space<hbm>> -> memref<640x16xf32, #tpu.memory_space<hbm>>
      %dma_start3A_60 = arith.constant 0 : i32
      %dma_start3A_61 = tpu.memref_slice %arg7[%mul3A_54, %dma_start3A_60] : memref<10240x16xf32, #tpu.memory_space<vmem_shared>> -> memref<640x16xf32, #tpu.memory_space<vmem_shared>>
      tpu.enqueue_dma source(%dma_start3A_61 : memref<640x16xf32, #tpu.memory_space<vmem_shared>>) target(%dma_start3A_59 : memref<640x16xf32, #tpu.memory_space<hbm>>) target_semaphore(%run_scoped3A : memref<!tpu.dma_semaphore, #tpu.memory_space<semaphore_mem>>)
      %dma_wait3A_62 = arith.constant 0 : i32
      %dma_wait3A_63 = tpu.memref_slice %arg3[%arg0, %mul3A_56, %dma_wait3A_62] : memref<2x10240x16xf32, #tpu.memory_space<hbm>> -> memref<1x640x16xf32, #tpu.memory_space<hbm>>
      %dma_wait3A_64 = tpu.memref_squeeze %dma_wait3A_63 : memref<1x640x16xf32, #tpu.memory_space<hbm>> -> memref<640x16xf32, #tpu.memory_space<hbm>>
      %dma_wait3A_65 = arith.constant 0 : i32
      %dma_wait3A_66 = tpu.memref_slice %arg7[%mul3A_54, %dma_wait3A_65] : memref<10240x16xf32, #tpu.memory_space<vmem_shared>> -> memref<640x16xf32, #tpu.memory_space<vmem_shared>>
      tpu.wait_dma2 semaphore(%run_scoped3A : memref<!tpu.dma_semaphore, #tpu.memory_space<semaphore_mem>>) src(%dma_wait3A_66 : memref<640x16xf32, #tpu.memory_space<vmem_shared>>) dst(%dma_wait3A_64 : memref<640x16xf32, #tpu.memory_space<hbm>>)
      tpu.yield
    }) : () -> ()
    return
  }
}

#map = affine_map<(d0, d1) -> (0, 0)>
#map1 = affine_map<(d0, d1) -> (0, 0, 0)>
module attributes {stable_mosaic.version = 14 : i64} {
  func.func @body(%arg0: i32, %arg1: i32, %arg2: memref<10000x48xf32, #tpu.memory_space<hbm>>, %arg3: memref<32x80x128xi32, #tpu.memory_space<hbm>>, %arg4: memref<32x80x128xi32, #tpu.memory_space<hbm>>, %arg5: memref<2x10240x48xf32, #tpu.memory_space<hbm>>, %arg6: memref<80x128xi32, #tpu.memory_space<vmem>>, %arg7: memref<80x128xi32, #tpu.memory_space<vmem>>, %arg8: memref<128x48xf32, #tpu.memory_space<vmem>>, %arg9: memref<128x48xf32, #tpu.memory_space<vmem>>, %arg10: memref<128x48xf32, #tpu.memory_space<vmem>>, %arg11: memref<128x48xf32, #tpu.memory_space<vmem>>, %arg12: memref<128x48xf32, #tpu.memory_space<vmem>>, %arg13: memref<10240x48xf32, #tpu.memory_space<vmem_shared>>, %arg14: memref<!tpu.dma_semaphore, #tpu.memory_space<semaphore_mem>>, %arg15: memref<!tpu.dma_semaphore, #tpu.memory_space<semaphore_mem>>, %arg16: memref<!tpu.dma_semaphore, #tpu.memory_space<semaphore_mem>>, %arg17: memref<!tpu.dma_semaphore, #tpu.memory_space<semaphore_mem>>, %arg18: memref<!tpu.dma_semaphore, #tpu.memory_space<semaphore_mem>>, %arg19: memref<!tpu.dma_semaphore, #tpu.memory_space<semaphore_mem>>, %arg20: memref<!tpu.dma_semaphore, #tpu.memory_space<semaphore_mem>>, %arg21: memref<!tpu.dma_semaphore, #tpu.memory_space<semaphore_mem>>) attributes {dimension_semantics = [#tpu.dimension_semantics<core_parallel>, #tpu.dimension_semantics<subcore_parallel>], iteration_bounds = array<i64: 2, 16>, scalar_prefetch = 0 : i64, scratch_operands = 16 : i64, tpu.core_type = #tpu.core_type<sc_vector_subcore>, window_params = [{transform_indices = #map}, {transform_indices = #map1}, {transform_indices = #map1}, {transform_indices = #map1}]} {
    %mul3A = arith.constant 16 : i32
    %mul3A_0 = arith.muli %arg0, %mul3A : i32
    %add3A = arith.addi %mul3A_0, %arg1 : i32
    %broadcast_in_dim3A = arith.constant 0.000000e+00 : f32
    %broadcast_in_dim3A_1 = vector.broadcast %broadcast_in_dim3A : f32 to vector<16xf32>
    %scan3A = arith.constant 0 : i32
    %scan3A_2 = arith.constant 0 : i32
    %scan3A_3 = arith.constant 128 : i32
    %scan3A_4 = arith.addi %scan3A_2, %scan3A_3 : i32
    %scan3A_5 = arith.constant 1 : i32
    %scan3A_6 = scf.for %scan3A_150 = %scan3A_2 to %scan3A_4 step %scan3A_5 iter_args(%scan3A_151 = %scan3A) -> (i32)  : i32 {
      %swap3A = arith.index_cast %scan3A_150 : i32 to index
      %swap3A_152 = arith.constant 0 : index
      %swap3A_153 = tpu.vector_load %arg12[%swap3A, %swap3A_152] {strides = array<i32>} : memref<128x48xf32, #tpu.memory_space<vmem>>, vector<1x16xf32>,
      %swap3A_154 = vector.shape_cast %swap3A_153 : vector<1x16xf32> to vector<16xf32>
      %swap3A_155 = vector.shape_cast %broadcast_in_dim3A_1 : vector<16xf32> to vector<1x16xf32>
      tpu.vector_store %arg12[%swap3A, %swap3A_152], %swap3A_155 {strides = array<i32>} : memref<128x48xf32, #tpu.memory_space<vmem>>, vector<1x16xf32>,
      %swap3A_156 = arith.index_cast %scan3A_150 : i32 to index
      %swap3A_157 = arith.constant 16 : index
      %swap3A_158 = tpu.vector_load %arg12[%swap3A_156, %swap3A_157] {strides = array<i32>} : memref<128x48xf32, #tpu.memory_space<vmem>>, vector<1x16xf32>,
      %swap3A_159 = vector.shape_cast %swap3A_158 : vector<1x16xf32> to vector<16xf32>
      %swap3A_160 = vector.shape_cast %broadcast_in_dim3A_1 : vector<16xf32> to vector<1x16xf32>
      tpu.vector_store %arg12[%swap3A_156, %swap3A_157], %swap3A_160 {strides = array<i32>} : memref<128x48xf32, #tpu.memory_space<vmem>>, vector<1x16xf32>,
      %swap3A_161 = arith.index_cast %scan3A_150 : i32 to index
      %swap3A_162 = arith.constant 32 : index
      %swap3A_163 = tpu.vector_load %arg12[%swap3A_161, %swap3A_162] {strides = array<i32>} : memref<128x48xf32, #tpu.memory_space<vmem>>, vector<1x16xf32>,
      %swap3A_164 = vector.shape_cast %swap3A_163 : vector<1x16xf32> to vector<16xf32>
      %swap3A_165 = vector.shape_cast %broadcast_in_dim3A_1 : vector<16xf32> to vector<1x16xf32>
      tpu.vector_store %arg12[%swap3A_161, %swap3A_162], %swap3A_165 {strides = array<i32>} : memref<128x48xf32, #tpu.memory_space<vmem>>, vector<1x16xf32>,
      %scan3A_166 = arith.constant 0 : i32
      scf.yield %scan3A_166 : i32
    }
    %scan3A_7 = arith.constant 128 : i32
    %mul3A_8 = arith.constant 640 : i32
    %mul3A_9 = arith.muli %arg1, %mul3A_8 : i32
    %add3A_10 = arith.constant 0 : i32
    %add3A_11 = arith.addi %mul3A_9, %add3A_10 : i32
    "tpu.region"() ({
      %run_scoped3A = tpu.sem_alloc : memref<!tpu.dma_semaphore, #tpu.memory_space<semaphore_mem>>
      %dma_start3A_150 = arith.constant 0 : i32
      %dma_start3A_151 = tpu.memref_slice %arg13[%add3A_11, %dma_start3A_150] : memref<10240x48xf32, #tpu.memory_space<vmem_shared>> -> memref<128x48xf32, #tpu.memory_space<vmem_shared>>
      %dma_start3A_152 = arith.constant 0 : i32
      %dma_start3A_153 = tpu.memref_slice %arg13[%add3A_11, %dma_start3A_152] : memref<10240x48xf32, #tpu.memory_space<vmem_shared>> -> memref<128x48xf32, #tpu.memory_space<vmem_shared>>
      tpu.enqueue_dma source(%arg12 : memref<128x48xf32, #tpu.memory_space<vmem>>) target(%dma_start3A_153 : memref<128x48xf32, #tpu.memory_space<vmem_shared>>) target_semaphore(%run_scoped3A : memref<!tpu.dma_semaphore, #tpu.memory_space<semaphore_mem>>)
      %dma_wait3A_154 = arith.constant 0 : i32
      %dma_wait3A_155 = tpu.memref_slice %arg13[%add3A_11, %dma_wait3A_154] : memref<10240x48xf32, #tpu.memory_space<vmem_shared>> -> memref<128x48xf32, #tpu.memory_space<vmem_shared>>
      %dma_wait3A_156 = arith.constant 0 : i32
      %dma_wait3A_157 = tpu.memref_slice %arg13[%add3A_11, %dma_wait3A_156] : memref<10240x48xf32, #tpu.memory_space<vmem_shared>> -> memref<128x48xf32, #tpu.memory_space<vmem_shared>>
      tpu.wait_dma2 semaphore(%run_scoped3A : memref<!tpu.dma_semaphore, #tpu.memory_space<semaphore_mem>>) src(%arg12 : memref<128x48xf32, #tpu.memory_space<vmem>>) dst(%dma_wait3A_157 : memref<128x48xf32, #tpu.memory_space<vmem_shared>>)
      tpu.yield
    }) : () -> ()
    %mul3A_12 = arith.constant 640 : i32
    %mul3A_13 = arith.muli %arg1, %mul3A_12 : i32
    %add3A_14 = arith.constant 128 : i32
    %add3A_15 = arith.addi %mul3A_13, %add3A_14 : i32
    "tpu.region"() ({
      %run_scoped3A = tpu.sem_alloc : memref<!tpu.dma_semaphore, #tpu.memory_space<semaphore_mem>>
      %dma_start3A_150 = arith.constant 0 : i32
      %dma_start3A_151 = tpu.memref_slice %arg13[%add3A_15, %dma_start3A_150] : memref<10240x48xf32, #tpu.memory_space<vmem_shared>> -> memref<128x48xf32, #tpu.memory_space<vmem_shared>>
      %dma_start3A_152 = arith.constant 0 : i32
      %dma_start3A_153 = tpu.memref_slice %arg13[%add3A_15, %dma_start3A_152] : memref<10240x48xf32, #tpu.memory_space<vmem_shared>> -> memref<128x48xf32, #tpu.memory_space<vmem_shared>>
      tpu.enqueue_dma source(%arg12 : memref<128x48xf32, #tpu.memory_space<vmem>>) target(%dma_start3A_153 : memref<128x48xf32, #tpu.memory_space<vmem_shared>>) target_semaphore(%run_scoped3A : memref<!tpu.dma_semaphore, #tpu.memory_space<semaphore_mem>>)
      %dma_wait3A_154 = arith.constant 0 : i32
      %dma_wait3A_155 = tpu.memref_slice %arg13[%add3A_15, %dma_wait3A_154] : memref<10240x48xf32, #tpu.memory_space<vmem_shared>> -> memref<128x48xf32, #tpu.memory_space<vmem_shared>>
      %dma_wait3A_156 = arith.constant 0 : i32
      %dma_wait3A_157 = tpu.memref_slice %arg13[%add3A_15, %dma_wait3A_156] : memref<10240x48xf32, #tpu.memory_space<vmem_shared>> -> memref<128x48xf32, #tpu.memory_space<vmem_shared>>
      tpu.wait_dma2 semaphore(%run_scoped3A : memref<!tpu.dma_semaphore, #tpu.memory_space<semaphore_mem>>) src(%arg12 : memref<128x48xf32, #tpu.memory_space<vmem>>) dst(%dma_wait3A_157 : memref<128x48xf32, #tpu.memory_space<vmem_shared>>)
      tpu.yield
    }) : () -> ()
    %mul3A_16 = arith.constant 640 : i32
    %mul3A_17 = arith.muli %arg1, %mul3A_16 : i32
    %add3A_18 = arith.constant 256 : i32
    %add3A_19 = arith.addi %mul3A_17, %add3A_18 : i32
    "tpu.region"() ({
      %run_scoped3A = tpu.sem_alloc : memref<!tpu.dma_semaphore, #tpu.memory_space<semaphore_mem>>
      %dma_start3A_150 = arith.constant 0 : i32
      %dma_start3A_151 = tpu.memref_slice %arg13[%add3A_19, %dma_start3A_150] : memref<10240x48xf32, #tpu.memory_space<vmem_shared>> -> memref<128x48xf32, #tpu.memory_space<vmem_shared>>
      %dma_start3A_152 = arith.constant 0 : i32
      %dma_start3A_153 = tpu.memref_slice %arg13[%add3A_19, %dma_start3A_152] : memref<10240x48xf32, #tpu.memory_space<vmem_shared>> -> memref<128x48xf32, #tpu.memory_space<vmem_shared>>
      tpu.enqueue_dma source(%arg12 : memref<128x48xf32, #tpu.memory_space<vmem>>) target(%dma_start3A_153 : memref<128x48xf32, #tpu.memory_space<vmem_shared>>) target_semaphore(%run_scoped3A : memref<!tpu.dma_semaphore, #tpu.memory_space<semaphore_mem>>)
      %dma_wait3A_154 = arith.constant 0 : i32
      %dma_wait3A_155 = tpu.memref_slice %arg13[%add3A_19, %dma_wait3A_154] : memref<10240x48xf32, #tpu.memory_space<vmem_shared>> -> memref<128x48xf32, #tpu.memory_space<vmem_shared>>
      %dma_wait3A_156 = arith.constant 0 : i32
      %dma_wait3A_157 = tpu.memref_slice %arg13[%add3A_19, %dma_wait3A_156] : memref<10240x48xf32, #tpu.memory_space<vmem_shared>> -> memref<128x48xf32, #tpu.memory_space<vmem_shared>>
      tpu.wait_dma2 semaphore(%run_scoped3A : memref<!tpu.dma_semaphore, #tpu.memory_space<semaphore_mem>>) src(%arg12 : memref<128x48xf32, #tpu.memory_space<vmem>>) dst(%dma_wait3A_157 : memref<128x48xf32, #tpu.memory_space<vmem_shared>>)
      tpu.yield
    }) : () -> ()
    %mul3A_20 = arith.constant 640 : i32
    %mul3A_21 = arith.muli %arg1, %mul3A_20 : i32
    %add3A_22 = arith.constant 384 : i32
    %add3A_23 = arith.addi %mul3A_21, %add3A_22 : i32
    "tpu.region"() ({
      %run_scoped3A = tpu.sem_alloc : memref<!tpu.dma_semaphore, #tpu.memory_space<semaphore_mem>>
      %dma_start3A_150 = arith.constant 0 : i32
      %dma_start3A_151 = tpu.memref_slice %arg13[%add3A_23, %dma_start3A_150] : memref<10240x48xf32, #tpu.memory_space<vmem_shared>> -> memref<128x48xf32, #tpu.memory_space<vmem_shared>>
      %dma_start3A_152 = arith.constant 0 : i32
      %dma_start3A_153 = tpu.memref_slice %arg13[%add3A_23, %dma_start3A_152] : memref<10240x48xf32, #tpu.memory_space<vmem_shared>> -> memref<128x48xf32, #tpu.memory_space<vmem_shared>>
      tpu.enqueue_dma source(%arg12 : memref<128x48xf32, #tpu.memory_space<vmem>>) target(%dma_start3A_153 : memref<128x48xf32, #tpu.memory_space<vmem_shared>>) target_semaphore(%run_scoped3A : memref<!tpu.dma_semaphore, #tpu.memory_space<semaphore_mem>>)
      %dma_wait3A_154 = arith.constant 0 : i32
      %dma_wait3A_155 = tpu.memref_slice %arg13[%add3A_23, %dma_wait3A_154] : memref<10240x48xf32, #tpu.memory_space<vmem_shared>> -> memref<128x48xf32, #tpu.memory_space<vmem_shared>>
      %dma_wait3A_156 = arith.constant 0 : i32
      %dma_wait3A_157 = tpu.memref_slice %arg13[%add3A_23, %dma_wait3A_156] : memref<10240x48xf32, #tpu.memory_space<vmem_shared>> -> memref<128x48xf32, #tpu.memory_space<vmem_shared>>
      tpu.wait_dma2 semaphore(%run_scoped3A : memref<!tpu.dma_semaphore, #tpu.memory_space<semaphore_mem>>) src(%arg12 : memref<128x48xf32, #tpu.memory_space<vmem>>) dst(%dma_wait3A_157 : memref<128x48xf32, #tpu.memory_space<vmem_shared>>)
      tpu.yield
    }) : () -> ()
    %mul3A_24 = arith.constant 640 : i32
    %mul3A_25 = arith.muli %arg1, %mul3A_24 : i32
    %add3A_26 = arith.constant 512 : i32
    %add3A_27 = arith.addi %mul3A_25, %add3A_26 : i32
    "tpu.region"() ({
      %run_scoped3A = tpu.sem_alloc : memref<!tpu.dma_semaphore, #tpu.memory_space<semaphore_mem>>
      %dma_start3A_150 = arith.constant 0 : i32
      %dma_start3A_151 = tpu.memref_slice %arg13[%add3A_27, %dma_start3A_150] : memref<10240x48xf32, #tpu.memory_space<vmem_shared>> -> memref<128x48xf32, #tpu.memory_space<vmem_shared>>
      %dma_start3A_152 = arith.constant 0 : i32
      %dma_start3A_153 = tpu.memref_slice %arg13[%add3A_27, %dma_start3A_152] : memref<10240x48xf32, #tpu.memory_space<vmem_shared>> -> memref<128x48xf32, #tpu.memory_space<vmem_shared>>
      tpu.enqueue_dma source(%arg12 : memref<128x48xf32, #tpu.memory_space<vmem>>) target(%dma_start3A_153 : memref<128x48xf32, #tpu.memory_space<vmem_shared>>) target_semaphore(%run_scoped3A : memref<!tpu.dma_semaphore, #tpu.memory_space<semaphore_mem>>)
      %dma_wait3A_154 = arith.constant 0 : i32
      %dma_wait3A_155 = tpu.memref_slice %arg13[%add3A_27, %dma_wait3A_154] : memref<10240x48xf32, #tpu.memory_space<vmem_shared>> -> memref<128x48xf32, #tpu.memory_space<vmem_shared>>
      %dma_wait3A_156 = arith.constant 0 : i32
      %dma_wait3A_157 = tpu.memref_slice %arg13[%add3A_27, %dma_wait3A_156] : memref<10240x48xf32, #tpu.memory_space<vmem_shared>> -> memref<128x48xf32, #tpu.memory_space<vmem_shared>>
      tpu.wait_dma2 semaphore(%run_scoped3A : memref<!tpu.dma_semaphore, #tpu.memory_space<semaphore_mem>>) src(%arg12 : memref<128x48xf32, #tpu.memory_space<vmem>>) dst(%dma_wait3A_157 : memref<128x48xf32, #tpu.memory_space<vmem_shared>>)
      tpu.yield
    }) : () -> ()
    "tpu.region"() ({
      %run_scoped3A = tpu.sem_alloc : memref<!tpu.dma_semaphore, #tpu.memory_space<semaphore_mem>>
      %dma_start3A_150 = arith.constant 0 : i32
      %dma_start3A_151 = arith.constant 0 : i32
      %dma_start3A_152 = tpu.memref_slice %arg3[%add3A, %dma_start3A_150, %dma_start3A_151] : memref<32x80x128xi32, #tpu.memory_space<hbm>> -> memref<1x80x128xi32, #tpu.memory_space<hbm>>
      %dma_start3A_153 = tpu.memref_squeeze %dma_start3A_152 : memref<1x80x128xi32, #tpu.memory_space<hbm>> -> memref<80x128xi32, #tpu.memory_space<hbm>>
      %dma_start3A_154 = arith.constant 0 : i32
      %dma_start3A_155 = arith.constant 0 : i32
      %dma_start3A_156 = tpu.memref_slice %arg3[%add3A, %dma_start3A_154, %dma_start3A_155] : memref<32x80x128xi32, #tpu.memory_space<hbm>> -> memref<1x80x128xi32, #tpu.memory_space<hbm>>
      %dma_start3A_157 = tpu.memref_squeeze %dma_start3A_156 : memref<1x80x128xi32, #tpu.memory_space<hbm>> -> memref<80x128xi32, #tpu.memory_space<hbm>>
      tpu.enqueue_dma source(%dma_start3A_157 : memref<80x128xi32, #tpu.memory_space<hbm>>) target(%arg6 : memref<80x128xi32, #tpu.memory_space<vmem>>) target_semaphore(%run_scoped3A : memref<!tpu.dma_semaphore, #tpu.memory_space<semaphore_mem>>)
      %dma_wait3A_158 = arith.constant 0 : i32
      %dma_wait3A_159 = arith.constant 0 : i32
      %dma_wait3A_160 = tpu.memref_slice %arg3[%add3A, %dma_wait3A_158, %dma_wait3A_159] : memref<32x80x128xi32, #tpu.memory_space<hbm>> -> memref<1x80x128xi32, #tpu.memory_space<hbm>>
      %dma_wait3A_161 = tpu.memref_squeeze %dma_wait3A_160 : memref<1x80x128xi32, #tpu.memory_space<hbm>> -> memref<80x128xi32, #tpu.memory_space<hbm>>
      %dma_wait3A_162 = arith.constant 0 : i32
      %dma_wait3A_163 = arith.constant 0 : i32
      %dma_wait3A_164 = tpu.memref_slice %arg3[%add3A, %dma_wait3A_162, %dma_wait3A_163] : memref<32x80x128xi32, #tpu.memory_space<hbm>> -> memref<1x80x128xi32, #tpu.memory_space<hbm>>
      %dma_wait3A_165 = tpu.memref_squeeze %dma_wait3A_164 : memref<1x80x128xi32, #tpu.memory_space<hbm>> -> memref<80x128xi32, #tpu.memory_space<hbm>>
      tpu.wait_dma2 semaphore(%run_scoped3A : memref<!tpu.dma_semaphore, #tpu.memory_space<semaphore_mem>>) src(%dma_wait3A_165 : memref<80x128xi32, #tpu.memory_space<hbm>>) dst(%arg6 : memref<80x128xi32, #tpu.memory_space<vmem>>)
      tpu.yield
    }) : () -> ()
    "tpu.region"() ({
      %run_scoped3A = tpu.sem_alloc : memref<!tpu.dma_semaphore, #tpu.memory_space<semaphore_mem>>
      %dma_start3A_150 = arith.constant 0 : i32
      %dma_start3A_151 = arith.constant 0 : i32
      %dma_start3A_152 = tpu.memref_slice %arg4[%add3A, %dma_start3A_150, %dma_start3A_151] : memref<32x80x128xi32, #tpu.memory_space<hbm>> -> memref<1x80x128xi32, #tpu.memory_space<hbm>>
      %dma_start3A_153 = tpu.memref_squeeze %dma_start3A_152 : memref<1x80x128xi32, #tpu.memory_space<hbm>> -> memref<80x128xi32, #tpu.memory_space<hbm>>
      %dma_start3A_154 = arith.constant 0 : i32
      %dma_start3A_155 = arith.constant 0 : i32
      %dma_start3A_156 = tpu.memref_slice %arg4[%add3A, %dma_start3A_154, %dma_start3A_155] : memref<32x80x128xi32, #tpu.memory_space<hbm>> -> memref<1x80x128xi32, #tpu.memory_space<hbm>>
      %dma_start3A_157 = tpu.memref_squeeze %dma_start3A_156 : memref<1x80x128xi32, #tpu.memory_space<hbm>> -> memref<80x128xi32, #tpu.memory_space<hbm>>
      tpu.enqueue_dma source(%dma_start3A_157 : memref<80x128xi32, #tpu.memory_space<hbm>>) target(%arg7 : memref<80x128xi32, #tpu.memory_space<vmem>>) target_semaphore(%run_scoped3A : memref<!tpu.dma_semaphore, #tpu.memory_space<semaphore_mem>>)
      %dma_wait3A_158 = arith.constant 0 : i32
      %dma_wait3A_159 = arith.constant 0 : i32
      %dma_wait3A_160 = tpu.memref_slice %arg4[%add3A, %dma_wait3A_158, %dma_wait3A_159] : memref<32x80x128xi32, #tpu.memory_space<hbm>> -> memref<1x80x128xi32, #tpu.memory_space<hbm>>
      %dma_wait3A_161 = tpu.memref_squeeze %dma_wait3A_160 : memref<1x80x128xi32, #tpu.memory_space<hbm>> -> memref<80x128xi32, #tpu.memory_space<hbm>>
      %dma_wait3A_162 = arith.constant 0 : i32
      %dma_wait3A_163 = arith.constant 0 : i32
      %dma_wait3A_164 = tpu.memref_slice %arg4[%add3A, %dma_wait3A_162, %dma_wait3A_163] : memref<32x80x128xi32, #tpu.memory_space<hbm>> -> memref<1x80x128xi32, #tpu.memory_space<hbm>>
      %dma_wait3A_165 = tpu.memref_squeeze %dma_wait3A_164 : memref<1x80x128xi32, #tpu.memory_space<hbm>> -> memref<80x128xi32, #tpu.memory_space<hbm>>
      tpu.wait_dma2 semaphore(%run_scoped3A : memref<!tpu.dma_semaphore, #tpu.memory_space<semaphore_mem>>) src(%dma_wait3A_165 : memref<80x128xi32, #tpu.memory_space<hbm>>) dst(%arg7 : memref<80x128xi32, #tpu.memory_space<vmem>>)
      tpu.yield
    }) : () -> ()
    %barrier3A = arith.constant 0 : index
    tpu.barrier barrier_id(%barrier3A)
    %dma_start3A = arith.constant 0 : i32
    %dma_start3A_28 = arith.constant 0 : i32
    %dma_start3A_29 = tpu.memref_slice %arg6[%dma_start3A, %dma_start3A_28] : memref<80x128xi32, #tpu.memory_space<vmem>> -> memref<1x128xi32, #tpu.memory_space<vmem>>
    %dma_start3A_30 = tpu.memref_squeeze %dma_start3A_29 : memref<1x128xi32, #tpu.memory_space<vmem>> -> memref<128xi32, #tpu.memory_space<vmem>>
    %dma_start3A_31 = arith.constant 0 : i32
    %dma_start3A_32 = arith.constant 0 : i32
    %dma_start3A_33 = tpu.memref_slice %arg2[%dma_start3A_31, %dma_start3A_32] : memref<10000x48xf32, #tpu.memory_space<hbm>> -> memref<10000x48xf32, #tpu.memory_space<hbm>>
    tpu.enqueue_indirect_dma source(%dma_start3A_33 : memref<10000x48xf32, #tpu.memory_space<hbm>>) target(%arg8 : memref<128x48xf32, #tpu.memory_space<vmem>>) offsets(%dma_start3A_30 : memref<128xi32, #tpu.memory_space<vmem>>) semaphore(%arg14 : memref<!tpu.dma_semaphore, #tpu.memory_space<semaphore_mem>>)
    %dma_start3A_34 = arith.constant 1 : i32
    %dma_start3A_35 = arith.constant 0 : i32
    %dma_start3A_36 = tpu.memref_slice %arg6[%dma_start3A_34, %dma_start3A_35] : memref<80x128xi32, #tpu.memory_space<vmem>> -> memref<1x128xi32, #tpu.memory_space<vmem>>
    %dma_start3A_37 = tpu.memref_squeeze %dma_start3A_36 : memref<1x128xi32, #tpu.memory_space<vmem>> -> memref<128xi32, #tpu.memory_space<vmem>>
    %dma_start3A_38 = arith.constant 0 : i32
    %dma_start3A_39 = arith.constant 0 : i32
    %dma_start3A_40 = tpu.memref_slice %arg2[%dma_start3A_38, %dma_start3A_39] : memref<10000x48xf32, #tpu.memory_space<hbm>> -> memref<10000x48xf32, #tpu.memory_space<hbm>>
    tpu.enqueue_indirect_dma source(%dma_start3A_40 : memref<10000x48xf32, #tpu.memory_space<hbm>>) target(%arg9 : memref<128x48xf32, #tpu.memory_space<vmem>>) offsets(%dma_start3A_37 : memref<128xi32, #tpu.memory_space<vmem>>) semaphore(%arg15 : memref<!tpu.dma_semaphore, #tpu.memory_space<semaphore_mem>>)
    %dma_wait3A = arith.constant 0 : i32
    %dma_wait3A_41 = arith.constant 0 : i32
    %dma_wait3A_42 = tpu.memref_slice %arg6[%dma_wait3A, %dma_wait3A_41] : memref<80x128xi32, #tpu.memory_space<vmem>> -> memref<1x128xi32, #tpu.memory_space<vmem>>
    %dma_wait3A_43 = tpu.memref_squeeze %dma_wait3A_42 : memref<1x128xi32, #tpu.memory_space<vmem>> -> memref<128xi32, #tpu.memory_space<vmem>>
    %dma_wait3A_44 = arith.constant 0 : i32
    %dma_wait3A_45 = arith.constant 0 : i32
    %dma_wait3A_46 = tpu.memref_slice %arg2[%dma_wait3A_44, %dma_wait3A_45] : memref<10000x48xf32, #tpu.memory_space<hbm>> -> memref<10000x48xf32, #tpu.memory_space<hbm>>
    tpu.wait_indirect_dma semaphore(%arg14 : memref<!tpu.dma_semaphore, #tpu.memory_space<semaphore_mem>>) src(%dma_wait3A_46 : memref<10000x48xf32, #tpu.memory_space<hbm>>) dst(%arg8 : memref<128x48xf32, #tpu.memory_space<vmem>>)
    %dma_start3A_47 = arith.constant 0 : i32
    %dma_start3A_48 = arith.constant 0 : i32
    %dma_start3A_49 = tpu.memref_slice %arg7[%dma_start3A_47, %dma_start3A_48] : memref<80x128xi32, #tpu.memory_space<vmem>> -> memref<1x128xi32, #tpu.memory_space<vmem>>
    %dma_start3A_50 = tpu.memref_squeeze %dma_start3A_49 : memref<1x128xi32, #tpu.memory_space<vmem>> -> memref<128xi32, #tpu.memory_space<vmem>>
    %dma_start3A_51 = arith.constant 0 : i32
    %dma_start3A_52 = arith.constant 0 : i32
    %dma_start3A_53 = tpu.memref_slice %arg13[%dma_start3A_51, %dma_start3A_52] : memref<10240x48xf32, #tpu.memory_space<vmem_shared>> -> memref<10240x48xf32, #tpu.memory_space<vmem_shared>>
    tpu.enqueue_indirect_dma source(%arg8 : memref<128x48xf32, #tpu.memory_space<vmem>>) target(%dma_start3A_53 : memref<10240x48xf32, #tpu.memory_space<vmem_shared>>) offsets(%dma_start3A_50 : memref<128xi32, #tpu.memory_space<vmem>>) semaphore(%arg18 : memref<!tpu.dma_semaphore, #tpu.memory_space<semaphore_mem>>) {add = true}
    %dma_start3A_54 = arith.constant 2 : i32
    %dma_start3A_55 = arith.constant 0 : i32
    %dma_start3A_56 = tpu.memref_slice %arg6[%dma_start3A_54, %dma_start3A_55] : memref<80x128xi32, #tpu.memory_space<vmem>> -> memref<1x128xi32, #tpu.memory_space<vmem>>
    %dma_start3A_57 = tpu.memref_squeeze %dma_start3A_56 : memref<1x128xi32, #tpu.memory_space<vmem>> -> memref<128xi32, #tpu.memory_space<vmem>>
    %dma_start3A_58 = arith.constant 0 : i32
    %dma_start3A_59 = arith.constant 0 : i32
    %dma_start3A_60 = tpu.memref_slice %arg2[%dma_start3A_58, %dma_start3A_59] : memref<10000x48xf32, #tpu.memory_space<hbm>> -> memref<10000x48xf32, #tpu.memory_space<hbm>>
    tpu.enqueue_indirect_dma source(%dma_start3A_60 : memref<10000x48xf32, #tpu.memory_space<hbm>>) target(%arg10 : memref<128x48xf32, #tpu.memory_space<vmem>>) offsets(%dma_start3A_57 : memref<128xi32, #tpu.memory_space<vmem>>) semaphore(%arg16 : memref<!tpu.dma_semaphore, #tpu.memory_space<semaphore_mem>>)
    %dma_wait3A_61 = arith.constant 0 : i32
    %dma_wait3A_62 = arith.constant 0 : i32
    %dma_wait3A_63 = tpu.memref_slice %arg6[%dma_wait3A_61, %dma_wait3A_62] : memref<80x128xi32, #tpu.memory_space<vmem>> -> memref<1x128xi32, #tpu.memory_space<vmem>>
    %dma_wait3A_64 = tpu.memref_squeeze %dma_wait3A_63 : memref<1x128xi32, #tpu.memory_space<vmem>> -> memref<128xi32, #tpu.memory_space<vmem>>
    %dma_wait3A_65 = arith.constant 0 : i32
    %dma_wait3A_66 = arith.constant 0 : i32
    %dma_wait3A_67 = tpu.memref_slice %arg2[%dma_wait3A_65, %dma_wait3A_66] : memref<10000x48xf32, #tpu.memory_space<hbm>> -> memref<10000x48xf32, #tpu.memory_space<hbm>>
    tpu.wait_indirect_dma semaphore(%arg15 : memref<!tpu.dma_semaphore, #tpu.memory_space<semaphore_mem>>) src(%dma_wait3A_67 : memref<10000x48xf32, #tpu.memory_space<hbm>>) dst(%arg9 : memref<128x48xf32, #tpu.memory_space<vmem>>)
    %dma_start3A_68 = arith.constant 1 : i32
    %dma_start3A_69 = arith.constant 0 : i32
    %dma_start3A_70 = tpu.memref_slice %arg7[%dma_start3A_68, %dma_start3A_69] : memref<80x128xi32, #tpu.memory_space<vmem>> -> memref<1x128xi32, #tpu.memory_space<vmem>>
    %dma_start3A_71 = tpu.memref_squeeze %dma_start3A_70 : memref<1x128xi32, #tpu.memory_space<vmem>> -> memref<128xi32, #tpu.memory_space<vmem>>
    %dma_start3A_72 = arith.constant 0 : i32
    %dma_start3A_73 = arith.constant 0 : i32
    %dma_start3A_74 = tpu.memref_slice %arg13[%dma_start3A_72, %dma_start3A_73] : memref<10240x48xf32, #tpu.memory_space<vmem_shared>> -> memref<10240x48xf32, #tpu.memory_space<vmem_shared>>
    tpu.enqueue_indirect_dma source(%arg9 : memref<128x48xf32, #tpu.memory_space<vmem>>) target(%dma_start3A_74 : memref<10240x48xf32, #tpu.memory_space<vmem_shared>>) offsets(%dma_start3A_71 : memref<128xi32, #tpu.memory_space<vmem>>) semaphore(%arg19 : memref<!tpu.dma_semaphore, #tpu.memory_space<semaphore_mem>>) {add = true}
    %dma_start3A_75 = arith.constant 3 : i32
    %dma_start3A_76 = arith.constant 0 : i32
    %dma_start3A_77 = tpu.memref_slice %arg6[%dma_start3A_75, %dma_start3A_76] : memref<80x128xi32, #tpu.memory_space<vmem>> -> memref<1x128xi32, #tpu.memory_space<vmem>>
    %dma_start3A_78 = tpu.memref_squeeze %dma_start3A_77 : memref<1x128xi32, #tpu.memory_space<vmem>> -> memref<128xi32, #tpu.memory_space<vmem>>
    %dma_start3A_79 = arith.constant 0 : i32
    %dma_start3A_80 = arith.constant 0 : i32
    %dma_start3A_81 = tpu.memref_slice %arg2[%dma_start3A_79, %dma_start3A_80] : memref<10000x48xf32, #tpu.memory_space<hbm>> -> memref<10000x48xf32, #tpu.memory_space<hbm>>
    tpu.enqueue_indirect_dma source(%dma_start3A_81 : memref<10000x48xf32, #tpu.memory_space<hbm>>) target(%arg11 : memref<128x48xf32, #tpu.memory_space<vmem>>) offsets(%dma_start3A_78 : memref<128xi32, #tpu.memory_space<vmem>>) semaphore(%arg17 : memref<!tpu.dma_semaphore, #tpu.memory_space<semaphore_mem>>)
    %scan3A_82 = arith.constant 0 : i32
    %scan3A_83 = arith.constant 0 : i32
    %scan3A_84 = arith.constant 19 : i32
    %scan3A_85 = arith.addi %scan3A_83, %scan3A_84 : i32
    %scan3A_86 = arith.constant 1 : i32
    %scan3A_87 = scf.for %scan3A_150 = %scan3A_83 to %scan3A_85 step %scan3A_86 iter_args(%scan3A_151 = %scan3A_82) -> (i32)  : i32 {
      %mul3A_152 = arith.constant 4 : i32
      %mul3A_153 = arith.muli %mul3A_152, %scan3A_150 : i32
      %add3A_154 = arith.constant 2 : i32
      %add3A_155 = arith.addi %add3A_154, %mul3A_153 : i32
      %add3A_156 = arith.constant 0 : i32
      %add3A_157 = arith.addi %add3A_155, %add3A_156 : i32
      %dma_wait3A_158 = arith.constant 0 : i32
      %dma_wait3A_159 = arith.constant 0 : i32
      %dma_wait3A_160 = tpu.memref_slice %arg6[%dma_wait3A_158, %dma_wait3A_159] : memref<80x128xi32, #tpu.memory_space<vmem>> -> memref<1x128xi32, #tpu.memory_space<vmem>>
      %dma_wait3A_161 = tpu.memref_squeeze %dma_wait3A_160 : memref<1x128xi32, #tpu.memory_space<vmem>> -> memref<128xi32, #tpu.memory_space<vmem>>
      %dma_wait3A_162 = arith.constant 0 : i32
      %dma_wait3A_163 = arith.constant 0 : i32
      %dma_wait3A_164 = tpu.memref_slice %arg2[%dma_wait3A_162, %dma_wait3A_163] : memref<10000x48xf32, #tpu.memory_space<hbm>> -> memref<10000x48xf32, #tpu.memory_space<hbm>>
      tpu.wait_indirect_dma semaphore(%arg16 : memref<!tpu.dma_semaphore, #tpu.memory_space<semaphore_mem>>) src(%dma_wait3A_164 : memref<10000x48xf32, #tpu.memory_space<hbm>>) dst(%arg10 : memref<128x48xf32, #tpu.memory_space<vmem>>)
      %dma_start3A_165 = arith.constant 0 : i32
      %dma_start3A_166 = tpu.memref_slice %arg7[%add3A_157, %dma_start3A_165] : memref<80x128xi32, #tpu.memory_space<vmem>> -> memref<1x128xi32, #tpu.memory_space<vmem>>
      %dma_start3A_167 = tpu.memref_squeeze %dma_start3A_166 : memref<1x128xi32, #tpu.memory_space<vmem>> -> memref<128xi32, #tpu.memory_space<vmem>>
      %dma_start3A_168 = arith.constant 0 : i32
      %dma_start3A_169 = arith.constant 0 : i32
      %dma_start3A_170 = tpu.memref_slice %arg13[%dma_start3A_168, %dma_start3A_169] : memref<10240x48xf32, #tpu.memory_space<vmem_shared>> -> memref<10240x48xf32, #tpu.memory_space<vmem_shared>>
      tpu.enqueue_indirect_dma source(%arg10 : memref<128x48xf32, #tpu.memory_space<vmem>>) target(%dma_start3A_170 : memref<10240x48xf32, #tpu.memory_space<vmem_shared>>) offsets(%dma_start3A_167 : memref<128xi32, #tpu.memory_space<vmem>>) semaphore(%arg20 : memref<!tpu.dma_semaphore, #tpu.memory_space<semaphore_mem>>) {add = true}
      %dma_wait3A_171 = arith.constant 0 : i32
      %dma_wait3A_172 = arith.constant 0 : i32
      %dma_wait3A_173 = tpu.memref_slice %arg7[%dma_wait3A_171, %dma_wait3A_172] : memref<80x128xi32, #tpu.memory_space<vmem>> -> memref<1x128xi32, #tpu.memory_space<vmem>>
      %dma_wait3A_174 = tpu.memref_squeeze %dma_wait3A_173 : memref<1x128xi32, #tpu.memory_space<vmem>> -> memref<128xi32, #tpu.memory_space<vmem>>
      %dma_wait3A_175 = arith.constant 0 : i32
      %dma_wait3A_176 = arith.constant 0 : i32
      %dma_wait3A_177 = tpu.memref_slice %arg13[%dma_wait3A_175, %dma_wait3A_176] : memref<10240x48xf32, #tpu.memory_space<vmem_shared>> -> memref<10240x48xf32, #tpu.memory_space<vmem_shared>>
      tpu.wait_indirect_dma semaphore(%arg18 : memref<!tpu.dma_semaphore, #tpu.memory_space<semaphore_mem>>) src(%arg8 : memref<128x48xf32, #tpu.memory_space<vmem>>) dst(%dma_wait3A_177 : memref<10240x48xf32, #tpu.memory_space<vmem_shared>>)
      %add3A_178 = arith.constant 2 : i32
      %add3A_179 = arith.addi %add3A_157, %add3A_178 : i32
      %dma_start3A_180 = arith.constant 0 : i32
      %dma_start3A_181 = tpu.memref_slice %arg6[%add3A_179, %dma_start3A_180] : memref<80x128xi32, #tpu.memory_space<vmem>> -> memref<1x128xi32, #tpu.memory_space<vmem>>
      %dma_start3A_182 = tpu.memref_squeeze %dma_start3A_181 : memref<1x128xi32, #tpu.memory_space<vmem>> -> memref<128xi32, #tpu.memory_space<vmem>>
      %dma_start3A_183 = arith.constant 0 : i32
      %dma_start3A_184 = arith.constant 0 : i32
      %dma_start3A_185 = tpu.memref_slice %arg2[%dma_start3A_183, %dma_start3A_184] : memref<10000x48xf32, #tpu.memory_space<hbm>> -> memref<10000x48xf32, #tpu.memory_space<hbm>>
      tpu.enqueue_indirect_dma source(%dma_start3A_185 : memref<10000x48xf32, #tpu.memory_space<hbm>>) target(%arg8 : memref<128x48xf32, #tpu.memory_space<vmem>>) offsets(%dma_start3A_182 : memref<128xi32, #tpu.memory_space<vmem>>) semaphore(%arg14 : memref<!tpu.dma_semaphore, #tpu.memory_space<semaphore_mem>>)
      %add3A_186 = arith.constant 1 : i32
      %add3A_187 = arith.addi %add3A_155, %add3A_186 : i32
      %dma_wait3A_188 = arith.constant 0 : i32
      %dma_wait3A_189 = arith.constant 0 : i32
      %dma_wait3A_190 = tpu.memref_slice %arg6[%dma_wait3A_188, %dma_wait3A_189] : memref<80x128xi32, #tpu.memory_space<vmem>> -> memref<1x128xi32, #tpu.memory_space<vmem>>
      %dma_wait3A_191 = tpu.memref_squeeze %dma_wait3A_190 : memref<1x128xi32, #tpu.memory_space<vmem>> -> memref<128xi32, #tpu.memory_space<vmem>>
      %dma_wait3A_192 = arith.constant 0 : i32
      %dma_wait3A_193 = arith.constant 0 : i32
      %dma_wait3A_194 = tpu.memref_slice %arg2[%dma_wait3A_192, %dma_wait3A_193] : memref<10000x48xf32, #tpu.memory_space<hbm>> -> memref<10000x48xf32, #tpu.memory_space<hbm>>
      tpu.wait_indirect_dma semaphore(%arg17 : memref<!tpu.dma_semaphore, #tpu.memory_space<semaphore_mem>>) src(%dma_wait3A_194 : memref<10000x48xf32, #tpu.memory_space<hbm>>) dst(%arg11 : memref<128x48xf32, #tpu.memory_space<vmem>>)
      %dma_start3A_195 = arith.constant 0 : i32
      %dma_start3A_196 = tpu.memref_slice %arg7[%add3A_187, %dma_start3A_195] : memref<80x128xi32, #tpu.memory_space<vmem>> -> memref<1x128xi32, #tpu.memory_space<vmem>>
      %dma_start3A_197 = tpu.memref_squeeze %dma_start3A_196 : memref<1x128xi32, #tpu.memory_space<vmem>> -> memref<128xi32, #tpu.memory_space<vmem>>
      %dma_start3A_198 = arith.constant 0 : i32
      %dma_start3A_199 = arith.constant 0 : i32
      %dma_start3A_200 = tpu.memref_slice %arg13[%dma_start3A_198, %dma_start3A_199] : memref<10240x48xf32, #tpu.memory_space<vmem_shared>> -> memref<10240x48xf32, #tpu.memory_space<vmem_shared>>
      tpu.enqueue_indirect_dma source(%arg11 : memref<128x48xf32, #tpu.memory_space<vmem>>) target(%dma_start3A_200 : memref<10240x48xf32, #tpu.memory_space<vmem_shared>>) offsets(%dma_start3A_197 : memref<128xi32, #tpu.memory_space<vmem>>) semaphore(%arg21 : memref<!tpu.dma_semaphore, #tpu.memory_space<semaphore_mem>>) {add = true}
      %dma_wait3A_201 = arith.constant 0 : i32
      %dma_wait3A_202 = arith.constant 0 : i32
      %dma_wait3A_203 = tpu.memref_slice %arg7[%dma_wait3A_201, %dma_wait3A_202] : memref<80x128xi32, #tpu.memory_space<vmem>> -> memref<1x128xi32, #tpu.memory_space<vmem>>
      %dma_wait3A_204 = tpu.memref_squeeze %dma_wait3A_203 : memref<1x128xi32, #tpu.memory_space<vmem>> -> memref<128xi32, #tpu.memory_space<vmem>>
      %dma_wait3A_205 = arith.constant 0 : i32
      %dma_wait3A_206 = arith.constant 0 : i32
      %dma_wait3A_207 = tpu.memref_slice %arg13[%dma_wait3A_205, %dma_wait3A_206] : memref<10240x48xf32, #tpu.memory_space<vmem_shared>> -> memref<10240x48xf32, #tpu.memory_space<vmem_shared>>
      tpu.wait_indirect_dma semaphore(%arg19 : memref<!tpu.dma_semaphore, #tpu.memory_space<semaphore_mem>>) src(%arg9 : memref<128x48xf32, #tpu.memory_space<vmem>>) dst(%dma_wait3A_207 : memref<10240x48xf32, #tpu.memory_space<vmem_shared>>)
      %add3A_208 = arith.constant 2 : i32
      %add3A_209 = arith.addi %add3A_187, %add3A_208 : i32
      %dma_start3A_210 = arith.constant 0 : i32
      %dma_start3A_211 = tpu.memref_slice %arg6[%add3A_209, %dma_start3A_210] : memref<80x128xi32, #tpu.memory_space<vmem>> -> memref<1x128xi32, #tpu.memory_space<vmem>>
      %dma_start3A_212 = tpu.memref_squeeze %dma_start3A_211 : memref<1x128xi32, #tpu.memory_space<vmem>> -> memref<128xi32, #tpu.memory_space<vmem>>
      %dma_start3A_213 = arith.constant 0 : i32
      %dma_start3A_214 = arith.constant 0 : i32
      %dma_start3A_215 = tpu.memref_slice %arg2[%dma_start3A_213, %dma_start3A_214] : memref<10000x48xf32, #tpu.memory_space<hbm>> -> memref<10000x48xf32, #tpu.memory_space<hbm>>
      tpu.enqueue_indirect_dma source(%dma_start3A_215 : memref<10000x48xf32, #tpu.memory_space<hbm>>) target(%arg9 : memref<128x48xf32, #tpu.memory_space<vmem>>) offsets(%dma_start3A_212 : memref<128xi32, #tpu.memory_space<vmem>>) semaphore(%arg15 : memref<!tpu.dma_semaphore, #tpu.memory_space<semaphore_mem>>)
      %add3A_216 = arith.constant 2 : i32
      %add3A_217 = arith.addi %add3A_155, %add3A_216 : i32
      %dma_wait3A_218 = arith.constant 0 : i32
      %dma_wait3A_219 = arith.constant 0 : i32
      %dma_wait3A_220 = tpu.memref_slice %arg6[%dma_wait3A_218, %dma_wait3A_219] : memref<80x128xi32, #tpu.memory_space<vmem>> -> memref<1x128xi32, #tpu.memory_space<vmem>>
      %dma_wait3A_221 = tpu.memref_squeeze %dma_wait3A_220 : memref<1x128xi32, #tpu.memory_space<vmem>> -> memref<128xi32, #tpu.memory_space<vmem>>
      %dma_wait3A_222 = arith.constant 0 : i32
      %dma_wait3A_223 = arith.constant 0 : i32
      %dma_wait3A_224 = tpu.memref_slice %arg2[%dma_wait3A_222, %dma_wait3A_223] : memref<10000x48xf32, #tpu.memory_space<hbm>> -> memref<10000x48xf32, #tpu.memory_space<hbm>>
      tpu.wait_indirect_dma semaphore(%arg14 : memref<!tpu.dma_semaphore, #tpu.memory_space<semaphore_mem>>) src(%dma_wait3A_224 : memref<10000x48xf32, #tpu.memory_space<hbm>>) dst(%arg8 : memref<128x48xf32, #tpu.memory_space<vmem>>)
      %dma_start3A_225 = arith.constant 0 : i32
      %dma_start3A_226 = tpu.memref_slice %arg7[%add3A_217, %dma_start3A_225] : memref<80x128xi32, #tpu.memory_space<vmem>> -> memref<1x128xi32, #tpu.memory_space<vmem>>
      %dma_start3A_227 = tpu.memref_squeeze %dma_start3A_226 : memref<1x128xi32, #tpu.memory_space<vmem>> -> memref<128xi32, #tpu.memory_space<vmem>>
      %dma_start3A_228 = arith.constant 0 : i32
      %dma_start3A_229 = arith.constant 0 : i32
      %dma_start3A_230 = tpu.memref_slice %arg13[%dma_start3A_228, %dma_start3A_229] : memref<10240x48xf32, #tpu.memory_space<vmem_shared>> -> memref<10240x48xf32, #tpu.memory_space<vmem_shared>>
      tpu.enqueue_indirect_dma source(%arg8 : memref<128x48xf32, #tpu.memory_space<vmem>>) target(%dma_start3A_230 : memref<10240x48xf32, #tpu.memory_space<vmem_shared>>) offsets(%dma_start3A_227 : memref<128xi32, #tpu.memory_space<vmem>>) semaphore(%arg18 : memref<!tpu.dma_semaphore, #tpu.memory_space<semaphore_mem>>) {add = true}
      %dma_wait3A_231 = arith.constant 0 : i32
      %dma_wait3A_232 = arith.constant 0 : i32
      %dma_wait3A_233 = tpu.memref_slice %arg7[%dma_wait3A_231, %dma_wait3A_232] : memref<80x128xi32, #tpu.memory_space<vmem>> -> memref<1x128xi32, #tpu.memory_space<vmem>>
      %dma_wait3A_234 = tpu.memref_squeeze %dma_wait3A_233 : memref<1x128xi32, #tpu.memory_space<vmem>> -> memref<128xi32, #tpu.memory_space<vmem>>
      %dma_wait3A_235 = arith.constant 0 : i32
      %dma_wait3A_236 = arith.constant 0 : i32
      %dma_wait3A_237 = tpu.memref_slice %arg13[%dma_wait3A_235, %dma_wait3A_236] : memref<10240x48xf32, #tpu.memory_space<vmem_shared>> -> memref<10240x48xf32, #tpu.memory_space<vmem_shared>>
      tpu.wait_indirect_dma semaphore(%arg20 : memref<!tpu.dma_semaphore, #tpu.memory_space<semaphore_mem>>) src(%arg10 : memref<128x48xf32, #tpu.memory_space<vmem>>) dst(%dma_wait3A_237 : memref<10240x48xf32, #tpu.memory_space<vmem_shared>>)
      %add3A_238 = arith.constant 2 : i32
      %add3A_239 = arith.addi %add3A_217, %add3A_238 : i32
      %dma_start3A_240 = arith.constant 0 : i32
      %dma_start3A_241 = tpu.memref_slice %arg6[%add3A_239, %dma_start3A_240] : memref<80x128xi32, #tpu.memory_space<vmem>> -> memref<1x128xi32, #tpu.memory_space<vmem>>
      %dma_start3A_242 = tpu.memref_squeeze %dma_start3A_241 : memref<1x128xi32, #tpu.memory_space<vmem>> -> memref<128xi32, #tpu.memory_space<vmem>>
      %dma_start3A_243 = arith.constant 0 : i32
      %dma_start3A_244 = arith.constant 0 : i32
      %dma_start3A_245 = tpu.memref_slice %arg2[%dma_start3A_243, %dma_start3A_244] : memref<10000x48xf32, #tpu.memory_space<hbm>> -> memref<10000x48xf32, #tpu.memory_space<hbm>>
      tpu.enqueue_indirect_dma source(%dma_start3A_245 : memref<10000x48xf32, #tpu.memory_space<hbm>>) target(%arg10 : memref<128x48xf32, #tpu.memory_space<vmem>>) offsets(%dma_start3A_242 : memref<128xi32, #tpu.memory_space<vmem>>) semaphore(%arg16 : memref<!tpu.dma_semaphore, #tpu.memory_space<semaphore_mem>>)
      %add3A_246 = arith.constant 3 : i32
      %add3A_247 = arith.addi %add3A_155, %add3A_246 : i32
      %dma_wait3A_248 = arith.constant 0 : i32
      %dma_wait3A_249 = arith.constant 0 : i32
      %dma_wait3A_250 = tpu.memref_slice %arg6[%dma_wait3A_248, %dma_wait3A_249] : memref<80x128xi32, #tpu.memory_space<vmem>> -> memref<1x128xi32, #tpu.memory_space<vmem>>
      %dma_wait3A_251 = tpu.memref_squeeze %dma_wait3A_250 : memref<1x128xi32, #tpu.memory_space<vmem>> -> memref<128xi32, #tpu.memory_space<vmem>>
      %dma_wait3A_252 = arith.constant 0 : i32
      %dma_wait3A_253 = arith.constant 0 : i32
      %dma_wait3A_254 = tpu.memref_slice %arg2[%dma_wait3A_252, %dma_wait3A_253] : memref<10000x48xf32, #tpu.memory_space<hbm>> -> memref<10000x48xf32, #tpu.memory_space<hbm>>
      tpu.wait_indirect_dma semaphore(%arg15 : memref<!tpu.dma_semaphore, #tpu.memory_space<semaphore_mem>>) src(%dma_wait3A_254 : memref<10000x48xf32, #tpu.memory_space<hbm>>) dst(%arg9 : memref<128x48xf32, #tpu.memory_space<vmem>>)
      %dma_start3A_255 = arith.constant 0 : i32
      %dma_start3A_256 = tpu.memref_slice %arg7[%add3A_247, %dma_start3A_255] : memref<80x128xi32, #tpu.memory_space<vmem>> -> memref<1x128xi32, #tpu.memory_space<vmem>>
      %dma_start3A_257 = tpu.memref_squeeze %dma_start3A_256 : memref<1x128xi32, #tpu.memory_space<vmem>> -> memref<128xi32, #tpu.memory_space<vmem>>
      %dma_start3A_258 = arith.constant 0 : i32
      %dma_start3A_259 = arith.constant 0 : i32
      %dma_start3A_260 = tpu.memref_slice %arg13[%dma_start3A_258, %dma_start3A_259] : memref<10240x48xf32, #tpu.memory_space<vmem_shared>> -> memref<10240x48xf32, #tpu.memory_space<vmem_shared>>
      tpu.enqueue_indirect_dma source(%arg9 : memref<128x48xf32, #tpu.memory_space<vmem>>) target(%dma_start3A_260 : memref<10240x48xf32, #tpu.memory_space<vmem_shared>>) offsets(%dma_start3A_257 : memref<128xi32, #tpu.memory_space<vmem>>) semaphore(%arg19 : memref<!tpu.dma_semaphore, #tpu.memory_space<semaphore_mem>>) {add = true}
      %dma_wait3A_261 = arith.constant 0 : i32
      %dma_wait3A_262 = arith.constant 0 : i32
      %dma_wait3A_263 = tpu.memref_slice %arg7[%dma_wait3A_261, %dma_wait3A_262] : memref<80x128xi32, #tpu.memory_space<vmem>> -> memref<1x128xi32, #tpu.memory_space<vmem>>
      %dma_wait3A_264 = tpu.memref_squeeze %dma_wait3A_263 : memref<1x128xi32, #tpu.memory_space<vmem>> -> memref<128xi32, #tpu.memory_space<vmem>>
      %dma_wait3A_265 = arith.constant 0 : i32
      %dma_wait3A_266 = arith.constant 0 : i32
      %dma_wait3A_267 = tpu.memref_slice %arg13[%dma_wait3A_265, %dma_wait3A_266] : memref<10240x48xf32, #tpu.memory_space<vmem_shared>> -> memref<10240x48xf32, #tpu.memory_space<vmem_shared>>
      tpu.wait_indirect_dma semaphore(%arg21 : memref<!tpu.dma_semaphore, #tpu.memory_space<semaphore_mem>>) src(%arg11 : memref<128x48xf32, #tpu.memory_space<vmem>>) dst(%dma_wait3A_267 : memref<10240x48xf32, #tpu.memory_space<vmem_shared>>)
      %add3A_268 = arith.constant 2 : i32
      %add3A_269 = arith.addi %add3A_247, %add3A_268 : i32
      %dma_start3A_270 = arith.constant 0 : i32
      %dma_start3A_271 = tpu.memref_slice %arg6[%add3A_269, %dma_start3A_270] : memref<80x128xi32, #tpu.memory_space<vmem>> -> memref<1x128xi32, #tpu.memory_space<vmem>>
      %dma_start3A_272 = tpu.memref_squeeze %dma_start3A_271 : memref<1x128xi32, #tpu.memory_space<vmem>> -> memref<128xi32, #tpu.memory_space<vmem>>
      %dma_start3A_273 = arith.constant 0 : i32
      %dma_start3A_274 = arith.constant 0 : i32
      %dma_start3A_275 = tpu.memref_slice %arg2[%dma_start3A_273, %dma_start3A_274] : memref<10000x48xf32, #tpu.memory_space<hbm>> -> memref<10000x48xf32, #tpu.memory_space<hbm>>
      tpu.enqueue_indirect_dma source(%dma_start3A_275 : memref<10000x48xf32, #tpu.memory_space<hbm>>) target(%arg11 : memref<128x48xf32, #tpu.memory_space<vmem>>) offsets(%dma_start3A_272 : memref<128xi32, #tpu.memory_space<vmem>>) semaphore(%arg17 : memref<!tpu.dma_semaphore, #tpu.memory_space<semaphore_mem>>)
      %scan3A_276 = arith.constant 0 : i32
      scf.yield %scan3A_276 : i32
    }
    %scan3A_88 = arith.constant 19 : i32
    %dma_wait3A_89 = arith.constant 0 : i32
    %dma_wait3A_90 = arith.constant 0 : i32
    %dma_wait3A_91 = tpu.memref_slice %arg6[%dma_wait3A_89, %dma_wait3A_90] : memref<80x128xi32, #tpu.memory_space<vmem>> -> memref<1x128xi32, #tpu.memory_space<vmem>>
    %dma_wait3A_92 = tpu.memref_squeeze %dma_wait3A_91 : memref<1x128xi32, #tpu.memory_space<vmem>> -> memref<128xi32, #tpu.memory_space<vmem>>
    %dma_wait3A_93 = arith.constant 0 : i32
    %dma_wait3A_94 = arith.constant 0 : i32
    %dma_wait3A_95 = tpu.memref_slice %arg2[%dma_wait3A_93, %dma_wait3A_94] : memref<10000x48xf32, #tpu.memory_space<hbm>> -> memref<10000x48xf32, #tpu.memory_space<hbm>>
    tpu.wait_indirect_dma semaphore(%arg16 : memref<!tpu.dma_semaphore, #tpu.memory_space<semaphore_mem>>) src(%dma_wait3A_95 : memref<10000x48xf32, #tpu.memory_space<hbm>>) dst(%arg10 : memref<128x48xf32, #tpu.memory_space<vmem>>)
    %dma_start3A_96 = arith.constant 78 : i32
    %dma_start3A_97 = arith.constant 0 : i32
    %dma_start3A_98 = tpu.memref_slice %arg7[%dma_start3A_96, %dma_start3A_97] : memref<80x128xi32, #tpu.memory_space<vmem>> -> memref<1x128xi32, #tpu.memory_space<vmem>>
    %dma_start3A_99 = tpu.memref_squeeze %dma_start3A_98 : memref<1x128xi32, #tpu.memory_space<vmem>> -> memref<128xi32, #tpu.memory_space<vmem>>
    %dma_start3A_100 = arith.constant 0 : i32
    %dma_start3A_101 = arith.constant 0 : i32
    %dma_start3A_102 = tpu.memref_slice %arg13[%dma_start3A_100, %dma_start3A_101] : memref<10240x48xf32, #tpu.memory_space<vmem_shared>> -> memref<10240x48xf32, #tpu.memory_space<vmem_shared>>
    tpu.enqueue_indirect_dma source(%arg10 : memref<128x48xf32, #tpu.memory_space<vmem>>) target(%dma_start3A_102 : memref<10240x48xf32, #tpu.memory_space<vmem_shared>>) offsets(%dma_start3A_99 : memref<128xi32, #tpu.memory_space<vmem>>) semaphore(%arg20 : memref<!tpu.dma_semaphore, #tpu.memory_space<semaphore_mem>>) {add = true}
    %dma_wait3A_103 = arith.constant 0 : i32
    %dma_wait3A_104 = arith.constant 0 : i32
    %dma_wait3A_105 = tpu.memref_slice %arg6[%dma_wait3A_103, %dma_wait3A_104] : memref<80x128xi32, #tpu.memory_space<vmem>> -> memref<1x128xi32, #tpu.memory_space<vmem>>
    %dma_wait3A_106 = tpu.memref_squeeze %dma_wait3A_105 : memref<1x128xi32, #tpu.memory_space<vmem>> -> memref<128xi32, #tpu.memory_space<vmem>>
    %dma_wait3A_107 = arith.constant 0 : i32
    %dma_wait3A_108 = arith.constant 0 : i32
    %dma_wait3A_109 = tpu.memref_slice %arg2[%dma_wait3A_107, %dma_wait3A_108] : memref<10000x48xf32, #tpu.memory_space<hbm>> -> memref<10000x48xf32, #tpu.memory_space<hbm>>
    tpu.wait_indirect_dma semaphore(%arg17 : memref<!tpu.dma_semaphore, #tpu.memory_space<semaphore_mem>>) src(%dma_wait3A_109 : memref<10000x48xf32, #tpu.memory_space<hbm>>) dst(%arg11 : memref<128x48xf32, #tpu.memory_space<vmem>>)
    %dma_start3A_110 = arith.constant 79 : i32
    %dma_start3A_111 = arith.constant 0 : i32
    %dma_start3A_112 = tpu.memref_slice %arg7[%dma_start3A_110, %dma_start3A_111] : memref<80x128xi32, #tpu.memory_space<vmem>> -> memref<1x128xi32, #tpu.memory_space<vmem>>
    %dma_start3A_113 = tpu.memref_squeeze %dma_start3A_112 : memref<1x128xi32, #tpu.memory_space<vmem>> -> memref<128xi32, #tpu.memory_space<vmem>>
    %dma_start3A_114 = arith.constant 0 : i32
    %dma_start3A_115 = arith.constant 0 : i32
    %dma_start3A_116 = tpu.memref_slice %arg13[%dma_start3A_114, %dma_start3A_115] : memref<10240x48xf32, #tpu.memory_space<vmem_shared>> -> memref<10240x48xf32, #tpu.memory_space<vmem_shared>>
    tpu.enqueue_indirect_dma source(%arg11 : memref<128x48xf32, #tpu.memory_space<vmem>>) target(%dma_start3A_116 : memref<10240x48xf32, #tpu.memory_space<vmem_shared>>) offsets(%dma_start3A_113 : memref<128xi32, #tpu.memory_space<vmem>>) semaphore(%arg21 : memref<!tpu.dma_semaphore, #tpu.memory_space<semaphore_mem>>) {add = true}
    %dma_wait3A_117 = arith.constant 0 : i32
    %dma_wait3A_118 = arith.constant 0 : i32
    %dma_wait3A_119 = tpu.memref_slice %arg7[%dma_wait3A_117, %dma_wait3A_118] : memref<80x128xi32, #tpu.memory_space<vmem>> -> memref<1x128xi32, #tpu.memory_space<vmem>>
    %dma_wait3A_120 = tpu.memref_squeeze %dma_wait3A_119 : memref<1x128xi32, #tpu.memory_space<vmem>> -> memref<128xi32, #tpu.memory_space<vmem>>
    %dma_wait3A_121 = arith.constant 0 : i32
    %dma_wait3A_122 = arith.constant 0 : i32
    %dma_wait3A_123 = tpu.memref_slice %arg13[%dma_wait3A_121, %dma_wait3A_122] : memref<10240x48xf32, #tpu.memory_space<vmem_shared>> -> memref<10240x48xf32, #tpu.memory_space<vmem_shared>>
    tpu.wait_indirect_dma semaphore(%arg18 : memref<!tpu.dma_semaphore, #tpu.memory_space<semaphore_mem>>) src(%arg8 : memref<128x48xf32, #tpu.memory_space<vmem>>) dst(%dma_wait3A_123 : memref<10240x48xf32, #tpu.memory_space<vmem_shared>>)
    %dma_wait3A_124 = arith.constant 0 : i32
    %dma_wait3A_125 = arith.constant 0 : i32
    %dma_wait3A_126 = tpu.memref_slice %arg7[%dma_wait3A_124, %dma_wait3A_125] : memref<80x128xi32, #tpu.memory_space<vmem>> -> memref<1x128xi32, #tpu.memory_space<vmem>>
    %dma_wait3A_127 = tpu.memref_squeeze %dma_wait3A_126 : memref<1x128xi32, #tpu.memory_space<vmem>> -> memref<128xi32, #tpu.memory_space<vmem>>
    %dma_wait3A_128 = arith.constant 0 : i32
    %dma_wait3A_129 = arith.constant 0 : i32
    %dma_wait3A_130 = tpu.memref_slice %arg13[%dma_wait3A_128, %dma_wait3A_129] : memref<10240x48xf32, #tpu.memory_space<vmem_shared>> -> memref<10240x48xf32, #tpu.memory_space<vmem_shared>>
    tpu.wait_indirect_dma semaphore(%arg19 : memref<!tpu.dma_semaphore, #tpu.memory_space<semaphore_mem>>) src(%arg9 : memref<128x48xf32, #tpu.memory_space<vmem>>) dst(%dma_wait3A_130 : memref<10240x48xf32, #tpu.memory_space<vmem_shared>>)
    %dma_wait3A_131 = arith.constant 0 : i32
    %dma_wait3A_132 = arith.constant 0 : i32
    %dma_wait3A_133 = tpu.memref_slice %arg7[%dma_wait3A_131, %dma_wait3A_132] : memref<80x128xi32, #tpu.memory_space<vmem>> -> memref<1x128xi32, #tpu.memory_space<vmem>>
    %dma_wait3A_134 = tpu.memref_squeeze %dma_wait3A_133 : memref<1x128xi32, #tpu.memory_space<vmem>> -> memref<128xi32, #tpu.memory_space<vmem>>
    %dma_wait3A_135 = arith.constant 0 : i32
    %dma_wait3A_136 = arith.constant 0 : i32
    %dma_wait3A_137 = tpu.memref_slice %arg13[%dma_wait3A_135, %dma_wait3A_136] : memref<10240x48xf32, #tpu.memory_space<vmem_shared>> -> memref<10240x48xf32, #tpu.memory_space<vmem_shared>>
    tpu.wait_indirect_dma semaphore(%arg20 : memref<!tpu.dma_semaphore, #tpu.memory_space<semaphore_mem>>) src(%arg10 : memref<128x48xf32, #tpu.memory_space<vmem>>) dst(%dma_wait3A_137 : memref<10240x48xf32, #tpu.memory_space<vmem_shared>>)
    %dma_wait3A_138 = arith.constant 0 : i32
    %dma_wait3A_139 = arith.constant 0 : i32
    %dma_wait3A_140 = tpu.memref_slice %arg7[%dma_wait3A_138, %dma_wait3A_139] : memref<80x128xi32, #tpu.memory_space<vmem>> -> memref<1x128xi32, #tpu.memory_space<vmem>>
    %dma_wait3A_141 = tpu.memref_squeeze %dma_wait3A_140 : memref<1x128xi32, #tpu.memory_space<vmem>> -> memref<128xi32, #tpu.memory_space<vmem>>
    %dma_wait3A_142 = arith.constant 0 : i32
    %dma_wait3A_143 = arith.constant 0 : i32
    %dma_wait3A_144 = tpu.memref_slice %arg13[%dma_wait3A_142, %dma_wait3A_143] : memref<10240x48xf32, #tpu.memory_space<vmem_shared>> -> memref<10240x48xf32, #tpu.memory_space<vmem_shared>>
    tpu.wait_indirect_dma semaphore(%arg21 : memref<!tpu.dma_semaphore, #tpu.memory_space<semaphore_mem>>) src(%arg11 : memref<128x48xf32, #tpu.memory_space<vmem>>) dst(%dma_wait3A_144 : memref<10240x48xf32, #tpu.memory_space<vmem_shared>>)
    %barrier3A_145 = arith.constant 0 : index
    tpu.barrier barrier_id(%barrier3A_145)
    %mul3A_146 = arith.constant 640 : i32
    %mul3A_147 = arith.muli %arg1, %mul3A_146 : i32
    %mul3A_148 = arith.constant 640 : i32
    %mul3A_149 = arith.muli %arg1, %mul3A_148 : i32
    "tpu.region"() ({
      %run_scoped3A = tpu.sem_alloc : memref<!tpu.dma_semaphore, #tpu.memory_space<semaphore_mem>>
      %dma_start3A_150 = arith.constant 0 : i32
      %dma_start3A_151 = tpu.memref_slice %arg5[%arg0, %mul3A_149, %dma_start3A_150] : memref<2x10240x48xf32, #tpu.memory_space<hbm>> -> memref<1x640x48xf32, #tpu.memory_space<hbm>>
      %dma_start3A_152 = tpu.memref_squeeze %dma_start3A_151 : memref<1x640x48xf32, #tpu.memory_space<hbm>> -> memref<640x48xf32, #tpu.memory_space<hbm>>
      %dma_start3A_153 = arith.constant 0 : i32
      %dma_start3A_154 = tpu.memref_slice %arg13[%mul3A_147, %dma_start3A_153] : memref<10240x48xf32, #tpu.memory_space<vmem_shared>> -> memref<640x48xf32, #tpu.memory_space<vmem_shared>>
      tpu.enqueue_dma source(%dma_start3A_154 : memref<640x48xf32, #tpu.memory_space<vmem_shared>>) target(%dma_start3A_152 : memref<640x48xf32, #tpu.memory_space<hbm>>) target_semaphore(%run_scoped3A : memref<!tpu.dma_semaphore, #tpu.memory_space<semaphore_mem>>)
      %dma_wait3A_155 = arith.constant 0 : i32
      %dma_wait3A_156 = tpu.memref_slice %arg5[%arg0, %mul3A_149, %dma_wait3A_155] : memref<2x10240x48xf32, #tpu.memory_space<hbm>> -> memref<1x640x48xf32, #tpu.memory_space<hbm>>
      %dma_wait3A_157 = tpu.memref_squeeze %dma_wait3A_156 : memref<1x640x48xf32, #tpu.memory_space<hbm>> -> memref<640x48xf32, #tpu.memory_space<hbm>>
      %dma_wait3A_158 = arith.constant 0 : i32
      %dma_wait3A_159 = tpu.memref_slice %arg13[%mul3A_147, %dma_wait3A_158] : memref<10240x48xf32, #tpu.memory_space<vmem_shared>> -> memref<640x48xf32, #tpu.memory_space<vmem_shared>>
      tpu.wait_dma2 semaphore(%run_scoped3A : memref<!tpu.dma_semaphore, #tpu.memory_space<semaphore_mem>>) src(%dma_wait3A_159 : memref<640x48xf32, #tpu.memory_space<vmem_shared>>) dst(%dma_wait3A_157 : memref<640x48xf32, #tpu.memory_space<hbm>>)
      tpu.yield
    }) : () -> ()
    return
  }
}

module attributes {stable_mosaic.version = 14 : i64} {
  func.func @body(%arg0: memref<10000x128xf32, #tpu.memory_space<vmem>>, %arg1: memref<128x64xf32, #tpu.memory_space<vmem>>, %arg2: memref<2x10240x16xf32, #tpu.memory_space<vmem>>, %arg3: memref<10000x64xf32, #tpu.memory_space<vmem>>, %arg4: memref<10000x1xf32, #tpu.memory_space<vmem>>) attributes {dimension_semantics = [], scalar_prefetch = 0 : i64, scratch_operands = 0 : i64, tpu.core_type = #tpu.core_type<tc>} {
    %get3A = arith.constant 0 : index
    %get3A_0 = arith.constant 0 : index
    %get3A_1 = arith.constant 0 : index
    %get3A_2 = vector.load %arg2[%get3A, %get3A_0, %get3A_1] : memref<2x10240x16xf32, #tpu.memory_space<vmem>>, vector<2x10240x16xf32>
    %slice3A = vector.extract_strided_slice %get3A_2 {offsets = [0, 0, 0], sizes = [1, 10000, 1], strides = [1, 1, 1]} : vector<2x10240x16xf32> to vector<1x10000x1xf32>
    %squeeze3A = vector.shape_cast %slice3A : vector<1x10000x1xf32> to vector<10000x1xf32>
    %slice3A_3 = vector.extract_strided_slice %get3A_2 {offsets = [1, 0, 0], sizes = [1, 10000, 1], strides = [1, 1, 1]} : vector<2x10240x16xf32> to vector<1x10000x1xf32>
    %squeeze3A_4 = vector.shape_cast %slice3A_3 : vector<1x10000x1xf32> to vector<10000x1xf32>
    %add3A = arith.addf %squeeze3A, %squeeze3A_4 : vector<10000x1xf32>
    %add3A_5 = arith.constant 1.000000e+00 : f32
    %add3A_6 = vector.broadcast %add3A_5 : f32 to vector<10000x1xf32>
    %add3A_7 = arith.addf %add3A, %add3A_6 : vector<10000x1xf32>
    %rsqrt3A = math.rsqrt %add3A_7 : vector<10000x1xf32>
    %get3A_8 = arith.constant 0 : index
    %get3A_9 = arith.constant 0 : index
    %get3A_10 = vector.load %arg0[%get3A_8, %get3A_9] : memref<10000x128xf32, #tpu.memory_space<vmem>>, vector<10000x128xf32>
    %get3A_11 = arith.constant 0 : index
    %get3A_12 = arith.constant 0 : index
    %get3A_13 = vector.load %arg1[%get3A_11, %get3A_12] : memref<128x64xf32, #tpu.memory_space<vmem>>, vector<128x64xf32>
    %dot_general3A = arith.constant dense<0.000000e+00> : vector<10000x64xf32>
    %dot_general3A_14 = tpu.matmul %get3A_10, %get3A_13, %dot_general3A {dimension_numbers = #tpu.dot_dimension_numbers<[1], [0], [0], [1], [0, 0, 1, 1], [], []>, transpose_lhs_hint = false} : vector<10000x128xf32>, vector<128x64xf32>, vector<10000x64xf32> -> vector<10000x64xf32>
    %mul3A = vector.broadcast %rsqrt3A : vector<10000x1xf32> to vector<10000x64xf32>
    %mul3A_15 = arith.mulf %dot_general3A_14, %mul3A : vector<10000x64xf32>
    %swap3A = arith.constant 0 : index
    %swap3A_16 = arith.constant 0 : index
    %swap3A_17 = vector.load %arg3[%swap3A, %swap3A_16] : memref<10000x64xf32, #tpu.memory_space<vmem>>, vector<10000x64xf32>
    tpu.vector_store %arg3[%swap3A, %swap3A_16], %mul3A_15 {strides = array<i32>} : memref<10000x64xf32, #tpu.memory_space<vmem>>, vector<10000x64xf32>,
    %swap3A_18 = arith.constant 0 : index
    %swap3A_19 = arith.constant 0 : index
    %swap3A_20 = vector.load %arg4[%swap3A_18, %swap3A_19] : memref<10000x1xf32, #tpu.memory_space<vmem>>, vector<10000x1xf32>
    tpu.vector_store %arg4[%swap3A_18, %swap3A_19], %rsqrt3A {strides = array<i32>} : memref<10000x1xf32, #tpu.memory_space<vmem>>, vector<10000x1xf32>,
    return
  }
}

module attributes {stable_mosaic.version = 14 : i64} {
  func.func @body(%arg0: memref<10000x64xf32, #tpu.memory_space<vmem>>, %arg1: memref<2x10240x64xf32, #tpu.memory_space<vmem>>, %arg2: memref<10000x1xf32, #tpu.memory_space<vmem>>, %arg3: memref<1x64xf32, #tpu.memory_space<vmem>>, %arg4: memref<64x48xf32, #tpu.memory_space<vmem>>, %arg5: memref<10000x48xf32, #tpu.memory_space<vmem>>) attributes {dimension_semantics = [], scalar_prefetch = 0 : i64, scratch_operands = 0 : i64, tpu.core_type = #tpu.core_type<tc>} {
    %get3A = arith.constant 0 : index
    %get3A_0 = arith.constant 0 : index
    %get3A_1 = arith.constant 0 : index
    %get3A_2 = vector.load %arg1[%get3A, %get3A_0, %get3A_1] : memref<2x10240x64xf32, #tpu.memory_space<vmem>>, vector<2x10240x64xf32>
    %get3A_3 = arith.constant 0 : index
    %get3A_4 = arith.constant 0 : index
    %get3A_5 = vector.load %arg2[%get3A_3, %get3A_4] : memref<10000x1xf32, #tpu.memory_space<vmem>>, vector<10000x1xf32>
    %slice3A = vector.extract_strided_slice %get3A_2 {offsets = [0, 0, 0], sizes = [1, 10000, 64], strides = [1, 1, 1]} : vector<2x10240x64xf32> to vector<1x10000x64xf32>
    %squeeze3A = vector.shape_cast %slice3A : vector<1x10000x64xf32> to vector<10000x64xf32>
    %slice3A_6 = vector.extract_strided_slice %get3A_2 {offsets = [1, 0, 0], sizes = [1, 10000, 64], strides = [1, 1, 1]} : vector<2x10240x64xf32> to vector<1x10000x64xf32>
    %squeeze3A_7 = vector.shape_cast %slice3A_6 : vector<1x10000x64xf32> to vector<10000x64xf32>
    %add3A = arith.addf %squeeze3A, %squeeze3A_7 : vector<10000x64xf32>
    %get3A_8 = arith.constant 0 : index
    %get3A_9 = arith.constant 0 : index
    %get3A_10 = vector.load %arg0[%get3A_8, %get3A_9] : memref<10000x64xf32, #tpu.memory_space<vmem>>, vector<10000x64xf32>
    %add3A_11 = arith.addf %add3A, %get3A_10 : vector<10000x64xf32>
    %mul3A = vector.broadcast %get3A_5 : vector<10000x1xf32> to vector<10000x64xf32>
    %mul3A_12 = arith.mulf %mul3A, %add3A_11 : vector<10000x64xf32>
    %get3A_13 = arith.constant 0 : index
    %get3A_14 = arith.constant 0 : index
    %get3A_15 = vector.load %arg3[%get3A_13, %get3A_14] : memref<1x64xf32, #tpu.memory_space<vmem>>, vector<1x64xf32>
    %add3A_16 = vector.broadcast %get3A_15 : vector<1x64xf32> to vector<10000x64xf32>
    %add3A_17 = arith.addf %mul3A_12, %add3A_16 : vector<10000x64xf32>
    %max3A = arith.constant 0.000000e+00 : f32
    %max3A_18 = vector.broadcast %max3A : f32 to vector<10000x64xf32>
    %max3A_19 = arith.maximumf %add3A_17, %max3A_18 : vector<10000x64xf32>
    %get3A_20 = arith.constant 0 : index
    %get3A_21 = arith.constant 0 : index
    %get3A_22 = vector.load %arg4[%get3A_20, %get3A_21] : memref<64x48xf32, #tpu.memory_space<vmem>>, vector<64x48xf32>
    %dot_general3A = arith.constant dense<0.000000e+00> : vector<10000x48xf32>
    %dot_general3A_23 = tpu.matmul %max3A_19, %get3A_22, %dot_general3A {dimension_numbers = #tpu.dot_dimension_numbers<[1], [0], [0], [1], [0, 0, 1, 1], [], []>, transpose_lhs_hint = false} : vector<10000x64xf32>, vector<64x48xf32>, vector<10000x48xf32> -> vector<10000x48xf32>
    %mul3A_24 = vector.broadcast %get3A_5 : vector<10000x1xf32> to vector<10000x48xf32>
    %mul3A_25 = arith.mulf %dot_general3A_23, %mul3A_24 : vector<10000x48xf32>
    %swap3A = arith.constant 0 : index
    %swap3A_26 = arith.constant 0 : index
    %swap3A_27 = vector.load %arg5[%swap3A, %swap3A_26] : memref<10000x48xf32, #tpu.memory_space<vmem>>, vector<10000x48xf32>
    tpu.vector_store %arg5[%swap3A, %swap3A_26], %mul3A_25 {strides = array<i32>} : memref<10000x48xf32, #tpu.memory_space<vmem>>, vector<10000x48xf32>,
    return
  }
}

module attributes {stable_mosaic.version = 14 : i64} {
  func.func @body(%arg0: memref<10000x48xf32, #tpu.memory_space<vmem>>, %arg1: memref<2x10240x48xf32, #tpu.memory_space<vmem>>, %arg2: memref<10000x1xf32, #tpu.memory_space<vmem>>, %arg3: memref<1x40xf32, #tpu.memory_space<vmem>>, %arg4: memref<10000x40xf32, #tpu.memory_space<vmem>>) attributes {dimension_semantics = [], scalar_prefetch = 0 : i64, scratch_operands = 0 : i64, tpu.core_type = #tpu.core_type<tc>} {
    %get3A = arith.constant 0 : index
    %get3A_0 = arith.constant 0 : index
    %get3A_1 = arith.constant 0 : index
    %get3A_2 = vector.load %arg1[%get3A, %get3A_0, %get3A_1] : memref<2x10240x48xf32, #tpu.memory_space<vmem>>, vector<2x10240x48xf32>
    %get3A_3 = arith.constant 0 : index
    %get3A_4 = arith.constant 0 : index
    %get3A_5 = vector.load %arg2[%get3A_3, %get3A_4] : memref<10000x1xf32, #tpu.memory_space<vmem>>, vector<10000x1xf32>
    %slice3A = vector.extract_strided_slice %get3A_2 {offsets = [0, 0, 0], sizes = [1, 10000, 48], strides = [1, 1, 1]} : vector<2x10240x48xf32> to vector<1x10000x48xf32>
    %squeeze3A = vector.shape_cast %slice3A : vector<1x10000x48xf32> to vector<10000x48xf32>
    %slice3A_6 = vector.extract_strided_slice %get3A_2 {offsets = [1, 0, 0], sizes = [1, 10000, 48], strides = [1, 1, 1]} : vector<2x10240x48xf32> to vector<1x10000x48xf32>
    %squeeze3A_7 = vector.shape_cast %slice3A_6 : vector<1x10000x48xf32> to vector<10000x48xf32>
    %add3A = arith.addf %squeeze3A, %squeeze3A_7 : vector<10000x48xf32>
    %get3A_8 = arith.constant 0 : index
    %get3A_9 = arith.constant 0 : index
    %get3A_10 = vector.load %arg0[%get3A_8, %get3A_9] : memref<10000x48xf32, #tpu.memory_space<vmem>>, vector<10000x48xf32>
    %add3A_11 = arith.addf %add3A, %get3A_10 : vector<10000x48xf32>
    %mul3A = vector.broadcast %get3A_5 : vector<10000x1xf32> to vector<10000x48xf32>
    %mul3A_12 = arith.mulf %mul3A, %add3A_11 : vector<10000x48xf32>
    %slice3A_13 = vector.extract_strided_slice %mul3A_12 {offsets = [0, 0], sizes = [10000, 40], strides = [1, 1]} : vector<10000x48xf32> to vector<10000x40xf32>
    %get3A_14 = arith.constant 0 : index
    %get3A_15 = arith.constant 0 : index
    %get3A_16 = vector.load %arg3[%get3A_14, %get3A_15] : memref<1x40xf32, #tpu.memory_space<vmem>>, vector<1x40xf32>
    %add3A_17 = vector.broadcast %get3A_16 : vector<1x40xf32> to vector<10000x40xf32>
    %add3A_18 = arith.addf %slice3A_13, %add3A_17 : vector<10000x40xf32>
    %reduce_max3A = arith.constant dense<0xFF800000> : vector<10000xf32>
    %reduce_max3A_19 = vector.multi_reduction <maximumf>, %add3A_18, %reduce_max3A [1] : vector<10000x40xf32> to vector<10000xf32>
    %broadcast_in_dim3A = vector.shape_cast %reduce_max3A_19 : vector<10000xf32> to vector<10000x1xf32>
    %sub3A = vector.broadcast %broadcast_in_dim3A : vector<10000x1xf32> to vector<10000x40xf32>
    %sub3A_20 = arith.subf %add3A_18, %sub3A : vector<10000x40xf32>
    %exp3A = math.exp %sub3A_20 : vector<10000x40xf32>
    %reduce_sum3A = arith.constant dense<0.000000e+00> : vector<10000xf32>
    %reduce_sum3A_21 = vector.multi_reduction <add>, %exp3A, %reduce_sum3A [1] : vector<10000x40xf32> to vector<10000xf32>
    %broadcast_in_dim3A_22 = vector.shape_cast %reduce_sum3A_21 : vector<10000xf32> to vector<10000x1xf32>
    %div3A = vector.broadcast %broadcast_in_dim3A_22 : vector<10000x1xf32> to vector<10000x40xf32>
    %div3A_23 = arith.divf %exp3A, %div3A : vector<10000x40xf32>
    %swap3A = arith.constant 0 : index
    %swap3A_24 = arith.constant 0 : index
    %swap3A_25 = vector.load %arg4[%swap3A, %swap3A_24] : memref<10000x40xf32, #tpu.memory_space<vmem>>, vector<10000x40xf32>
    tpu.vector_store %arg4[%swap3A, %swap3A_24], %div3A_23 {strides = array<i32>} : memref<10000x40xf32, #tpu.memory_space<vmem>>, vector<10000x40xf32>,
    return
  }
}

</mosaic_0001>

<sc_bundles>
// kernel: kernel.11.cloned.1.call-start
scs
__scs_entry_jumppad:
0x0: {  	(pc) =	sbr.rel $0x88, $3  }
0x1: {  	(tag) =	ssettag $0x0;
	lr =	simm.s32 $0x1  }
0x2: {  	[smem:$0x3F9B] =	sst lr;
	_ =	strace $0xD0000000  }
0x3: {  	_ = 	snop  }
0x4: {  	_ = 	snop  }
0x5: {  	_ = 	snop  }
0x6: {  	_ = 	snop  }
0x7: {  	_ = 	snop  }
__scs_overlays_trampoline_lowered:
0x8: {  	[smem:$0x3FAA] =	sst s0  }
0x9: {  	[smem:$0x3FAB] =	sst s1  }
0xa: {  	[smem:$0x3FAC] =	sst s2  }
0xb: {  	[smem:$0x3FAD] =	sst s3  }
0xc: {  	[smem:$0x3FAE] =	sst s4  }
0xd: {  	[smem:$0x3FAF] =	sst s5  }
0xe: {  	[smem:$0x3FB0] =	sst s6  }
0xf: {  	[smem:$0x3FB1] =	sst s7  }
0x10: {  	[smem:$0x3FB2] =	sst s8  }
0x11: {  	[smem:$0x3FB3] =	sst s9;
	s0 =	simm.s32 @!p0 $0x0  }
0x12: {  	s1 =	sld [smem:$0x3F99];
	s0 =	simm.s32 @p0 $0x1  }
0x13: {  	[smem:$0x3FB4] =	sst s0;
	s0 =	simm.s32 @!p1 $0x0  }
0x14: {  	s2 =	sld [smem:$0x3F98];
	s0 =	simm.s32 @p1 $0x1  }
0x15: {  	[smem:$0x3FB5] =	sst s0;
	s0 =	simm.s32 @!p2 $0x0  }
0x16: {  	s3 =	sld [smem:$0x3FDB];
	s0 =	simm.s32 @p2 $0x1  }
0x17: {  	s4 =	simm.s32 $0x1BF5;
	[smem:$0x3FB7] =	sst s0  }
0x18: {  	s0 =	sld [smem:$0x3F9A];
	_ =	swait.ge [sflag:s4], $0x0  }
0x19: {  	s7 =	sld [smem:$0x3F9B]  }
0x1a: {  	s8 =	sadd.s32 $0xFFFFE003, lr  }
0x1b: {  	s9 =	sadd.s32 $0xFFFFFEF7, lr;
	s5 =	simm.s32 $0xFFFFFFFF;
	p2 =	slt.u32 s8, $0xFFFFF086  }
0x1c: {  	p1 =	slt.u32 s9, $0xF7A;
	s5 =	simm.s32 @!p2 $0x0  }
0x1d: {  	s5 =	simm.s32 @p1 $0x1;
	p0 =	seq.s32 s7, s2  }
0x1e: {  	s7 =	smul.u32 @!p0 $0xF7A, s2;
	p2 =	seq.s32 @!p0 s5, $0x0  }
0x1f: {  	s9 =	smul.u32 $0xF7A, s1;
	s8 =	simm.s32 @!p0 $0x1BF5;
	p2 =	por !p2, p0  }
0x20: {  	[sflag:s8] =	ssyncset.s32 @!p0 $0xFFFFF086;
	s6 =	sadd.s32 @!p0 s3, s7;
	s7 =	simm.s32 @!p0 $0x108  }
0x21: {  	s3 =	sadd.s32 s3, s9;
	s6 =	sadd.s32 @!p0 $0x88, s6;
	s7 =	simm.s32 @p2 $0x1082  }
0x22: {  	[simem:s7], [sflag:s8] =	dma.local @!p0 [hbm:s6], $0xF7A  }
0x23: {  	s9 =	sor.u32 $0xD0000000, s2;
	s6 =	simm.s32 $0x108;
	_ =	swait.ge @!p0 [sflag:s8], $0x0  }
0x24: {  	s3 =	sadd.s32 $0x88, s3;
	s6 =	simm.s32 @!p1 $0x1082;
	[sflag:s4] =	ssyncset.s32 $0xFFFFF086  }
0x25: {  	[simem:s6], [sflag:s4] =	dma.local [hbm:s3], $0xF7A  }
0x26: {  	[smem:$0x3F9B] =	sst s1;
	(tag) =	ssettag s2;
	_ =	strace s9  }
0x27: {  	s1 =	sld [smem:$0x3FAB]  }
0x28: {  	s2 =	sld [smem:$0x3FAC]  }
0x29: {  	s4 =	sld [smem:$0x3FAE]  }
0x2a: {  	p0 =	seq.s32 s5, $0x0;
	s5 =	sld [smem:$0x3FAF]  }
0x2b: {  	s6 =	sld [smem:$0x3FB0]  }
0x2c: {  	s7 =	sld [smem:$0x3FB1]  }
0x2d: {  	s3 =	simm.s32 $0x108;
	s8 =	sld [smem:$0x3FB2]  }
0x2e: {  	s3 =	simm.s32 @!p0 $0x1082;
	s9 =	sld [smem:$0x3FB3]  }
0x2f: {  	lr =	sadd.s32 s0, s3;
	s0 =	sld [smem:$0x3FAA]  }
0x30: {  	s3 =	sld [smem:$0x3FAD]  }
0x31: {  	[smem:$0x3FB6] =	sst s10  }
0x32: {  	s10 =	sld [smem:$0x3FB4];
	_ =	sdelay $0x3  }
0x33: {  	p0 =	seq.s32 s10, $0x1;
	s10 =	sld [smem:$0x3FB6];
	_ =	sdelay $0x3  }
0x34: {  	[smem:$0x3FB6] =	sst s10  }
0x35: {  	s10 =	sld [smem:$0x3FB5];
	_ =	sdelay $0x3  }
0x36: {  	p1 =	seq.s32 s10, $0x1;
	s10 =	sld [smem:$0x3FB6];
	_ =	sdelay $0x3  }
0x37: {  	[smem:$0x3FB6] =	sst s10  }
0x38: {  	s10 =	sld [smem:$0x3FB7]  }
0x39: {  	_ = 	snop;
	(pc) =	sbr.ind lr, $3  }
0x3a: {  	_ = 	snop  }
0x3b: {  	_ = 	snop  }
0x3c: {  	p2 =	seq.s32 s10, $0x1;
	s10 =	sld [smem:$0x3FB6]  }
0x3d: {  	_ =	shalt  }
0x3e: {  	_ =	shalt  }
0x3f: {  	_ =	shalt  }
0x40: {  	_ =	shalt  }
0x41: {  	_ =	shalt  }
0x42: {  	_ =	shalt  }
0x43: {  	_ =	shalt  }
0x44: {  	_ =	shalt  }
0x45: {  	_ =	shalt  }
0x46: {  	_ =	shalt  }
0x47: {  	_ =	shalt  }
0x48: {  	_ =	shalt  }
0x49: {  	_ =	shalt  }
0x4a: {  	_ =	shalt  }
0x4b: {  	_ =	shalt  }
0x4c: {  	_ =	shalt  }
0x4d: {  	_ =	shalt  }
0x4e: {  	_ =	shalt  }
0x4f: {  	_ =	shalt  }
0x50: {  	_ =	shalt  }
0x51: {  	_ =	shalt  }
0x52: {  	_ =	shalt  }
0x53: {  	_ =	shalt  }
0x54: {  	_ =	shalt  }
0x55: {  	_ =	shalt  }
0x56: {  	_ =	shalt  }
0x57: {  	_ =	shalt  }
0x58: {  	_ =	shalt  }
0x59: {  	_ =	shalt  }
0x5a: {  	_ =	shalt  }
0x5b: {  	_ =	shalt  }
0x5c: {  	_ =	shalt  }
0x5d: {  	_ =	shalt  }
0x5e: {  	_ =	shalt  }
0x5f: {  	_ =	shalt  }
0x60: {  	_ =	shalt  }
0x61: {  	_ =	shalt  }
0x62: {  	_ =	shalt  }
0x63: {  	_ =	shalt  }
0x64: {  	_ =	shalt  }
0x65: {  	_ =	shalt  }
0x66: {  	_ =	shalt  }
0x67: {  	_ =	shalt  }
0x68: {  	_ =	shalt  }
0x69: {  	_ =	shalt  }
0x6a: {  	_ =	shalt  }
0x6b: {  	_ =	shalt  }
0x6c: {  	_ =	shalt  }
0x6d: {  	_ =	shalt  }
0x6e: {  	_ =	shalt  }
0x6f: {  	_ =	shalt  }
0x70: {  	_ =	shalt  }
0x71: {  	_ =	shalt  }
0x72: {  	_ =	shalt  }
0x73: {  	_ =	shalt  }
0x74: {  	_ =	shalt  }
0x75: {  	_ =	shalt  }
0x76: {  	_ =	shalt  }
0x77: {  	_ =	shalt  }
0x78: {  	_ =	shalt  }
0x79: {  	_ =	shalt  }
0x7a: {  	_ =	shalt  }
0x7b: {  	_ =	shalt  }
0x7c: {  	_ =	shalt  }
0x7d: {  	_ =	shalt  }
0x7e: {  	_ =	shalt  }
0x7f: {  	_ =	shalt  }
0x80: {  	_ =	shalt  }
0x81: {  	_ =	shalt  }
0x82: {  	_ =	shalt  }
0x83: {  	_ =	shalt  }
0x84: {  	_ =	shalt  }
0x85: {  	_ =	shalt  }
0x86: {  	_ =	shalt  }
0x87: {  	_ =	shalt  }
.Lfunc_end0:
.L_simem_size_0:
called_computation.1_lowered:
.L_overlay_start_0:
0x88: {  	s2 =	sld [smem:$0x3FD9]  }
0x89: {  	s3 =	sld [smem:$0x3FFE];
	_ =	sdelay $0x1  }
0x8a: {  	s1 =	srdreg.scid  }
0x8b: {  	s0 =	sand.u32 $0x1, s1  }
0x8c: {  	s17 =	sshll.u32 s0, $0xA;
	s2 =	sadd.s32 s3, s2  }
0x8d: {  	s2 =	sadd.s32 s2, s17  }
0x8e: {  	[smem:$0x3FC2] =	sst s2  }
0x8f: {  	_ = 	snop  }
0x90: {  	s2 =	sld [smem:$0x3FD0];
	(tm) =	ssettm $0x1  }
0x91: {  	s18 =	sld [smem:$0x3FFB];
	_ =	sdelay $0x3  }
0x92: {  	_ =	strace s18  }
0x93: {  	s3 =	sld [smem:$0x3FFC];
	_ =	sdelay $0x3  }
0x94: {  	_ =	strace s3  }
0x95: {  	s3 =	sld [smem:$0x3FFD];
	_ =	sdelay $0x3  }
0x96: {  	_ =	strace s3  }
0x97: {  	_ =	strace $0x8FFFFFFF  }
0x98: {  	s19 =	sld [smem:$0x3FDB];
	_ =	sdelay $0x1  }
0x99: {  	s4 =	simm.s32 $_scs_section_size  }
0x9a: {  	s5 =	simm.s32 $_size__tile_overlayer_lowered;
	s6 =	simm.s32 $_tile_overlayer_lowered  }
0x9b: {  	s22 =	simm.s32 $0x1BFF;
	s21 =	sshll.u32 s6, $0x1;
	s3 =	sadd.s32 s4, s19  }
0x9c: {  	s7 =	simm.s32 $0x0;
	s20 =	sshll.u32 s5, $0x1;
	s5 =	sadd.s32 s21, s3  }
0x9d: {  	[timem:s7], [sflag:s22] =	dma.local [hbm:s5], s20  }
0x9e: {  	_ =	swait.ge [sflag:s22], s20  }
0x9f: {  	s4 =	ssub.s32 $0x0, s20;
	[sflag:s22] =	ssyncset.done $0x0  }
0xa0: {  	[sflag:s22] =	ssyncadd.s32 s4;
	_ =	sdelay $0x1  }
0xa1: {  	s23 =	simm.s32 $0x1B8B  }
0xa2: {  	_ =	swait.ge [sflag:s23], $0x1  }
0xa3: {  	[sflag:s23] =	ssyncset.done $0x0  }
0xa4: {  	s25 =	simm.s32 $0x1B8E;
	s24 =	sld [smem:$0x3FFE];
	[sflag:s23] =	ssyncadd.s32 $0xFFFFFFFF  }
0xa5: {  	s26 =	simm.s32 $execute0_lowered;
	[smem:$0x3FD2] =	sst s25  }
0xa6: {  	s5 =	sshll.u32 s26, $0x1;
	_ =	strace $0x80000049;
	[dreg:$0x1] =	wrdreg $0xFFFFFFFF  }
0xa7: {  	s28 =	simm.s32 $_size_execute0_lowered;
	s3 =	sadd.s32 s3, s5;
	[dreg:$0x0] =	wrdreg $0x0  }
0xa8: {  	s5 =	sshll.u32 s28, $0x1;
	[dreg:$0x2] =	wrdreg s3  }
0xa9: {  	[dreg:$0x3] =	wrdreg s5  }
0xaa: {  	[dreg:$0x4] =	wrdreg $0xC0  }
0xab: {  	_ =	task [dreg:s7], $0x5FFFF  }
0xac: {  	[dreg:$0x1] =	wrdreg $0xFFFFFFFF  }
0xad: {  	[dreg:$0x0] =	wrdreg $0x60  }
0xae: {  	[dreg:$0x2] =	wrdreg s24  }
0xaf: {  	[dreg:$0x3] =	wrdreg s2  }
0xb0: {  	[dreg:$0x4] =	wrdreg $0xF0000  }
0xb1: {  	[dreg:$0x5] =	wrdreg $0x9  }
0xb2: {  	_ =	task.clear_ibuf [dreg:s7], $0x6FFFF;
	_ =	strace $0x90000049  }
0xb3: {  	s29 =	simm.s32 $0x9;
	_ =	strace $0x8000004B  }
0xb4: {  	_ =	swait.ge [sflag:s29], $0x1  }
0xb5: {  	[sflag:s29] =	ssyncadd.s32 $0xFFFFFFFF  }
0xb6: {  	_ =	strace $0x9000004B  }
0xb7: {  	_ =	sfence  }
0xb8: {  	s30 =	sld [smem:$0x0];
	_ =	sdelay $0x2  }
0xb9: {  	s31 =	sshll.u32 s1, $0xD;
	s1 =	sshrl.u32 s1, $0x2  }
0xba: {  	s3 =	sand.u32 $0x4000, s31;
	s1 =	sadd.s32 s1, s30  }
0xbb: {  	s0 =	sor.u32 s3, s0;
	s1 =	sshll.u32 s1, $0x11  }
0xbc: {  	s0 =	sor.u32 s1, s0  }
0xbd: {  	s0 =	sadd.s32 $0x8F2B, s0  }
0xbe: {  	[sflag:s0] =	ssyncadd.remote.s32 $0x1  }
0xbf: {  	_ =	sfence.sel $0xFFFF  }
0xc0: {  	[dreg:$0x0] =	wrdreg $0xFFFFFFFF;
	(pc) =	sbr.abs _section_cstart, $3  }
0xc1: {  	[dreg:$0x1] =	wrdreg $0xFFFFFFFF  }
0xc2: {  	_ =	task.clear_ibuf [dreg:s7], $0x2FFFF;
	_ =	strace $0x9FFFFFFF  }
0xc3: {  	(tm) =	ssettm $0x7FFFFFFF  }
tec
execute0_lowered:
.L_overlay_start_1:
0x0: {  	(tag) =	ssettag $0x1  }
0x1: {  	s0 =	srdreg.scid;
	s1 =	rddreg [dreg:$0x0]  }
0x2: {  	s7 =	stileid.u32;
	s11 =	rddreg [dreg:$0x1];
	s14 =	simm.s32 $0xD000  }
0x3: {  	s15 =	simm.s32 $0x9;
	s16 =	simm.s32 $0x2800;
	s17 =	simm.s32 $0x80  }
0x4: {  	s18 =	simm.s32 $0x5000;
	s19 =	simm.s32 $0x7000;
	s20 =	simm.s32 $0x1  }
0x5: {  	s22 =	simm.s32 $0x9000;
	s23 =	simm.s32 $0x2;
	s26 =	simm.s32 $0xB000  }
0x6: {  	s28 =	simm.s32 $0x3;
	s29 =	simm.s32 $0x5;
	s30 =	simm.s32 $0x4  }
0x7: {  	s31 =	simm.s32 $0x6;
	s0 =	sand.u32 $0x1, s0;
	s5 =	smul.u32 $0xA000, s7  }
0x8: {  	s4 =	sadd.s32 $0x15600, s1;
	s2 =	sshll.u32 s0, $0x4;
	s6 =	smul.u32 $0xA0000, s0  }
0x9: {  	s0 =	ssub.s32 $0x2, s0;
	s3 =	sor.u32 s7, s2;
	s7 =	smul.u32 $0x28000, s7  }
0xa: {  	s2 =	rddreg [dreg:$0x2];
	s8 =	sshrl.u32 s0, $0x1;
	s12 =	smul.u32 $0x500, s3  }
0xb: {  	s3 =	simm.s32 $0x0;
	s6 =	sadd.s32 s5, s6;
	s0 =	ssub.s32 s0, s8  }
0xc: {  	s5 =	sadd.s32 s5, s2;
	[smem:$0x7FF] =	sst s3;
	s6 =	sshrl.u32 s6, $0x3  }
0xd: {  	s7 =	sshrl.u32 s7, $0x2;
	s13 =	smax.u32 s0, $0x1;
	s0 =	simm.s32 $0x8  }
0xe: {  	_ =	strace $0x8000004A;
	s10 =	sadd.s32 s12, s1;
	s9 =	sadd.s32 s7, s2  }
0xf: {  	s1 =	sadd.s32 s6, s1;
	s11 =	sadd.s32 s11, s12;
	s6 =	sadd.s32 $0x2000, s9  }
0x10: {  	s7 =	sadd.s32 $0x4000, s9;
	s8 =	sadd.s32 $0x6000, s9;
	s9 =	sadd.s32 $0x8000, s9  }
0x11: {  	v0 =	vimm.f32 $0.0e+00;
	s10 =	sadd.s32 $0xB600, s10;
	s12 =	sadd.s32 $0x29000, s1;
	s1 =	simm.s32 $0x7  }
.LBB2_1:
0x12: {  	s25 =	simm.s32 $0x100;
	s21 =	simm.s32 $0x0  }
.LBB2_2:
0x13: {  	p0 =	sne.s32 s25, $0x7F00;
	[tilespmem:s21+$0xD030] =	vst v0;
	s24 =	smov.u32 s25;
	s25 =	sadd.s32 $0x100, s25  }
.Ltmp0:
0x14: {  	[tilespmem:s21+$0xD020] =	vst v0;
	(pc) =	sbr.rel @p0 .LBB2_2-.Ltmp0, $3  }
0x15: {  	[tilespmem:s21+$0xD000] =	vst v0  }
0x16: {  	[tilespmem:s21+$0xD010] =	vst v0;
	_ =	sdelay $0x1  }
0x17: {  	s21 =	sshra.s32 s24, $0x2  }
0x18: {  	[tilespmem:s21+$0xD030] =	vst v0  }
0x19: {  	[tilespmem:s21+$0xD020] =	vst v0  }
0x1a: {  	[tilespmem:s21+$0xD000] =	vst v0  }
0x1b: {  	[tilespmem:s21+$0xD010] =	vst v0  }
0x1c: {  	[spmem:s5] =	stream.linear.scatter [tilespmem:s14], [sflag:$0x9], $0x2000, $0x38;
	[tilespmem:$0x19000] =	vst v63  }
0x1d: {  	_ =	swait.ge [sflag:s15], $0x2000  }
0x1e: {  	[sflag:s15] =	ssyncset.done $0x0  }
0x1f: {  	[sflag:s15] =	ssyncadd.s32 $0xFFFFE000  }
0x20: {  	[spmem:s6] =	stream.linear.scatter [tilespmem:s14], [sflag:$0x9], $0x2000, $0x38;
	[tilespmem:$0x19000] =	vst v63  }
0x21: {  	_ =	swait.ge [sflag:s15], $0x2000  }
0x22: {  	[sflag:s15] =	ssyncset.done $0x0  }
0x23: {  	[sflag:s15] =	ssyncadd.s32 $0xFFFFE000  }
0x24: {  	[spmem:s7] =	stream.linear.scatter [tilespmem:s14], [sflag:$0x9], $0x2000, $0x38;
	[tilespmem:$0x19000] =	vst v63  }
0x25: {  	_ =	swait.ge [sflag:s15], $0x2000  }
0x26: {  	[sflag:s15] =	ssyncset.done $0x0  }
0x27: {  	[sflag:s15] =	ssyncadd.s32 $0xFFFFE000  }
0x28: {  	[spmem:s8] =	stream.linear.scatter [tilespmem:s14], [sflag:$0x9], $0x2000, $0x38;
	[tilespmem:$0x19000] =	vst v63  }
0x29: {  	_ =	swait.ge [sflag:s15], $0x2000  }
0x2a: {  	[sflag:s15] =	ssyncset.done $0x0  }
0x2b: {  	[sflag:s15] =	ssyncadd.s32 $0xFFFFE000  }
0x2c: {  	[spmem:s9] =	stream.linear.scatter [tilespmem:s14], [sflag:$0x9], $0x2000, $0x38;
	[tilespmem:$0x19000] =	vst v63  }
0x2d: {  	_ =	swait.ge [sflag:s15], $0x2000  }
0x2e: {  	[sflag:s15] =	ssyncset.done $0x0  }
0x2f: {  	s25 =	simm.s32 $0x0;
	[sflag:s15] =	ssyncadd.s32 $0xFFFFE000  }
0x30: {  	[tilespmem:s25], [sflag:$0x9] =	stream.linear.gather [hbm4b:s10+s25], $0x2800, $0x38;
	[tilespmem:$0x19000] =	vst v63  }
0x31: {  	_ =	swait.ge [sflag:s15], $0x2800  }
0x32: {  	[sflag:s15] =	ssyncset.done $0x0  }
0x33: {  	[sflag:s15] =	ssyncadd.s32 $0xFFFFD800  }
0x34: {  	[tilespmem:s16], [sflag:$0x9] =	stream.linear.gather [hbm4b:s11+s25], $0x2800, $0x38;
	[tilespmem:$0x19000] =	vst v63  }
0x35: {  	_ =	swait.ge [sflag:s15], $0x2800  }
0x36: {  	[sflag:s15] =	ssyncset.done $0x0  }
0x37: {  	[sflag:s15] =	ssyncadd.s32 $0xFFFFD800  }
0x38: {  	[bflag:$0x0] =	sbarrier.arrive $0xFFFF  }
0x39: {  	[tilespmem:s18], [sflag:$0x1] =	stream.indirect.gather [hbm4b:s4+s17], $0x40, s25, s17, $0xb8;
	[tilespmem:$0x19000] =	vst v63  }
0x3a: {  	_ = 	snop  }
0x3b: {  	[tilespmem:s19], [sflag:$0x2] =	stream.indirect.gather [hbm4b:s4+s17], $0x40, s17, s17, $0xb8;
	[tilespmem:$0x19000] =	vst v63  }
0x3c: {  	_ =	swait.ge [sflag:s20], $0x2000  }
0x3d: {  	[sflag:s20] =	ssyncset.done $0x0  }
0x3e: {  	[sflag:s20] =	ssyncadd.s32 $0xFFFFE000  }
0x3f: {  	[spmem:s2] =	stream.indirect.scatter.add.f32 [tilespmem:s18], [sflag:$0x5], $0x40, s16, s17, $0xb8;
	[tilespmem:$0x19000] =	vst v63  }
0x40: {  	s24 =	simm.s32 $0x100  }
0x41: {  	[tilespmem:s22], [sflag:$0x3] =	stream.indirect.gather [hbm4b:s4+s17], $0x40, s24, s17, $0xb8;
	[tilespmem:$0x19000] =	vst v63  }
0x42: {  	_ =	swait.ge [sflag:s23], $0x2000  }
0x43: {  	[sflag:s23] =	ssyncset.done $0x0  }
0x44: {  	s25 =	simm.s32 $0x2880;
	[sflag:s23] =	ssyncadd.s32 $0xFFFFE000  }
0x45: {  	[spmem:s2] =	stream.indirect.scatter.add.f32 [tilespmem:s19], [sflag:$0x6], $0x40, s25, s17, $0xb8;
	[tilespmem:$0x19000] =	vst v63  }
0x46: {  	s24 =	simm.s32 $0x180  }
0x47: {  	[tilespmem:s26], [sflag:$0x4] =	stream.indirect.gather [hbm4b:s4+s17], $0x40, s24, s17, $0xb8;
	[tilespmem:$0x19000] =	vst v63  }
0x48: {  	_ =	swait.ge [sflag:s28], $0x2000  }
0x49: {  	[sflag:s28] =	ssyncset.done $0x0  }
0x4a: {  	s25 =	simm.s32 $0x2900;
	[sflag:s28] =	ssyncadd.s32 $0xFFFFE000  }
0x4b: {  	[spmem:s2] =	stream.indirect.scatter.add.f32 [tilespmem:s22], [sflag:$0x7], $0x40, s25, s17, $0xb8;
	[tilespmem:$0x19000] =	vst v63  }
0x4c: {  	_ =	swait.ge [sflag:s29], $0x2000  }
0x4d: {  	[sflag:s29] =	ssyncset.done $0x0  }
0x4e: {  	s24 =	simm.s32 $0x200;
	[sflag:s29] =	ssyncadd.s32 $0xFFFFE000  }
0x4f: {  	[tilespmem:s18], [sflag:$0x1] =	stream.indirect.gather [hbm4b:s4+s17], $0x40, s24, s17, $0xb8;
	[tilespmem:$0x19000] =	vst v63  }
0x50: {  	_ =	swait.ge [sflag:s30], $0x2000  }
0x51: {  	[sflag:s30] =	ssyncset.done $0x0  }
0x52: {  	s25 =	simm.s32 $0x2980;
	[sflag:s30] =	ssyncadd.s32 $0xFFFFE000  }
0x53: {  	[spmem:s2] =	stream.indirect.scatter.add.f32 [tilespmem:s26], [sflag:$0x8], $0x40, s25, s17, $0xb8;
	[tilespmem:$0x19000] =	vst v63  }
0x54: {  	_ =	swait.ge [sflag:s31], $0x2000  }
0x55: {  	[sflag:s31] =	ssyncset.done $0x0  }
0x56: {  	s24 =	simm.s32 $0x280;
	[sflag:s31] =	ssyncadd.s32 $0xFFFFE000  }
0x57: {  	[tilespmem:s19], [sflag:$0x2] =	stream.indirect.gather [hbm4b:s4+s17], $0x40, s24, s17, $0xb8;
	[tilespmem:$0x19000] =	vst v63  }
0x58: {  	_ =	swait.ge [sflag:s20], $0x2000  }
0x59: {  	[sflag:s20] =	ssyncset.done $0x0  }
0x5a: {  	s25 =	simm.s32 $0x2A00;
	[sflag:s20] =	ssyncadd.s32 $0xFFFFE000  }
0x5b: {  	[spmem:s2] =	stream.indirect.scatter.add.f32 [tilespmem:s18], [sflag:$0x5], $0x40, s25, s17, $0xb8;
	[tilespmem:$0x19000] =	vst v63  }
0x5c: {  	_ =	swait.ge [sflag:s1], $0x2000  }
0x5d: {  	[sflag:s1] =	ssyncset.done $0x0  }
0x5e: {  	s24 =	simm.s32 $0x300;
	[sflag:s1] =	ssyncadd.s32 $0xFFFFE000  }
0x5f: {  	[tilespmem:s22], [sflag:$0x3] =	stream.indirect.gather [hbm4b:s4+s17], $0x40, s24, s17, $0xb8;
	[tilespmem:$0x19000] =	vst v63  }
0x60: {  	_ =	swait.ge [sflag:s23], $0x2000  }
0x61: {  	[sflag:s23] =	ssyncset.done $0x0  }
0x62: {  	s25 =	simm.s32 $0x2A80;
	[sflag:s23] =	ssyncadd.s32 $0xFFFFE000  }
0x63: {  	[spmem:s2] =	stream.indirect.scatter.add.f32 [tilespmem:s19], [sflag:$0x6], $0x40, s25, s17, $0xb8;
	[tilespmem:$0x19000] =	vst v63  }
0x64: {  	_ =	swait.ge [sflag:s0], $0x2000  }
0x65: {  	[sflag:s0] =	ssyncset.done $0x0  }
0x66: {  	s21 =	simm.s32 $0x380;
	s25 =	simm.s32 $0x800;
	[sflag:s0] =	ssyncadd.s32 $0xFFFFE000  }
.LBB2_4:
0x67: {  	[tilespmem:s26], [sflag:$0x4] =	stream.indirect.gather [hbm4b:s4+s17], $0x40, s21, s17, $0xb8;
	[tilespmem:$0x19000] =	vst v63  }
0x68: {  	s21 =	smov.u32 s25  }
0x69: {  	p0 =	sne.s32 s25, $0x9000;
	s25 =	sadd.s32 $0x800, s25;
	_ =	swait.ge [sflag:s28], $0x2000  }
0x6a: {  	s21 =	sshra.s32 s21, $0x2;
	[sflag:s28] =	ssyncset.done $0x0  }
0x6b: {  	s24 =	sadd.s32 $0x2900, s21;
	[sflag:s28] =	ssyncadd.s32 $0xFFFFE000  }
0x6c: {  	[spmem:s2] =	stream.indirect.scatter.add.f32 [tilespmem:s22], [sflag:$0x7], $0x40, s24, s17, $0xb8;
	[tilespmem:$0x19000] =	vst v63  }
0x6d: {  	_ =	swait.ge [sflag:s29], $0x2000  }
0x6e: {  	[sflag:s29] =	ssyncset.done $0x0  }
0x6f: {  	s24 =	sadd.s32 $0x200, s21;
	[sflag:s29] =	ssyncadd.s32 $0xFFFFE000  }
0x70: {  	[tilespmem:s18], [sflag:$0x1] =	stream.indirect.gather [hbm4b:s4+s17], $0x40, s24, s17, $0xb8;
	[tilespmem:$0x19000] =	vst v63  }
0x71: {  	_ =	swait.ge [sflag:s30], $0x2000  }
0x72: {  	[sflag:s30] =	ssyncset.done $0x0  }
0x73: {  	s24 =	sadd.s32 $0x2980, s21;
	[sflag:s30] =	ssyncadd.s32 $0xFFFFE000  }
0x74: {  	[spmem:s2] =	stream.indirect.scatter.add.f32 [tilespmem:s26], [sflag:$0x8], $0x40, s24, s17, $0xb8;
	[tilespmem:$0x19000] =	vst v63  }
0x75: {  	_ =	swait.ge [sflag:s31], $0x2000  }
0x76: {  	[sflag:s31] =	ssyncset.done $0x0  }
0x77: {  	s24 =	sadd.s32 $0x280, s21;
	[sflag:s31] =	ssyncadd.s32 $0xFFFFE000  }
0x78: {  	[tilespmem:s19], [sflag:$0x2] =	stream.indirect.gather [hbm4b:s4+s17], $0x40, s24, s17, $0xb8;
	[tilespmem:$0x19000] =	vst v63  }
0x79: {  	_ =	swait.ge [sflag:s20], $0x2000  }
0x7a: {  	[sflag:s20] =	ssyncset.done $0x0  }
0x7b: {  	s24 =	sadd.s32 $0x2A00, s21;
	[sflag:s20] =	ssyncadd.s32 $0xFFFFE000  }
0x7c: {  	[spmem:s2] =	stream.indirect.scatter.add.f32 [tilespmem:s18], [sflag:$0x5], $0x40, s24, s17, $0xb8;
	[tilespmem:$0x19000] =	vst v63  }
0x7d: {  	_ =	swait.ge [sflag:s1], $0x2000  }
0x7e: {  	[sflag:s1] =	ssyncset.done $0x0  }
0x7f: {  	s24 =	sadd.s32 $0x300, s21;
	[sflag:s1] =	ssyncadd.s32 $0xFFFFE000  }
0x80: {  	[tilespmem:s22], [sflag:$0x3] =	stream.indirect.gather [hbm4b:s4+s17], $0x40, s24, s17, $0xb8;
	[tilespmem:$0x19000] =	vst v63  }
0x81: {  	_ =	swait.ge [sflag:s23], $0x2000  }
0x82: {  	[sflag:s23] =	ssyncset.done $0x0  }
.Ltmp1:
0x83: {  	s24 =	sadd.s32 $0x2A80, s21;
	[sflag:s23] =	ssyncadd.s32 $0xFFFFE000;
	(pc) =	sbr.rel @p0 .LBB2_4-.Ltmp1, $4  }
0x84: {  	[spmem:s2] =	stream.indirect.scatter.add.f32 [tilespmem:s19], [sflag:$0x6], $0x40, s24, s17, $0xb8;
	[tilespmem:$0x19000] =	vst v63  }
0x85: {  	_ =	swait.ge [sflag:s0], $0x2000  }
0x86: {  	[sflag:s0] =	ssyncset.done $0x0  }
0x87: {  	s21 =	sadd.s32 $0x380, s21;
	[sflag:s0] =	ssyncadd.s32 $0xFFFFE000  }
0x88: {  	[tilespmem:s26], [sflag:$0x4] =	stream.indirect.gather [hbm4b:s4+s17], $0x40, s21, s17, $0xb8;
	[tilespmem:$0x19000] =	vst v63  }
0x89: {  	_ =	swait.ge [sflag:s28], $0x2000  }
0x8a: {  	[sflag:s28] =	ssyncset.done $0x0  }
0x8b: {  	s25 =	simm.s32 $0x4F00;
	[sflag:s28] =	ssyncadd.s32 $0xFFFFE000  }
0x8c: {  	[spmem:s2] =	stream.indirect.scatter.add.f32 [tilespmem:s22], [sflag:$0x7], $0x40, s25, s17, $0xb8;
	[tilespmem:$0x19000] =	vst v63  }
0x8d: {  	_ =	swait.ge [sflag:s30], $0x2000  }
0x8e: {  	[sflag:s30] =	ssyncset.done $0x0  }
0x8f: {  	s24 =	simm.s32 $0x4F80;
	[sflag:s30] =	ssyncadd.s32 $0xFFFFE000  }
0x90: {  	[spmem:s2] =	stream.indirect.scatter.add.f32 [tilespmem:s26], [sflag:$0x8], $0x40, s24, s17, $0xb8;
	[tilespmem:$0x19000] =	vst v63  }
0x91: {  	_ =	swait.ge [sflag:s29], $0x2000  }
0x92: {  	[sflag:s29] =	ssyncset.done $0x0  }
0x93: {  	[sflag:s29] =	ssyncadd.s32 $0xFFFFE000  }
0x94: {  	_ =	swait.ge [sflag:s31], $0x2000  }
0x95: {  	[sflag:s31] =	ssyncset.done $0x0  }
0x96: {  	[sflag:s31] =	ssyncadd.s32 $0xFFFFE000  }
0x97: {  	_ =	swait.ge [sflag:s1], $0x2000  }
0x98: {  	[sflag:s1] =	ssyncset.done $0x0  }
0x99: {  	[sflag:s1] =	ssyncadd.s32 $0xFFFFE000  }
0x9a: {  	s25 =	stileid.u32;
	_ =	swait.ge [sflag:s0], $0x2000  }
0x9b: {  	s3 =	sadd.s32 $0x1, s3;
	s21 =	sshll.u32 s25, $0x6;
	[sflag:s0] =	ssyncset.done $0x0  }
0x9c: {  	p0 =	sne.s32 s3, s13;
	s21 =	sor.u32 $0x1C09, s21;
	[sflag:s0] =	ssyncadd.s32 $0xFFFFE000  }
.Ltmp2:
0x9d: {  	s24 =	sshrl.u32 s5, $0x3;
	[bflag:$0x0] =	sbarrier.arrive $0xFFFF;
	(pc) =	sbr.rel @p0 .LBB2_1-.Ltmp2, $4  }
0x9e: {  	[hbm:s12], [sflag:s21] =	dma.local [spmem:s24], $0x1400  }
0x9f: {  	_ =	swait.ge [sflag:s15], $0x1400  }
0xa0: {  	[sflag:s15] =	ssyncset.done $0x0  }
0xa1: {  	[sflag:s15] =	ssyncadd.s32 $0xFFFFEC00  }
0xa2: {  	_ =	sfence.sel $0x180000  }
0xa3: {  	[bflag:$0x0] =	sbarrier.arrive $0xFFFF  }
0xa4: {  	_ =	strace $0x9000004A  }
0xa5: {  	s0 =	stileid.u32;
	[bflag:$0x2] =	sbarrier.arrive $0xFFFF  }
0xa6: {  	p0 =	sne.s32 s0, $0x0;
	s0 =	rddreg [dreg:$0x3]  }
0xa7: {  	s0 =	sadd.s32 @!p0 $0x100000, s0  }
0xa8: {  	[sflag:s0] =	ssyncadd.tile.s32 @!p0 $0x1;
	_ =	shalt  }
.Lfunc_end2:
_tile_overlayer_lowered:
.L_overlay_start_2:
0xa9: {  	(tag) =	ssettag $0x2  }
0xaa: {  	s0 =	rddreg [dreg:$0x0];
	s2 =	stileid.u32  }
0xab: {  	s1 =	rddreg [dreg:$0x1];
	p0 =	sne.s32 s2, $0x0  }
0xac: {  	s3 =	rddreg [dreg:$0x2];
	[bflag:$0x3] =	sbarrier.arrive $0xFFFF;
	s2 =	simm.s32 @!p0 $0x1C09  }
0xad: {  	[timem:s3], [sflag:s2] =	dma.local @!p0 [hbm:s0], s1  }
0xae: {  	s0 =	simm.s32 @!p0 $0x9  }
0xaf: {  	_ =	swait.ge @!p0 [sflag:s0], s1  }
0xb0: {  	s1 =	ssub.s32 @!p0 $0x0, s1;
	[sflag:s0] =	ssyncset.done @!p0 $0x0  }
0xb1: {  	[sflag:s0] =	ssyncadd.s32 @!p0 s1  }
0xb2: {  	[bflag:$0x3] =	sbarrier.arrive $0xFFFF  }
0xb3: {  	_ =	shalt  }

// kernel: kernel.14.cloned.1.call-start
scs
__scs_entry_jumppad:
0x0: {  	(pc) =	sbr.rel $0x88, $3  }
0x1: {  	(tag) =	ssettag $0x0;
	lr =	simm.s32 $0x1  }
0x2: {  	[smem:$0x3F9B] =	sst lr;
	_ =	strace $0xD0000000  }
0x3: {  	_ = 	snop  }
0x4: {  	_ = 	snop  }
0x5: {  	_ = 	snop  }
0x6: {  	_ = 	snop  }
0x7: {  	_ = 	snop  }
__scs_overlays_trampoline_lowered:
0x8: {  	[smem:$0x3FAA] =	sst s0  }
0x9: {  	[smem:$0x3FAB] =	sst s1  }
0xa: {  	[smem:$0x3FAC] =	sst s2  }
0xb: {  	[smem:$0x3FAD] =	sst s3  }
0xc: {  	[smem:$0x3FAE] =	sst s4  }
0xd: {  	[smem:$0x3FAF] =	sst s5  }
0xe: {  	[smem:$0x3FB0] =	sst s6  }
0xf: {  	[smem:$0x3FB1] =	sst s7  }
0x10: {  	[smem:$0x3FB2] =	sst s8  }
0x11: {  	[smem:$0x3FB3] =	sst s9;
	s0 =	simm.s32 @!p0 $0x0  }
0x12: {  	s1 =	sld [smem:$0x3F99];
	s0 =	simm.s32 @p0 $0x1  }
0x13: {  	[smem:$0x3FB4] =	sst s0;
	s0 =	simm.s32 @!p1 $0x0  }
0x14: {  	s2 =	sld [smem:$0x3F98];
	s0 =	simm.s32 @p1 $0x1  }
0x15: {  	[smem:$0x3FB5] =	sst s0;
	s0 =	simm.s32 @!p2 $0x0  }
0x16: {  	s3 =	sld [smem:$0x3FDB];
	s0 =	simm.s32 @p2 $0x1  }
0x17: {  	s4 =	simm.s32 $0x1BF5;
	[smem:$0x3FB7] =	sst s0  }
0x18: {  	s0 =	sld [smem:$0x3F9A];
	_ =	swait.ge [sflag:s4], $0x0  }
0x19: {  	s7 =	sld [smem:$0x3F9B]  }
0x1a: {  	s8 =	sadd.s32 $0xFFFFE003, lr  }
0x1b: {  	s9 =	sadd.s32 $0xFFFFFEF7, lr;
	s5 =	simm.s32 $0xFFFFFFFF;
	p2 =	slt.u32 s8, $0xFFFFF086  }
0x1c: {  	p1 =	slt.u32 s9, $0xF7A;
	s5 =	simm.s32 @!p2 $0x0  }
0x1d: {  	s5 =	simm.s32 @p1 $0x1;
	p0 =	seq.s32 s7, s2  }
0x1e: {  	s7 =	smul.u32 @!p0 $0xF7A, s2;
	p2 =	seq.s32 @!p0 s5, $0x0  }
0x1f: {  	s9 =	smul.u32 $0xF7A, s1;
	s8 =	simm.s32 @!p0 $0x1BF5;
	p2 =	por !p2, p0  }
0x20: {  	[sflag:s8] =	ssyncset.s32 @!p0 $0xFFFFF086;
	s6 =	sadd.s32 @!p0 s3, s7;
	s7 =	simm.s32 @!p0 $0x108  }
0x21: {  	s3 =	sadd.s32 s3, s9;
	s6 =	sadd.s32 @!p0 $0x88, s6;
	s7 =	simm.s32 @p2 $0x1082  }
0x22: {  	[simem:s7], [sflag:s8] =	dma.local @!p0 [hbm:s6], $0xF7A  }
0x23: {  	s9 =	sor.u32 $0xD0000000, s2;
	s6 =	simm.s32 $0x108;
	_ =	swait.ge @!p0 [sflag:s8], $0x0  }
0x24: {  	s3 =	sadd.s32 $0x88, s3;
	s6 =	simm.s32 @!p1 $0x1082;
	[sflag:s4] =	ssyncset.s32 $0xFFFFF086  }
0x25: {  	[simem:s6], [sflag:s4] =	dma.local [hbm:s3], $0xF7A  }
0x26: {  	[smem:$0x3F9B] =	sst s1;
	(tag) =	ssettag s2;
	_ =	strace s9  }
0x27: {  	s1 =	sld [smem:$0x3FAB]  }
0x28: {  	s2 =	sld [smem:$0x3FAC]  }
0x29: {  	s4 =	sld [smem:$0x3FAE]  }
0x2a: {  	p0 =	seq.s32 s5, $0x0;
	s5 =	sld [smem:$0x3FAF]  }
0x2b: {  	s6 =	sld [smem:$0x3FB0]  }
0x2c: {  	s7 =	sld [smem:$0x3FB1]  }
0x2d: {  	s3 =	simm.s32 $0x108;
	s8 =	sld [smem:$0x3FB2]  }
0x2e: {  	s3 =	simm.s32 @!p0 $0x1082;
	s9 =	sld [smem:$0x3FB3]  }
0x2f: {  	lr =	sadd.s32 s0, s3;
	s0 =	sld [smem:$0x3FAA]  }
0x30: {  	s3 =	sld [smem:$0x3FAD]  }
0x31: {  	[smem:$0x3FB6] =	sst s10  }
0x32: {  	s10 =	sld [smem:$0x3FB4];
	_ =	sdelay $0x3  }
0x33: {  	p0 =	seq.s32 s10, $0x1;
	s10 =	sld [smem:$0x3FB6];
	_ =	sdelay $0x3  }
0x34: {  	[smem:$0x3FB6] =	sst s10  }
0x35: {  	s10 =	sld [smem:$0x3FB5];
	_ =	sdelay $0x3  }
0x36: {  	p1 =	seq.s32 s10, $0x1;
	s10 =	sld [smem:$0x3FB6];
	_ =	sdelay $0x3  }
0x37: {  	[smem:$0x3FB6] =	sst s10  }
0x38: {  	s10 =	sld [smem:$0x3FB7]  }
0x39: {  	_ = 	snop;
	(pc) =	sbr.ind lr, $3  }
0x3a: {  	_ = 	snop  }
0x3b: {  	_ = 	snop  }
0x3c: {  	p2 =	seq.s32 s10, $0x1;
	s10 =	sld [smem:$0x3FB6]  }
0x3d: {  	_ =	shalt  }
0x3e: {  	_ =	shalt  }
0x3f: {  	_ =	shalt  }
0x40: {  	_ =	shalt  }
0x41: {  	_ =	shalt  }
0x42: {  	_ =	shalt  }
0x43: {  	_ =	shalt  }
0x44: {  	_ =	shalt  }
0x45: {  	_ =	shalt  }
0x46: {  	_ =	shalt  }
0x47: {  	_ =	shalt  }
0x48: {  	_ =	shalt  }
0x49: {  	_ =	shalt  }
0x4a: {  	_ =	shalt  }
0x4b: {  	_ =	shalt  }
0x4c: {  	_ =	shalt  }
0x4d: {  	_ =	shalt  }
0x4e: {  	_ =	shalt  }
0x4f: {  	_ =	shalt  }
0x50: {  	_ =	shalt  }
0x51: {  	_ =	shalt  }
0x52: {  	_ =	shalt  }
0x53: {  	_ =	shalt  }
0x54: {  	_ =	shalt  }
0x55: {  	_ =	shalt  }
0x56: {  	_ =	shalt  }
0x57: {  	_ =	shalt  }
0x58: {  	_ =	shalt  }
0x59: {  	_ =	shalt  }
0x5a: {  	_ =	shalt  }
0x5b: {  	_ =	shalt  }
0x5c: {  	_ =	shalt  }
0x5d: {  	_ =	shalt  }
0x5e: {  	_ =	shalt  }
0x5f: {  	_ =	shalt  }
0x60: {  	_ =	shalt  }
0x61: {  	_ =	shalt  }
0x62: {  	_ =	shalt  }
0x63: {  	_ =	shalt  }
0x64: {  	_ =	shalt  }
0x65: {  	_ =	shalt  }
0x66: {  	_ =	shalt  }
0x67: {  	_ =	shalt  }
0x68: {  	_ =	shalt  }
0x69: {  	_ =	shalt  }
0x6a: {  	_ =	shalt  }
0x6b: {  	_ =	shalt  }
0x6c: {  	_ =	shalt  }
0x6d: {  	_ =	shalt  }
0x6e: {  	_ =	shalt  }
0x6f: {  	_ =	shalt  }
0x70: {  	_ =	shalt  }
0x71: {  	_ =	shalt  }
0x72: {  	_ =	shalt  }
0x73: {  	_ =	shalt  }
0x74: {  	_ =	shalt  }
0x75: {  	_ =	shalt  }
0x76: {  	_ =	shalt  }
0x77: {  	_ =	shalt  }
0x78: {  	_ =	shalt  }
0x79: {  	_ =	shalt  }
0x7a: {  	_ =	shalt  }
0x7b: {  	_ =	shalt  }
0x7c: {  	_ =	shalt  }
0x7d: {  	_ =	shalt  }
0x7e: {  	_ =	shalt  }
0x7f: {  	_ =	shalt  }
0x80: {  	_ =	shalt  }
0x81: {  	_ =	shalt  }
0x82: {  	_ =	shalt  }
0x83: {  	_ =	shalt  }
0x84: {  	_ =	shalt  }
0x85: {  	_ =	shalt  }
0x86: {  	_ =	shalt  }
0x87: {  	_ =	shalt  }
.Lfunc_end0:
.L_simem_size_0:
called_computation.2_lowered:
.L_overlay_start_0:
0x88: {  	s2 =	sld [smem:$0x3FD9]  }
0x89: {  	s3 =	sld [smem:$0x3FFE];
	_ =	sdelay $0x1  }
0x8a: {  	s1 =	srdreg.scid  }
0x8b: {  	s0 =	sand.u32 $0x1, s1  }
0x8c: {  	s17 =	sshll.u32 s0, $0xA;
	s2 =	sadd.s32 s3, s2  }
0x8d: {  	s2 =	sadd.s32 s2, s17  }
0x8e: {  	[smem:$0x3FC2] =	sst s2  }
0x8f: {  	_ = 	snop  }
0x90: {  	s2 =	sld [smem:$0x3FD0];
	(tm) =	ssettm $0x1  }
0x91: {  	s18 =	sld [smem:$0x3FFB];
	_ =	sdelay $0x3  }
0x92: {  	_ =	strace s18  }
0x93: {  	s3 =	sld [smem:$0x3FFC];
	_ =	sdelay $0x3  }
0x94: {  	_ =	strace s3  }
0x95: {  	s3 =	sld [smem:$0x3FFD];
	_ =	sdelay $0x3  }
0x96: {  	_ =	strace s3  }
0x97: {  	_ =	strace $0x8FFFFFFF  }
0x98: {  	s19 =	sld [smem:$0x3FDB];
	_ =	sdelay $0x1  }
0x99: {  	s4 =	simm.s32 $_scs_section_size  }
0x9a: {  	s5 =	simm.s32 $_size__tile_overlayer_lowered;
	s6 =	simm.s32 $_tile_overlayer_lowered  }
0x9b: {  	s22 =	simm.s32 $0x1BFF;
	s21 =	sshll.u32 s6, $0x1;
	s3 =	sadd.s32 s4, s19  }
0x9c: {  	s7 =	simm.s32 $0x0;
	s20 =	sshll.u32 s5, $0x1;
	s5 =	sadd.s32 s21, s3  }
0x9d: {  	[timem:s7], [sflag:s22] =	dma.local [hbm:s5], s20  }
0x9e: {  	_ =	swait.ge [sflag:s22], s20  }
0x9f: {  	s4 =	ssub.s32 $0x0, s20;
	[sflag:s22] =	ssyncset.done $0x0  }
0xa0: {  	[sflag:s22] =	ssyncadd.s32 s4;
	_ =	sdelay $0x1  }
0xa1: {  	s23 =	simm.s32 $0x1B8B  }
0xa2: {  	_ =	swait.ge [sflag:s23], $0x1  }
0xa3: {  	[sflag:s23] =	ssyncset.done $0x0  }
0xa4: {  	s25 =	simm.s32 $0x1B8E;
	s24 =	sld [smem:$0x3FFE];
	[sflag:s23] =	ssyncadd.s32 $0xFFFFFFFF  }
0xa5: {  	s26 =	simm.s32 $execute0_lowered;
	[smem:$0x3FD2] =	sst s25  }
0xa6: {  	s5 =	sshll.u32 s26, $0x1;
	_ =	strace $0x8000004C;
	[dreg:$0x1] =	wrdreg $0xFFFFFFFF  }
0xa7: {  	s28 =	simm.s32 $_size_execute0_lowered;
	s3 =	sadd.s32 s3, s5;
	[dreg:$0x0] =	wrdreg $0x0  }
0xa8: {  	s5 =	sshll.u32 s28, $0x1;
	[dreg:$0x2] =	wrdreg s3  }
0xa9: {  	[dreg:$0x3] =	wrdreg s5  }
0xaa: {  	[dreg:$0x4] =	wrdreg $0xC0  }
0xab: {  	_ =	task [dreg:s7], $0x5FFFF  }
0xac: {  	[dreg:$0x1] =	wrdreg $0xFFFFFFFF  }
0xad: {  	[dreg:$0x0] =	wrdreg $0x60  }
0xae: {  	[dreg:$0x2] =	wrdreg s24  }
0xaf: {  	[dreg:$0x3] =	wrdreg s2  }
0xb0: {  	[dreg:$0x4] =	wrdreg $0xC8000  }
0xb1: {  	[dreg:$0x5] =	wrdreg $0x9  }
0xb2: {  	_ =	task.clear_ibuf [dreg:s7], $0x6FFFF;
	_ =	strace $0x9000004C  }
0xb3: {  	s29 =	simm.s32 $0x9;
	_ =	strace $0x8000004E  }
0xb4: {  	_ =	swait.ge [sflag:s29], $0x1  }
0xb5: {  	[sflag:s29] =	ssyncadd.s32 $0xFFFFFFFF  }
0xb6: {  	_ =	strace $0x9000004E  }
0xb7: {  	_ =	sfence  }
0xb8: {  	s30 =	sld [smem:$0x0];
	_ =	sdelay $0x2  }
0xb9: {  	s31 =	sshll.u32 s1, $0xD;
	s1 =	sshrl.u32 s1, $0x2  }
0xba: {  	s3 =	sand.u32 $0x4000, s31;
	s1 =	sadd.s32 s1, s30  }
0xbb: {  	s0 =	sor.u32 s3, s0;
	s1 =	sshll.u32 s1, $0x11  }
0xbc: {  	s0 =	sor.u32 s1, s0  }
0xbd: {  	s0 =	sadd.s32 $0x8F2B, s0  }
0xbe: {  	[sflag:s0] =	ssyncadd.remote.s32 $0x1  }
0xbf: {  	_ =	sfence.sel $0xFFFF  }
0xc0: {  	[dreg:$0x0] =	wrdreg $0xFFFFFFFF;
	(pc) =	sbr.abs _section_cstart, $3  }
0xc1: {  	[dreg:$0x1] =	wrdreg $0xFFFFFFFF  }
0xc2: {  	_ =	task.clear_ibuf [dreg:s7], $0x2FFFF;
	_ =	strace $0x9FFFFFFF  }
0xc3: {  	(tm) =	ssettm $0x7FFFFFFF  }
tec
execute0_lowered:
.L_overlay_start_1:
0x0: {  	(tag) =	ssettag $0x1  }
0x1: {  	s0 =	srdreg.scid;
	s1 =	rddreg [dreg:$0x0]  }
0x2: {  	s7 =	stileid.u32;
	s11 =	rddreg [dreg:$0x1];
	s14 =	simm.s32 $0xB000  }
0x3: {  	s15 =	simm.s32 $0x9;
	s16 =	simm.s32 $0x2800;
	s17 =	simm.s32 $0x80  }
0x4: {  	s18 =	simm.s32 $0x5000;
	s19 =	simm.s32 $0x6800;
	s20 =	simm.s32 $0x1  }
0x5: {  	s22 =	simm.s32 $0x8000;
	s23 =	simm.s32 $0x2;
	s26 =	simm.s32 $0x9800  }
0x6: {  	s28 =	simm.s32 $0x3;
	s29 =	simm.s32 $0x5;
	s30 =	simm.s32 $0x4  }
0x7: {  	s31 =	simm.s32 $0x6;
	s0 =	sand.u32 $0x1, s0;
	s5 =	smul.u32 $0x7800, s7  }
0x8: {  	s4 =	sadd.s32 $0x15600, s1;
	s2 =	sshll.u32 s0, $0x4;
	s6 =	smul.u32 $0x78000, s0  }
0x9: {  	s0 =	ssub.s32 $0x2, s0;
	s3 =	sor.u32 s7, s2;
	s7 =	smul.u32 $0x1E000, s7  }
0xa: {  	s2 =	rddreg [dreg:$0x2];
	s8 =	sshrl.u32 s0, $0x1;
	s12 =	smul.u32 $0x500, s3  }
0xb: {  	s3 =	simm.s32 $0x0;
	s6 =	sadd.s32 s5, s6;
	s0 =	ssub.s32 s0, s8  }
0xc: {  	s5 =	sadd.s32 s5, s2;
	[smem:$0x7FF] =	sst s3;
	s6 =	sshrl.u32 s6, $0x3  }
0xd: {  	s7 =	sshrl.u32 s7, $0x2;
	s13 =	smax.u32 s0, $0x1;
	s0 =	simm.s32 $0x8  }
0xe: {  	_ =	strace $0x8000004D;
	s10 =	sadd.s32 s12, s1;
	s9 =	sadd.s32 s7, s2  }
0xf: {  	s1 =	sadd.s32 s6, s1;
	s11 =	sadd.s32 s11, s12;
	s6 =	sadd.s32 $0x1800, s9  }
0x10: {  	s7 =	sadd.s32 $0x3000, s9;
	s8 =	sadd.s32 $0x4800, s9;
	s9 =	sadd.s32 $0x6000, s9  }
0x11: {  	v0 =	vimm.f32 $0.0e+00;
	s10 =	sadd.s32 $0xB600, s10;
	s12 =	sadd.s32 $0x24200, s1;
	s1 =	simm.s32 $0x7  }
.LBB2_1:
0x12: {  	s21 =	simm.s32 $0xC0;
	s25 =	simm.s32 $0x0  }
.LBB2_2:
0x13: {  	p0 =	sne.s32 s21, $0x5F40;
	[tilespmem:s25+$0xB020] =	vst v0;
	s24 =	smov.u32 s21;
	s21 =	sadd.s32 $0xC0, s21  }
.Ltmp0:
0x14: {  	[tilespmem:s25+$0xB000] =	vst v0;
	(pc) =	sbr.rel @p0 .LBB2_2-.Ltmp0, $2  }
0x15: {  	[tilespmem:s25+$0xB010] =	vst v0;
	_ =	sdelay $0x2  }
0x16: {  	s25 =	sshra.s32 s24, $0x2  }
0x17: {  	[tilespmem:s25+$0xB020] =	vst v0  }
0x18: {  	[tilespmem:s25+$0xB000] =	vst v0  }
0x19: {  	[tilespmem:s25+$0xB010] =	vst v0  }
0x1a: {  	[spmem:s5] =	stream.linear.scatter [tilespmem:s14], [sflag:$0x9], $0x1800, $0x38;
	[tilespmem:$0x14000] =	vst v63  }
0x1b: {  	_ =	swait.ge [sflag:s15], $0x1800  }
0x1c: {  	[sflag:s15] =	ssyncset.done $0x0  }
0x1d: {  	[sflag:s15] =	ssyncadd.s32 $0xFFFFE800  }
0x1e: {  	[spmem:s6] =	stream.linear.scatter [tilespmem:s14], [sflag:$0x9], $0x1800, $0x38;
	[tilespmem:$0x14000] =	vst v63  }
0x1f: {  	_ =	swait.ge [sflag:s15], $0x1800  }
0x20: {  	[sflag:s15] =	ssyncset.done $0x0  }
0x21: {  	[sflag:s15] =	ssyncadd.s32 $0xFFFFE800  }
0x22: {  	[spmem:s7] =	stream.linear.scatter [tilespmem:s14], [sflag:$0x9], $0x1800, $0x38;
	[tilespmem:$0x14000] =	vst v63  }
0x23: {  	_ =	swait.ge [sflag:s15], $0x1800  }
0x24: {  	[sflag:s15] =	ssyncset.done $0x0  }
0x25: {  	[sflag:s15] =	ssyncadd.s32 $0xFFFFE800  }
0x26: {  	[spmem:s8] =	stream.linear.scatter [tilespmem:s14], [sflag:$0x9], $0x1800, $0x38;
	[tilespmem:$0x14000] =	vst v63  }
0x27: {  	_ =	swait.ge [sflag:s15], $0x1800  }
0x28: {  	[sflag:s15] =	ssyncset.done $0x0  }
0x29: {  	[sflag:s15] =	ssyncadd.s32 $0xFFFFE800  }
0x2a: {  	[spmem:s9] =	stream.linear.scatter [tilespmem:s14], [sflag:$0x9], $0x1800, $0x38;
	[tilespmem:$0x14000] =	vst v63  }
0x2b: {  	_ =	swait.ge [sflag:s15], $0x1800  }
0x2c: {  	[sflag:s15] =	ssyncset.done $0x0  }
0x2d: {  	s21 =	simm.s32 $0x0;
	[sflag:s15] =	ssyncadd.s32 $0xFFFFE800  }
0x2e: {  	[tilespmem:s21], [sflag:$0x9] =	stream.linear.gather [hbm4b:s10+s21], $0x2800, $0x38;
	[tilespmem:$0x14000] =	vst v63  }
0x2f: {  	_ =	swait.ge [sflag:s15], $0x2800  }
0x30: {  	[sflag:s15] =	ssyncset.done $0x0  }
0x31: {  	[sflag:s15] =	ssyncadd.s32 $0xFFFFD800  }
0x32: {  	[tilespmem:s16], [sflag:$0x9] =	stream.linear.gather [hbm4b:s11+s21], $0x2800, $0x38;
	[tilespmem:$0x14000] =	vst v63  }
0x33: {  	_ =	swait.ge [sflag:s15], $0x2800  }
0x34: {  	[sflag:s15] =	ssyncset.done $0x0  }
0x35: {  	[sflag:s15] =	ssyncadd.s32 $0xFFFFD800  }
0x36: {  	[bflag:$0x0] =	sbarrier.arrive $0xFFFF  }
0x37: {  	[tilespmem:s18], [sflag:$0x1] =	stream.indirect.gather [hbm4b:s4+s17], $0x30, s21, s17, $0xb8;
	[tilespmem:$0x14000] =	vst v63  }
0x38: {  	_ = 	snop  }
0x39: {  	[tilespmem:s19], [sflag:$0x2] =	stream.indirect.gather [hbm4b:s4+s17], $0x30, s17, s17, $0xb8;
	[tilespmem:$0x14000] =	vst v63  }
0x3a: {  	_ =	swait.ge [sflag:s20], $0x1800  }
0x3b: {  	[sflag:s20] =	ssyncset.done $0x0  }
0x3c: {  	[sflag:s20] =	ssyncadd.s32 $0xFFFFE800  }
0x3d: {  	[spmem:s2] =	stream.indirect.scatter.add.f32 [tilespmem:s18], [sflag:$0x5], $0x30, s16, s17, $0xb8;
	[tilespmem:$0x14000] =	vst v63  }
0x3e: {  	s24 =	simm.s32 $0x100  }
0x3f: {  	[tilespmem:s22], [sflag:$0x3] =	stream.indirect.gather [hbm4b:s4+s17], $0x30, s24, s17, $0xb8;
	[tilespmem:$0x14000] =	vst v63  }
0x40: {  	_ =	swait.ge [sflag:s23], $0x1800  }
0x41: {  	[sflag:s23] =	ssyncset.done $0x0  }
0x42: {  	s25 =	simm.s32 $0x2880;
	[sflag:s23] =	ssyncadd.s32 $0xFFFFE800  }
0x43: {  	[spmem:s2] =	stream.indirect.scatter.add.f32 [tilespmem:s19], [sflag:$0x6], $0x30, s25, s17, $0xb8;
	[tilespmem:$0x14000] =	vst v63  }
0x44: {  	s24 =	simm.s32 $0x180  }
0x45: {  	[tilespmem:s26], [sflag:$0x4] =	stream.indirect.gather [hbm4b:s4+s17], $0x30, s24, s17, $0xb8;
	[tilespmem:$0x14000] =	vst v63  }
0x46: {  	_ =	swait.ge [sflag:s28], $0x1800  }
0x47: {  	[sflag:s28] =	ssyncset.done $0x0  }
0x48: {  	s25 =	simm.s32 $0x2900;
	[sflag:s28] =	ssyncadd.s32 $0xFFFFE800  }
0x49: {  	[spmem:s2] =	stream.indirect.scatter.add.f32 [tilespmem:s22], [sflag:$0x7], $0x30, s25, s17, $0xb8;
	[tilespmem:$0x14000] =	vst v63  }
0x4a: {  	_ =	swait.ge [sflag:s29], $0x1800  }
0x4b: {  	[sflag:s29] =	ssyncset.done $0x0  }
0x4c: {  	s24 =	simm.s32 $0x200;
	[sflag:s29] =	ssyncadd.s32 $0xFFFFE800  }
0x4d: {  	[tilespmem:s18], [sflag:$0x1] =	stream.indirect.gather [hbm4b:s4+s17], $0x30, s24, s17, $0xb8;
	[tilespmem:$0x14000] =	vst v63  }
0x4e: {  	_ =	swait.ge [sflag:s30], $0x1800  }
0x4f: {  	[sflag:s30] =	ssyncset.done $0x0  }
0x50: {  	s25 =	simm.s32 $0x2980;
	[sflag:s30] =	ssyncadd.s32 $0xFFFFE800  }
0x51: {  	[spmem:s2] =	stream.indirect.scatter.add.f32 [tilespmem:s26], [sflag:$0x8], $0x30, s25, s17, $0xb8;
	[tilespmem:$0x14000] =	vst v63  }
0x52: {  	_ =	swait.ge [sflag:s31], $0x1800  }
0x53: {  	[sflag:s31] =	ssyncset.done $0x0  }
0x54: {  	s24 =	simm.s32 $0x280;
	[sflag:s31] =	ssyncadd.s32 $0xFFFFE800  }
0x55: {  	[tilespmem:s19], [sflag:$0x2] =	stream.indirect.gather [hbm4b:s4+s17], $0x30, s24, s17, $0xb8;
	[tilespmem:$0x14000] =	vst v63  }
0x56: {  	_ =	swait.ge [sflag:s20], $0x1800  }
0x57: {  	[sflag:s20] =	ssyncset.done $0x0  }
0x58: {  	s25 =	simm.s32 $0x2A00;
	[sflag:s20] =	ssyncadd.s32 $0xFFFFE800  }
0x59: {  	[spmem:s2] =	stream.indirect.scatter.add.f32 [tilespmem:s18], [sflag:$0x5], $0x30, s25, s17, $0xb8;
	[tilespmem:$0x14000] =	vst v63  }
0x5a: {  	_ =	swait.ge [sflag:s1], $0x1800  }
0x5b: {  	[sflag:s1] =	ssyncset.done $0x0  }
0x5c: {  	s24 =	simm.s32 $0x300;
	[sflag:s1] =	ssyncadd.s32 $0xFFFFE800  }
0x5d: {  	[tilespmem:s22], [sflag:$0x3] =	stream.indirect.gather [hbm4b:s4+s17], $0x30, s24, s17, $0xb8;
	[tilespmem:$0x14000] =	vst v63  }
0x5e: {  	_ =	swait.ge [sflag:s23], $0x1800  }
0x5f: {  	[sflag:s23] =	ssyncset.done $0x0  }
0x60: {  	s25 =	simm.s32 $0x2A80;
	[sflag:s23] =	ssyncadd.s32 $0xFFFFE800  }
0x61: {  	[spmem:s2] =	stream.indirect.scatter.add.f32 [tilespmem:s19], [sflag:$0x6], $0x30, s25, s17, $0xb8;
	[tilespmem:$0x14000] =	vst v63  }
0x62: {  	_ =	swait.ge [sflag:s0], $0x1800  }
0x63: {  	[sflag:s0] =	ssyncset.done $0x0  }
0x64: {  	s21 =	simm.s32 $0x380;
	s25 =	simm.s32 $0x800;
	[sflag:s0] =	ssyncadd.s32 $0xFFFFE800  }
.LBB2_4:
0x65: {  	[tilespmem:s26], [sflag:$0x4] =	stream.indirect.gather [hbm4b:s4+s17], $0x30, s21, s17, $0xb8;
	[tilespmem:$0x14000] =	vst v63  }
0x66: {  	s21 =	smov.u32 s25  }
0x67: {  	p0 =	sne.s32 s25, $0x9000;
	s25 =	sadd.s32 $0x800, s25;
	_ =	swait.ge [sflag:s28], $0x1800  }
0x68: {  	s21 =	sshra.s32 s21, $0x2;
	[sflag:s28] =	ssyncset.done $0x0  }
0x69: {  	s24 =	sadd.s32 $0x2900, s21;
	[sflag:s28] =	ssyncadd.s32 $0xFFFFE800  }
0x6a: {  	[spmem:s2] =	stream.indirect.scatter.add.f32 [tilespmem:s22], [sflag:$0x7], $0x30, s24, s17, $0xb8;
	[tilespmem:$0x14000] =	vst v63  }
0x6b: {  	_ =	swait.ge [sflag:s29], $0x1800  }
0x6c: {  	[sflag:s29] =	ssyncset.done $0x0  }
0x6d: {  	s24 =	sadd.s32 $0x200, s21;
	[sflag:s29] =	ssyncadd.s32 $0xFFFFE800  }
0x6e: {  	[tilespmem:s18], [sflag:$0x1] =	stream.indirect.gather [hbm4b:s4+s17], $0x30, s24, s17, $0xb8;
	[tilespmem:$0x14000] =	vst v63  }
0x6f: {  	_ =	swait.ge [sflag:s30], $0x1800  }
0x70: {  	[sflag:s30] =	ssyncset.done $0x0  }
0x71: {  	s24 =	sadd.s32 $0x2980, s21;
	[sflag:s30] =	ssyncadd.s32 $0xFFFFE800  }
0x72: {  	[spmem:s2] =	stream.indirect.scatter.add.f32 [tilespmem:s26], [sflag:$0x8], $0x30, s24, s17, $0xb8;
	[tilespmem:$0x14000] =	vst v63  }
0x73: {  	_ =	swait.ge [sflag:s31], $0x1800  }
0x74: {  	[sflag:s31] =	ssyncset.done $0x0  }
0x75: {  	s24 =	sadd.s32 $0x280, s21;
	[sflag:s31] =	ssyncadd.s32 $0xFFFFE800  }
0x76: {  	[tilespmem:s19], [sflag:$0x2] =	stream.indirect.gather [hbm4b:s4+s17], $0x30, s24, s17, $0xb8;
	[tilespmem:$0x14000] =	vst v63  }
0x77: {  	_ =	swait.ge [sflag:s20], $0x1800  }
0x78: {  	[sflag:s20] =	ssyncset.done $0x0  }
0x79: {  	s24 =	sadd.s32 $0x2A00, s21;
	[sflag:s20] =	ssyncadd.s32 $0xFFFFE800  }
0x7a: {  	[spmem:s2] =	stream.indirect.scatter.add.f32 [tilespmem:s18], [sflag:$0x5], $0x30, s24, s17, $0xb8;
	[tilespmem:$0x14000] =	vst v63  }
0x7b: {  	_ =	swait.ge [sflag:s1], $0x1800  }
0x7c: {  	[sflag:s1] =	ssyncset.done $0x0  }
0x7d: {  	s24 =	sadd.s32 $0x300, s21;
	[sflag:s1] =	ssyncadd.s32 $0xFFFFE800  }
0x7e: {  	[tilespmem:s22], [sflag:$0x3] =	stream.indirect.gather [hbm4b:s4+s17], $0x30, s24, s17, $0xb8;
	[tilespmem:$0x14000] =	vst v63  }
0x7f: {  	_ =	swait.ge [sflag:s23], $0x1800  }
0x80: {  	[sflag:s23] =	ssyncset.done $0x0  }
.Ltmp1:
0x81: {  	s24 =	sadd.s32 $0x2A80, s21;
	[sflag:s23] =	ssyncadd.s32 $0xFFFFE800;
	(pc) =	sbr.rel @p0 .LBB2_4-.Ltmp1, $4  }
0x82: {  	[spmem:s2] =	stream.indirect.scatter.add.f32 [tilespmem:s19], [sflag:$0x6], $0x30, s24, s17, $0xb8;
	[tilespmem:$0x14000] =	vst v63  }
0x83: {  	_ =	swait.ge [sflag:s0], $0x1800  }
0x84: {  	[sflag:s0] =	ssyncset.done $0x0  }
0x85: {  	s21 =	sadd.s32 $0x380, s21;
	[sflag:s0] =	ssyncadd.s32 $0xFFFFE800  }
0x86: {  	[tilespmem:s26], [sflag:$0x4] =	stream.indirect.gather [hbm4b:s4+s17], $0x30, s21, s17, $0xb8;
	[tilespmem:$0x14000] =	vst v63  }
0x87: {  	_ =	swait.ge [sflag:s28], $0x1800  }
0x88: {  	[sflag:s28] =	ssyncset.done $0x0  }
0x89: {  	s25 =	simm.s32 $0x4F00;
	[sflag:s28] =	ssyncadd.s32 $0xFFFFE800  }
0x8a: {  	[spmem:s2] =	stream.indirect.scatter.add.f32 [tilespmem:s22], [sflag:$0x7], $0x30, s25, s17, $0xb8;
	[tilespmem:$0x14000] =	vst v63  }
0x8b: {  	_ =	swait.ge [sflag:s30], $0x1800  }
0x8c: {  	[sflag:s30] =	ssyncset.done $0x0  }
0x8d: {  	s24 =	simm.s32 $0x4F80;
	[sflag:s30] =	ssyncadd.s32 $0xFFFFE800  }
0x8e: {  	[spmem:s2] =	stream.indirect.scatter.add.f32 [tilespmem:s26], [sflag:$0x8], $0x30, s24, s17, $0xb8;
	[tilespmem:$0x14000] =	vst v63  }
0x8f: {  	_ =	swait.ge [sflag:s29], $0x1800  }
0x90: {  	[sflag:s29] =	ssyncset.done $0x0  }
0x91: {  	[sflag:s29] =	ssyncadd.s32 $0xFFFFE800  }
0x92: {  	_ =	swait.ge [sflag:s31], $0x1800  }
0x93: {  	[sflag:s31] =	ssyncset.done $0x0  }
0x94: {  	[sflag:s31] =	ssyncadd.s32 $0xFFFFE800  }
0x95: {  	_ =	swait.ge [sflag:s1], $0x1800  }
0x96: {  	[sflag:s1] =	ssyncset.done $0x0  }
0x97: {  	[sflag:s1] =	ssyncadd.s32 $0xFFFFE800  }
0x98: {  	s25 =	stileid.u32;
	_ =	swait.ge [sflag:s0], $0x1800  }
0x99: {  	s3 =	sadd.s32 $0x1, s3;
	s21 =	sshll.u32 s25, $0x6;
	[sflag:s0] =	ssyncset.done $0x0  }
0x9a: {  	p0 =	sne.s32 s3, s13;
	s21 =	sor.u32 $0x1C09, s21;
	[sflag:s0] =	ssyncadd.s32 $0xFFFFE800  }
.Ltmp2:
0x9b: {  	s24 =	sshrl.u32 s5, $0x3;
	[bflag:$0x0] =	sbarrier.arrive $0xFFFF;
	(pc) =	sbr.rel @p0 .LBB2_1-.Ltmp2, $4  }
0x9c: {  	[hbm:s12], [sflag:s21] =	dma.local [spmem:s24], $0xF00  }
0x9d: {  	_ =	swait.ge [sflag:s15], $0xF00  }
0x9e: {  	[sflag:s15] =	ssyncset.done $0x0  }
0x9f: {  	[sflag:s15] =	ssyncadd.s32 $0xFFFFF100  }
0xa0: {  	_ =	sfence.sel $0x180000  }
0xa1: {  	[bflag:$0x0] =	sbarrier.arrive $0xFFFF  }
0xa2: {  	_ =	strace $0x9000004D  }
0xa3: {  	s0 =	stileid.u32;
	[bflag:$0x2] =	sbarrier.arrive $0xFFFF  }
0xa4: {  	p0 =	sne.s32 s0, $0x0;
	s0 =	rddreg [dreg:$0x3]  }
0xa5: {  	s0 =	sadd.s32 @!p0 $0x100000, s0  }
0xa6: {  	[sflag:s0] =	ssyncadd.tile.s32 @!p0 $0x1;
	_ =	shalt  }
.Lfunc_end2:
_tile_overlayer_lowered:
.L_overlay_start_2:
0xa7: {  	(tag) =	ssettag $0x2  }
0xa8: {  	s0 =	rddreg [dreg:$0x0];
	s2 =	stileid.u32  }
0xa9: {  	s1 =	rddreg [dreg:$0x1];
	p0 =	sne.s32 s2, $0x0  }
0xaa: {  	s3 =	rddreg [dreg:$0x2];
	[bflag:$0x3] =	sbarrier.arrive $0xFFFF;
	s2 =	simm.s32 @!p0 $0x1C09  }
0xab: {  	[timem:s3], [sflag:s2] =	dma.local @!p0 [hbm:s0], s1  }
0xac: {  	s0 =	simm.s32 @!p0 $0x9  }
0xad: {  	_ =	swait.ge @!p0 [sflag:s0], s1  }
0xae: {  	s1 =	ssub.s32 @!p0 $0x0, s1;
	[sflag:s0] =	ssyncset.done @!p0 $0x0  }
0xaf: {  	[sflag:s0] =	ssyncadd.s32 @!p0 s1  }
0xb0: {  	[bflag:$0x3] =	sbarrier.arrive $0xFFFF  }
0xb1: {  	_ =	shalt  }

// kernel: kernel.8.cloned.1.call-start
scs
__scs_entry_jumppad:
0x0: {  	(pc) =	sbr.rel $0x88, $3  }
0x1: {  	(tag) =	ssettag $0x0;
	lr =	simm.s32 $0x1  }
0x2: {  	[smem:$0x3F9B] =	sst lr;
	_ =	strace $0xD0000000  }
0x3: {  	_ = 	snop  }
0x4: {  	_ = 	snop  }
0x5: {  	_ = 	snop  }
0x6: {  	_ = 	snop  }
0x7: {  	_ = 	snop  }
__scs_overlays_trampoline_lowered:
0x8: {  	[smem:$0x3FAA] =	sst s0  }
0x9: {  	[smem:$0x3FAB] =	sst s1  }
0xa: {  	[smem:$0x3FAC] =	sst s2  }
0xb: {  	[smem:$0x3FAD] =	sst s3  }
0xc: {  	[smem:$0x3FAE] =	sst s4  }
0xd: {  	[smem:$0x3FAF] =	sst s5  }
0xe: {  	[smem:$0x3FB0] =	sst s6  }
0xf: {  	[smem:$0x3FB1] =	sst s7  }
0x10: {  	[smem:$0x3FB2] =	sst s8  }
0x11: {  	[smem:$0x3FB3] =	sst s9;
	s0 =	simm.s32 @!p0 $0x0  }
0x12: {  	s1 =	sld [smem:$0x3F99];
	s0 =	simm.s32 @p0 $0x1  }
0x13: {  	[smem:$0x3FB4] =	sst s0;
	s0 =	simm.s32 @!p1 $0x0  }
0x14: {  	s2 =	sld [smem:$0x3F98];
	s0 =	simm.s32 @p1 $0x1  }
0x15: {  	[smem:$0x3FB5] =	sst s0;
	s0 =	simm.s32 @!p2 $0x0  }
0x16: {  	s3 =	sld [smem:$0x3FDB];
	s0 =	simm.s32 @p2 $0x1  }
0x17: {  	s4 =	simm.s32 $0x1BF5;
	[smem:$0x3FB7] =	sst s0  }
0x18: {  	s0 =	sld [smem:$0x3F9A];
	_ =	swait.ge [sflag:s4], $0x0  }
0x19: {  	s7 =	sld [smem:$0x3F9B]  }
0x1a: {  	s8 =	sadd.s32 $0xFFFFE003, lr  }
0x1b: {  	s9 =	sadd.s32 $0xFFFFFEF7, lr;
	s5 =	simm.s32 $0xFFFFFFFF;
	p2 =	slt.u32 s8, $0xFFFFF086  }
0x1c: {  	p1 =	slt.u32 s9, $0xF7A;
	s5 =	simm.s32 @!p2 $0x0  }
0x1d: {  	s5 =	simm.s32 @p1 $0x1;
	p0 =	seq.s32 s7, s2  }
0x1e: {  	s7 =	smul.u32 @!p0 $0xF7A, s2;
	p2 =	seq.s32 @!p0 s5, $0x0  }
0x1f: {  	s9 =	smul.u32 $0xF7A, s1;
	s8 =	simm.s32 @!p0 $0x1BF5;
	p2 =	por !p2, p0  }
0x20: {  	[sflag:s8] =	ssyncset.s32 @!p0 $0xFFFFF086;
	s6 =	sadd.s32 @!p0 s3, s7;
	s7 =	simm.s32 @!p0 $0x108  }
0x21: {  	s3 =	sadd.s32 s3, s9;
	s6 =	sadd.s32 @!p0 $0x88, s6;
	s7 =	simm.s32 @p2 $0x1082  }
0x22: {  	[simem:s7], [sflag:s8] =	dma.local @!p0 [hbm:s6], $0xF7A  }
0x23: {  	s9 =	sor.u32 $0xD0000000, s2;
	s6 =	simm.s32 $0x108;
	_ =	swait.ge @!p0 [sflag:s8], $0x0  }
0x24: {  	s3 =	sadd.s32 $0x88, s3;
	s6 =	simm.s32 @!p1 $0x1082;
	[sflag:s4] =	ssyncset.s32 $0xFFFFF086  }
0x25: {  	[simem:s6], [sflag:s4] =	dma.local [hbm:s3], $0xF7A  }
0x26: {  	[smem:$0x3F9B] =	sst s1;
	(tag) =	ssettag s2;
	_ =	strace s9  }
0x27: {  	s1 =	sld [smem:$0x3FAB]  }
0x28: {  	s2 =	sld [smem:$0x3FAC]  }
0x29: {  	s4 =	sld [smem:$0x3FAE]  }
0x2a: {  	p0 =	seq.s32 s5, $0x0;
	s5 =	sld [smem:$0x3FAF]  }
0x2b: {  	s6 =	sld [smem:$0x3FB0]  }
0x2c: {  	s7 =	sld [smem:$0x3FB1]  }
0x2d: {  	s3 =	simm.s32 $0x108;
	s8 =	sld [smem:$0x3FB2]  }
0x2e: {  	s3 =	simm.s32 @!p0 $0x1082;
	s9 =	sld [smem:$0x3FB3]  }
0x2f: {  	lr =	sadd.s32 s0, s3;
	s0 =	sld [smem:$0x3FAA]  }
0x30: {  	s3 =	sld [smem:$0x3FAD]  }
0x31: {  	[smem:$0x3FB6] =	sst s10  }
0x32: {  	s10 =	sld [smem:$0x3FB4];
	_ =	sdelay $0x3  }
0x33: {  	p0 =	seq.s32 s10, $0x1;
	s10 =	sld [smem:$0x3FB6];
	_ =	sdelay $0x3  }
0x34: {  	[smem:$0x3FB6] =	sst s10  }
0x35: {  	s10 =	sld [smem:$0x3FB5];
	_ =	sdelay $0x3  }
0x36: {  	p1 =	seq.s32 s10, $0x1;
	s10 =	sld [smem:$0x3FB6];
	_ =	sdelay $0x3  }
0x37: {  	[smem:$0x3FB6] =	sst s10  }
0x38: {  	s10 =	sld [smem:$0x3FB7]  }
0x39: {  	_ = 	snop;
	(pc) =	sbr.ind lr, $3  }
0x3a: {  	_ = 	snop  }
0x3b: {  	_ = 	snop  }
0x3c: {  	p2 =	seq.s32 s10, $0x1;
	s10 =	sld [smem:$0x3FB6]  }
0x3d: {  	_ =	shalt  }
0x3e: {  	_ =	shalt  }
0x3f: {  	_ =	shalt  }
0x40: {  	_ =	shalt  }
0x41: {  	_ =	shalt  }
0x42: {  	_ =	shalt  }
0x43: {  	_ =	shalt  }
0x44: {  	_ =	shalt  }
0x45: {  	_ =	shalt  }
0x46: {  	_ =	shalt  }
0x47: {  	_ =	shalt  }
0x48: {  	_ =	shalt  }
0x49: {  	_ =	shalt  }
0x4a: {  	_ =	shalt  }
0x4b: {  	_ =	shalt  }
0x4c: {  	_ =	shalt  }
0x4d: {  	_ =	shalt  }
0x4e: {  	_ =	shalt  }
0x4f: {  	_ =	shalt  }
0x50: {  	_ =	shalt  }
0x51: {  	_ =	shalt  }
0x52: {  	_ =	shalt  }
0x53: {  	_ =	shalt  }
0x54: {  	_ =	shalt  }
0x55: {  	_ =	shalt  }
0x56: {  	_ =	shalt  }
0x57: {  	_ =	shalt  }
0x58: {  	_ =	shalt  }
0x59: {  	_ =	shalt  }
0x5a: {  	_ =	shalt  }
0x5b: {  	_ =	shalt  }
0x5c: {  	_ =	shalt  }
0x5d: {  	_ =	shalt  }
0x5e: {  	_ =	shalt  }
0x5f: {  	_ =	shalt  }
0x60: {  	_ =	shalt  }
0x61: {  	_ =	shalt  }
0x62: {  	_ =	shalt  }
0x63: {  	_ =	shalt  }
0x64: {  	_ =	shalt  }
0x65: {  	_ =	shalt  }
0x66: {  	_ =	shalt  }
0x67: {  	_ =	shalt  }
0x68: {  	_ =	shalt  }
0x69: {  	_ =	shalt  }
0x6a: {  	_ =	shalt  }
0x6b: {  	_ =	shalt  }
0x6c: {  	_ =	shalt  }
0x6d: {  	_ =	shalt  }
0x6e: {  	_ =	shalt  }
0x6f: {  	_ =	shalt  }
0x70: {  	_ =	shalt  }
0x71: {  	_ =	shalt  }
0x72: {  	_ =	shalt  }
0x73: {  	_ =	shalt  }
0x74: {  	_ =	shalt  }
0x75: {  	_ =	shalt  }
0x76: {  	_ =	shalt  }
0x77: {  	_ =	shalt  }
0x78: {  	_ =	shalt  }
0x79: {  	_ =	shalt  }
0x7a: {  	_ =	shalt  }
0x7b: {  	_ =	shalt  }
0x7c: {  	_ =	shalt  }
0x7d: {  	_ =	shalt  }
0x7e: {  	_ =	shalt  }
0x7f: {  	_ =	shalt  }
0x80: {  	_ =	shalt  }
0x81: {  	_ =	shalt  }
0x82: {  	_ =	shalt  }
0x83: {  	_ =	shalt  }
0x84: {  	_ =	shalt  }
0x85: {  	_ =	shalt  }
0x86: {  	_ =	shalt  }
0x87: {  	_ =	shalt  }
.Lfunc_end0:
.L_simem_size_0:
called_computation_lowered:
.L_overlay_start_0:
0x88: {  	s2 =	sld [smem:$0x3FD9]  }
0x89: {  	s3 =	sld [smem:$0x3FFE];
	_ =	sdelay $0x1  }
0x8a: {  	s1 =	srdreg.scid  }
0x8b: {  	s0 =	sand.u32 $0x1, s1  }
0x8c: {  	s17 =	sshll.u32 s0, $0xA;
	s2 =	sadd.s32 s3, s2  }
0x8d: {  	s2 =	sadd.s32 s2, s17  }
0x8e: {  	[smem:$0x3FC2] =	sst s2  }
0x8f: {  	_ = 	snop  }
0x90: {  	s2 =	sld [smem:$0x3FD0];
	(tm) =	ssettm $0x1  }
0x91: {  	s18 =	sld [smem:$0x3FFB];
	_ =	sdelay $0x3  }
0x92: {  	_ =	strace s18  }
0x93: {  	s3 =	sld [smem:$0x3FFC];
	_ =	sdelay $0x3  }
0x94: {  	_ =	strace s3  }
0x95: {  	s3 =	sld [smem:$0x3FFD];
	_ =	sdelay $0x3  }
0x96: {  	_ =	strace s3  }
0x97: {  	_ =	strace $0x8FFFFFFF  }
0x98: {  	s19 =	sld [smem:$0x3FDB];
	_ =	sdelay $0x1  }
0x99: {  	s4 =	simm.s32 $_scs_section_size  }
0x9a: {  	s5 =	simm.s32 $_size__tile_overlayer_lowered;
	s6 =	simm.s32 $_tile_overlayer_lowered  }
0x9b: {  	s22 =	simm.s32 $0x1BFF;
	s21 =	sshll.u32 s6, $0x1;
	s3 =	sadd.s32 s4, s19  }
0x9c: {  	s7 =	simm.s32 $0x0;
	s20 =	sshll.u32 s5, $0x1;
	s5 =	sadd.s32 s21, s3  }
0x9d: {  	[timem:s7], [sflag:s22] =	dma.local [hbm:s5], s20  }
0x9e: {  	_ =	swait.ge [sflag:s22], s20  }
0x9f: {  	s4 =	ssub.s32 $0x0, s20;
	[sflag:s22] =	ssyncset.done $0x0  }
0xa0: {  	[sflag:s22] =	ssyncadd.s32 s4;
	_ =	sdelay $0x1  }
0xa1: {  	s23 =	simm.s32 $0x1B8B  }
0xa2: {  	_ =	swait.ge [sflag:s23], $0x1  }
0xa3: {  	[sflag:s23] =	ssyncset.done $0x0  }
0xa4: {  	s25 =	simm.s32 $0x1B8E;
	s24 =	sld [smem:$0x3FFE];
	[sflag:s23] =	ssyncadd.s32 $0xFFFFFFFF  }
0xa5: {  	s26 =	simm.s32 $execute0_lowered;
	[smem:$0x3FD2] =	sst s25  }
0xa6: {  	s5 =	sshll.u32 s26, $0x1;
	_ =	strace $0x80000046;
	[dreg:$0x1] =	wrdreg $0xFFFFFFFF  }
0xa7: {  	s28 =	simm.s32 $_size_execute0_lowered;
	s3 =	sadd.s32 s3, s5;
	[dreg:$0x0] =	wrdreg $0x0  }
0xa8: {  	s5 =	sshll.u32 s28, $0x1;
	[dreg:$0x2] =	wrdreg s3  }
0xa9: {  	[dreg:$0x3] =	wrdreg s5  }
0xaa: {  	[dreg:$0x4] =	wrdreg $0xC0  }
0xab: {  	_ =	task [dreg:s7], $0x5FFFF  }
0xac: {  	[dreg:$0x1] =	wrdreg $0xFFFFFFFF  }
0xad: {  	[dreg:$0x0] =	wrdreg $0x60  }
0xae: {  	[dreg:$0x2] =	wrdreg s2  }
0xaf: {  	[dreg:$0x3] =	wrdreg s24  }
0xb0: {  	[dreg:$0x4] =	wrdreg $0x58000  }
0xb1: {  	[dreg:$0x5] =	wrdreg $0x9  }
0xb2: {  	_ =	task.clear_ibuf [dreg:s7], $0x6FFFF;
	_ =	strace $0x90000046  }
0xb3: {  	s29 =	simm.s32 $0x9;
	_ =	strace $0x80000048  }
0xb4: {  	_ =	swait.ge [sflag:s29], $0x1  }
0xb5: {  	[sflag:s29] =	ssyncadd.s32 $0xFFFFFFFF  }
0xb6: {  	_ =	strace $0x90000048  }
0xb7: {  	_ =	sfence  }
0xb8: {  	s30 =	sld [smem:$0x0];
	_ =	sdelay $0x2  }
0xb9: {  	s31 =	sshll.u32 s1, $0xD;
	s1 =	sshrl.u32 s1, $0x2  }
0xba: {  	s3 =	sand.u32 $0x4000, s31;
	s1 =	sadd.s32 s1, s30  }
0xbb: {  	s0 =	sor.u32 s3, s0;
	s1 =	sshll.u32 s1, $0x11  }
0xbc: {  	s0 =	sor.u32 s1, s0  }
0xbd: {  	s0 =	sadd.s32 $0x8F2B, s0  }
0xbe: {  	[sflag:s0] =	ssyncadd.remote.s32 $0x1  }
0xbf: {  	_ =	sfence.sel $0xFFFF  }
0xc0: {  	[dreg:$0x0] =	wrdreg $0xFFFFFFFF;
	(pc) =	sbr.abs _section_cstart, $3  }
0xc1: {  	[dreg:$0x1] =	wrdreg $0xFFFFFFFF  }
0xc2: {  	_ =	task.clear_ibuf [dreg:s7], $0x2FFFF;
	_ =	strace $0x9FFFFFFF  }
0xc3: {  	(tm) =	ssettm $0x7FFFFFFF  }
tec
execute0_lowered:
.L_overlay_start_1:
0x0: {  	(tag) =	ssettag $0x1  }
0x1: {  	s5 =	rddreg [dreg:$0x0]  }
0x2: {  	s4 =	rddreg [dreg:$0x1];
	s1 =	srdreg.scid  }
0x3: {  	s0 =	stileid.u32;
	s2 =	rddreg [dreg:$0x2];
	s3 =	simm.s32 $0x0  }
0x4: {  	s11 =	simm.s32 $0x2800;
	s12 =	simm.s32 $0x1;
	s13 =	simm.s32 $0x2  }
0x5: {  	s14 =	simm.s32 $0x2780;
	s6 =	sand.u32 $0x1, s1;
	s1 =	rddreg [dreg:$0x3]  }
0x6: {  	s17 =	simm.s32 $0x0;
	s7 =	smul.u32 $0x2800, s0;
	[smem:$0x7FF] =	sst s3  }
0x7: {  	s15 =	sshll.u32 s0, $0x6;
	s8 =	smul.u32 $0x28000, s6;
	s9 =	sshll.u32 s6, $0x4  }
0x8: {  	s6 =	ssub.s32 $0x2, s6;
	_ =	strace $0x80000047;
	s9 =	sor.u32 s0, s9  }
0x9: {  	s10 =	sshrl.u32 s6, $0x1;
	s8 =	sadd.s32 s7, s8;
	s9 =	smul.u32 $0x500, s9  }
0xa: {  	s15 =	sor.u32 $0x1C03, s15;
	s10 =	ssub.s32 s6, s10;
	s8 =	sshrl.u32 s8, $0x3  }
0xb: {  	s8 =	sadd.s32 s8, s4;
	s4 =	sadd.s32 s7, s2;
	s5 =	sadd.s32 s5, s9  }
0xc: {  	s7 =	smax.u32 s10, $0x1;
	s9 =	simm.s32 $0x3;
	s10 =	simm.s32 $0x80  }
0xd: {  	v0 =	vimm.f32 $1.000000000e+00;
	v1 =	vimm.f32 $0.0e+00;
	s6 =	sadd.s32 $0x1600, s8;
	s8 =	simm.s32 $0x3000;
	s16 =	sshrl.u32 s4, $0x3  }
.LBB2_1:
0xe: {  	s18 =	simm.s32 $0x0  }
.LBB2_2:
0xf: {  	p0 =	sne.s32 s18, $0x1FC0  }
.Ltmp0:
0x10: {  	_ = 	snop;
	(pc) =	sbr.rel @p0 .LBB2_2-.Ltmp0, $3  }
0x11: {  	_ =	sdelay $0x1  }
0x12: {  	s19 =	sshra.s32 s18, $0x2  }
0x13: {  	s18 =	sadd.s32 $0x40, s18;
	[tilespmem:s19+$0x2800] =	vst v0  }
0x14: {  	s18 =	simm.s32 $0x40;
	s19 =	simm.s32 $0x0  }
.LBB2_4:
0x15: {  	p0 =	sne.s32 s18, $0x9FC0;
	[tilespmem:s19+$0x3000] =	vst v1;
	s19 =	smov.u32 s18;
	s18 =	sadd.s32 $0x40, s18  }
.Ltmp1:
0x16: {  	(pc) =	sbr.rel @p0 .LBB2_4-.Ltmp1, $2  }
0x17: {  	_ =	sdelay $0x2  }
0x18: {  	s19 =	sshra.s32 s19, $0x2  }
0x19: {  	[tilespmem:s19+$0x3000] =	vst v1  }
0x1a: {  	[spmem:s4] =	stream.linear.scatter [tilespmem:s8], [sflag:$0x3], $0x2800, $0x38;
	[tilespmem:$0x8000] =	vst v63  }
0x1b: {  	_ =	swait.ge [sflag:s9], $0x2800  }
0x1c: {  	[sflag:s9] =	ssyncset.done $0x0  }
0x1d: {  	[sflag:s9] =	ssyncadd.s32 $0xFFFFD800  }
0x1e: {  	[tilespmem:s3], [sflag:$0x3] =	stream.linear.gather [hbm4b:s5+s3], $0x2800, $0x38;
	[tilespmem:$0x8000] =	vst v63  }
0x1f: {  	_ =	swait.ge [sflag:s9], $0x2800  }
0x20: {  	[sflag:s9] =	ssyncset.done $0x0  }
0x21: {  	[sflag:s9] =	ssyncadd.s32 $0xFFFFD800  }
0x22: {  	[bflag:$0x0] =	sbarrier.arrive $0xFFFF  }
0x23: {  	[spmem:s2] =	stream.indirect.scatter.add.f32 [tilespmem:s11], [sflag:$0x1], $0x10, s3, s10, $0xb8;
	[tilespmem:$0x8000] =	vst v63  }
0x24: {  	s18 =	simm.s32 $0x80  }
0x25: {  	[spmem:s2] =	stream.indirect.scatter.add.f32 [tilespmem:s11], [sflag:$0x2], $0x10, s18, s10, $0xb8;
	[tilespmem:$0x8000] =	vst v63  }
0x26: {  	_ =	swait.ge [sflag:s12], $0x800  }
0x27: {  	[sflag:s12] =	ssyncset.done $0x0  }
0x28: {  	s31 =	simm.s32 $0x100;
	[sflag:s12] =	ssyncadd.s32 $0xFFFFF800  }
0x29: {  	[spmem:s2] =	stream.indirect.scatter.add.f32 [tilespmem:s11], [sflag:$0x1], $0x10, s31, s10, $0xb8;
	[tilespmem:$0x8000] =	vst v63  }
0x2a: {  	_ =	swait.ge [sflag:s13], $0x800  }
0x2b: {  	s19 =	simm.s32 $0xFFFF6C00;
	s18 =	simm.s32 $0xFFFFDA00;
	[sflag:s13] =	ssyncset.done $0x0  }
.LBB2_6:
0x2c: {  	s20 =	sadd.s32 $0x2780, s18  }
0x2d: {  	[sflag:s13] =	ssyncadd.s32 $0xFFFFF800;
	s21 =	smov.u32 s19;
	s22 =	sadd.s32 $0x400, s19  }
0x2e: {  	[spmem:s2] =	stream.indirect.scatter.add.f32 [tilespmem:s11], [sflag:$0x2], $0x10, s20, s10, $0xb8;
	[tilespmem:$0x8000] =	vst v63  }
0x2f: {  	p0 =	sne.s32 s19, $0xFFFFFC00;
	_ =	swait.ge [sflag:s12], $0x800  }
.Ltmp2:
0x30: {  	[sflag:s12] =	ssyncset.done $0x0;
	(pc) =	sbr.rel @p0 .LBB2_6-.Ltmp2, $4  }
0x31: {  	s18 =	sadd.s32 $0x2800, s18;
	[sflag:s12] =	ssyncadd.s32 $0xFFFFF800  }
0x32: {  	[spmem:s2] =	stream.indirect.scatter.add.f32 [tilespmem:s11], [sflag:$0x1], $0x10, s18, s10, $0xb8;
	[tilespmem:$0x8000] =	vst v63  }
0x33: {  	_ =	swait.ge [sflag:s13], $0x800  }
0x34: {  	s19 =	smov.u32 s22;
	s18 =	sshra.s32 s21, $0x2;
	[sflag:s13] =	ssyncset.done $0x0  }
0x35: {  	s19 =	sadd.s32 $0x2780, s18;
	[sflag:s13] =	ssyncadd.s32 $0xFFFFF800  }
0x36: {  	[spmem:s2] =	stream.indirect.scatter.add.f32 [tilespmem:s11], [sflag:$0x2], $0x10, s19, s10, $0xb8;
	[tilespmem:$0x8000] =	vst v63  }
0x37: {  	_ =	swait.ge [sflag:s12], $0x800  }
0x38: {  	[sflag:s12] =	ssyncset.done $0x0  }
0x39: {  	s31 =	sadd.s32 $0x2800, s18;
	[sflag:s12] =	ssyncadd.s32 $0xFFFFF800  }
0x3a: {  	[spmem:s2] =	stream.indirect.scatter.add.f32 [tilespmem:s11], [sflag:$0x1], $0x10, s31, s10, $0xb8;
	[tilespmem:$0x8000] =	vst v63  }
0x3b: {  	_ =	swait.ge [sflag:s13], $0x800  }
0x3c: {  	[sflag:s13] =	ssyncset.done $0x0  }
0x3d: {  	[sflag:s13] =	ssyncadd.s32 $0xFFFFF800  }
0x3e: {  	[spmem:s2] =	stream.indirect.scatter.add.f32 [tilespmem:s11], [sflag:$0x2], $0x10, s14, s10, $0xb8;
	[tilespmem:$0x8000] =	vst v63  }
0x3f: {  	_ =	swait.ge [sflag:s12], $0x800  }
0x40: {  	[sflag:s12] =	ssyncset.done $0x0  }
0x41: {  	[sflag:s12] =	ssyncadd.s32 $0xFFFFF800  }
0x42: {  	_ =	swait.ge [sflag:s13], $0x800  }
0x43: {  	s17 =	sadd.s32 $0x1, s17;
	[sflag:s13] =	ssyncset.done $0x0  }
0x44: {  	p0 =	sne.s32 s17, s7;
	[sflag:s13] =	ssyncadd.s32 $0xFFFFF800  }
.Ltmp3:
0x45: {  	[bflag:$0x0] =	sbarrier.arrive $0xFFFF;
	(pc) =	sbr.rel @p0 .LBB2_1-.Ltmp3, $4  }
0x46: {  	[hbm:s6], [sflag:s15] =	dma.local [spmem:s16], $0x500  }
0x47: {  	_ =	swait.ge [sflag:s9], $0x500  }
0x48: {  	[sflag:s9] =	ssyncset.done $0x0  }
0x49: {  	[sflag:s9] =	ssyncadd.s32 $0xFFFFFB00  }
0x4a: {  	_ =	sfence.sel $0x180000  }
0x4b: {  	[bflag:$0x0] =	sbarrier.arrive $0xFFFF  }
0x4c: {  	p0 =	sne.s32 s0, $0x0;
	_ =	strace $0x90000047  }
0x4d: {  	s0 =	sadd.s32 @!p0 $0x100000, s1;
	[bflag:$0x2] =	sbarrier.arrive $0xFFFF  }
0x4e: {  	[sflag:s0] =	ssyncadd.tile.s32 @!p0 $0x1;
	_ =	shalt  }
.Lfunc_end2:
_tile_overlayer_lowered:
.L_overlay_start_2:
0x4f: {  	(tag) =	ssettag $0x2  }
0x50: {  	s0 =	rddreg [dreg:$0x0];
	s2 =	stileid.u32  }
0x51: {  	s1 =	rddreg [dreg:$0x1];
	p0 =	sne.s32 s2, $0x0  }
0x52: {  	s3 =	rddreg [dreg:$0x2];
	[bflag:$0x3] =	sbarrier.arrive $0xFFFF;
	s2 =	simm.s32 @!p0 $0x1C03  }
0x53: {  	[timem:s3], [sflag:s2] =	dma.local @!p0 [hbm:s0], s1  }
0x54: {  	s0 =	simm.s32 @!p0 $0x3  }
0x55: {  	_ =	swait.ge @!p0 [sflag:s0], s1  }
0x56: {  	s1 =	ssub.s32 @!p0 $0x0, s1;
	[sflag:s0] =	ssyncset.done @!p0 $0x0  }
0x57: {  	[sflag:s0] =	ssyncadd.s32 @!p0 s1  }
0x58: {  	[bflag:$0x3] =	sbarrier.arrive $0xFFFF  }
0x59: {  	_ =	shalt  }

</sc_bundles>
